<compile_context>
chip_gen: v7x
topology: tpu7x:2x2x1
jax: 0.10.2.dev20260603
libtpu: 0.0.44.dev20260713+nightly
codegen_flags: <defaults>
</compile_context>

<pallas_src>
import functools

import jax
import jax.numpy as jnp
from jax import lax
from jax.experimental import pallas as pl
from jax.experimental.pallas import tpu as pltpu
from jax.experimental.pallas import tpu_sc as plsc

_N = 10000
_E = 320000
_D = 128
_H1 = 128
_H2 = 64
_OUT = 40

_NC = 2
_NS = 16
_NW = _NC * _NS

_CH = 125
_ROWS = _E // (_NW * _CH)
_NP = 10240
_RPT = _NP // _NS
_DEGW = 8

_MESH = plsc.VectorSubcoreMesh(
    core_axis_name="c", subcore_axis_name="s", num_cores=_NC, num_subcores=_NS)



def _deg_body(dst2, ones, zeros, out, didx, onesb, acc, gsem):
    cid = lax.axis_index("c")
    sid = lax.axis_index("s")
    wid = cid * _NS + sid
    r0 = sid * _RPT
    pltpu.sync_copy(zeros, acc.at[pl.ds(r0, _RPT)])
    pltpu.sync_copy(ones, onesb)
    pltpu.sync_copy(dst2.at[pl.ds(wid * _ROWS, _ROWS)], didx)
    plsc.subcore_barrier()

    def body(i, carry):
        pltpu.sync_copy(onesb, acc.at[didx.at[i]], add=True)
        return carry

    lax.fori_loop(0, _ROWS, body, 0)
    plsc.subcore_barrier()
    pltpu.sync_copy(acc.at[pl.ds(r0, _RPT)], out.at[pl.ds(cid * _NP + r0, _RPT)])


_deg_call = functools.partial(
    pl.kernel,
    out_type=jax.ShapeDtypeStruct((2 * _NP, _DEGW), jnp.float32),
    mesh=_MESH,
    compiler_params=pltpu.CompilerParams(use_tc_tiling_on_sc=False),
    scratch_types=[
        pltpu.VMEM((_ROWS, _CH), jnp.int32),
        pltpu.VMEM((_CH, _DEGW), jnp.float32),
        pltpu.VMEM_SHARED((_NP, _DEGW), jnp.float32),
        pltpu.SemaphoreType.DMA,
    ],
)(_deg_body)


_Q = 16
_NQ = _ROWS // _Q


def _make_agg(width, tiled=True):
    def _agg_body(table, src2, dst2, zeros, out, sidxb, didxb, rows, acc,
                  gsem0, gsem1, ssem0, ssem1):
        cid = lax.axis_index("c")
        sid = lax.axis_index("s")
        wid = cid * _NS + sid
        r0 = sid * _RPT
        base = wid * _ROWS
        pltpu.sync_copy(zeros, acc.at[pl.ds(r0, _RPT)])
        pltpu.sync_copy(src2.at[pl.ds(base, _Q)], sidxb.at[0])
        pltpu.sync_copy(dst2.at[pl.ds(base, _Q)], didxb.at[0])
        plsc.subcore_barrier()

        def sidx(c):
            return sidxb.at[(c // _Q) % 2, c % _Q]

        def didx(c):
            return didxb.at[(c // _Q) % 2, c % _Q]

        gsem = (gsem0, gsem1)
        ssem = (ssem0, ssem1)

        def wait_g(b):
            pltpu.make_async_copy(
                table.at[sidx(0)], rows.at[b], gsem[b]).wait()

        def wait_s(b):
            pltpu.make_async_copy(
                rows.at[b], acc.at[didx(0)], ssem[b]).wait()

        def issue_g(c, b):
            pltpu.async_copy(table.at[sidx(c)], rows.at[b], gsem[b])

        def issue_s(c, b):
            pltpu.async_copy(rows.at[b], acc.at[didx(c)], ssem[b], add=True)

        issue_g(0, 0)
        wait_g(0)
        issue_s(0, 0)
        issue_g(1, 1)

        def body(j, carry):
            qn = (2 * j + 2) // _Q

            @pl.when((j % (_Q // 2) == _Q // 2 - 1) & (qn < _NQ))
            def _():
                off = base + qn * _Q
                pltpu.sync_copy(src2.at[pl.ds(off, _Q)], sidxb.at[qn % 2])
                pltpu.sync_copy(dst2.at[pl.ds(off, _Q)], didxb.at[qn % 2])

            wait_g(1)
            issue_s(2 * j + 1, 1)
            wait_s(0)
            issue_g(2 * j + 2, 0)
            wait_g(0)
            issue_s(2 * j + 2, 0)
            wait_s(1)

            @pl.when(j < _ROWS // 2 - 2)
            def _():
                issue_g(2 * j + 3, 1)

            return carry

        lax.fori_loop(0, _ROWS // 2 - 1, body, 0)
        issue_g(_ROWS - 1, 1)
        wait_g(1)
        issue_s(_ROWS - 1, 1)
        wait_s(0)
        wait_s(1)
        plsc.subcore_barrier()
        pltpu.sync_copy(acc.at[pl.ds(r0, _RPT)],
                        out.at[pl.ds(cid * _NP + r0, _RPT)])

    return functools.partial(
        pl.kernel,
        out_type=jax.ShapeDtypeStruct((2 * _NP, width), jnp.float32),
        mesh=_MESH,
        compiler_params=None if tiled else pltpu.CompilerParams(
            use_tc_tiling_on_sc=False),
        scratch_types=[
            pltpu.VMEM((2, _Q, _CH), jnp.int32),
            pltpu.VMEM((2, _Q, _CH), jnp.int32),
            pltpu.VMEM((2, _CH, width), jnp.float32),
            pltpu.VMEM_SHARED((_NP, width), jnp.float32),
            pltpu.SemaphoreType.DMA,
            pltpu.SemaphoreType.DMA,
            pltpu.SemaphoreType.DMA,
            pltpu.SemaphoreType.DMA,
        ],
    )(_agg_body)


_agg128 = _make_agg(_D)
_agg64 = _make_agg(_H2, tiled=False)



_BLK = 2000
_GRID = _N // _BLK


def _se_body(x_ref, uw, ub, f1w, f1b, f2w, f2b, w1, d0, d1,
             w_out, t1_out, dinv_out):
    x = x_ref[...]
    h = jnp.dot(x, uw[...], preferred_element_type=jnp.float32) + ub[...]
    t = jnp.maximum(
        jnp.dot(h, f1w[...], preferred_element_type=jnp.float32) + f1b[...], 0.0)
    wgt = jax.nn.sigmoid(
        jnp.dot(t, f2w[...], preferred_element_type=jnp.float32) + f2b[...])
    deg = d0[...][:, 0:1] + d1[...][:, 0:1] + 1.0
    dinv = lax.rsqrt(deg)
    w_out[...] = wgt
    t1_out[...] = jnp.dot(h * wgt * dinv, w1[...],
                          preferred_element_type=jnp.float32)
    dinv_out[...] = dinv


def _mid_body(a0, a1, t1, dinv_ref, b1, w2, t2_out):
    dinv = dinv_ref[...]
    h1 = jnp.maximum(dinv * (a0[...] + a1[...] + t1[...]) + b1[...], 0.0)
    t2_out[...] = dinv * jnp.dot(h1, w2[...],
                                 preferred_element_type=jnp.float32)


def _out_body(a0, a1, t2, dinv_ref, b2, fcw, fcb, lp_out):
    dinv = dinv_ref[...]
    h2 = jnp.maximum(dinv * (a0[...] + a1[...] + t2[...]) + b2[...], 0.0)
    logits = jnp.dot(h2, fcw[...], preferred_element_type=jnp.float32) + fcb[...]
    m = jnp.max(logits, axis=1, keepdims=True)
    s = logits - m
    lp_out[...] = s - jnp.log(jnp.sum(jnp.exp(s), axis=1, keepdims=True))


def _row_spec(w):
    return pl.BlockSpec((_BLK, w), lambda i: (i, 0))


def _full_spec(r, c):
    return pl.BlockSpec((r, c), lambda i: (0, 0))


_se_call = pl.pallas_call(
    _se_body,
    grid=(_GRID,),
    in_specs=[
        _row_spec(_D), _full_spec(_D, _D), _full_spec(1, _D),
        _full_spec(_D, _D // 4), _full_spec(1, _D // 4),
        _full_spec(_D // 4, _D), _full_spec(1, _D),
        _full_spec(_D, _H1), _row_spec(_DEGW), _row_spec(_DEGW),
    ],
    out_specs=[_row_spec(_D), _row_spec(_H1), _row_spec(1)],
    out_shape=[
        jax.ShapeDtypeStruct((_N, _D), jnp.float32),
        jax.ShapeDtypeStruct((_N, _H1), jnp.float32),
        jax.ShapeDtypeStruct((_N, 1), jnp.float32),
    ],
)

_mid_call = pl.pallas_call(
    _mid_body,
    grid=(_GRID,),
    in_specs=[
        _row_spec(_H1), _row_spec(_H1), _row_spec(_H1), _row_spec(1),
        _full_spec(1, _H1), _full_spec(_H1, _H2),
    ],
    out_specs=[_row_spec(_H2)],
    out_shape=[jax.ShapeDtypeStruct((_N, _H2), jnp.float32)],
)

_out_call = pl.pallas_call(
    _out_body,
    grid=(_GRID,),
    in_specs=[
        _row_spec(_H2), _row_spec(_H2), _row_spec(_H2), _row_spec(1),
        _full_spec(1, _H2), _full_spec(_H2, _OUT), _full_spec(1, _OUT),
    ],
    out_specs=[_row_spec(_OUT)],
    out_shape=[jax.ShapeDtypeStruct((_N, _OUT), jnp.float32)],
)



def kernel(x, edge_index, U_W, U_b, fc1_W, fc1_b, fc2_W, fc2_b,
           W1, b1, W2, b2, fc_W, fc_b):
    src2 = edge_index[0].astype(jnp.int32).reshape(_E // _CH, _CH)
    dst2 = edge_index[1].astype(jnp.int32).reshape(_E // _CH, _CH)

    ones_p = jnp.ones((_CH, _DEGW), jnp.float32)
    zeros_deg = jnp.zeros((_RPT, _DEGW), jnp.float32)
    zeros128 = jnp.zeros((_RPT, _D), jnp.float32)
    zeros64 = jnp.zeros((_RPT, _H2), jnp.float32)

    degp = _deg_call(dst2, ones_p, zeros_deg)
    w, t1, dinv = _se_call(
        x, U_W, U_b.reshape(1, _D), fc1_W, fc1_b.reshape(1, _D // 4),
        fc2_W, fc2_b.reshape(1, _D), W1, degp[:_N], degp[_NP:_NP + _N])
    agg1 = _agg128(t1, src2, dst2, zeros128)
    (t2,) = _mid_call(agg1[:_N], agg1[_NP:_NP + _N], t1, dinv,
                      b1.reshape(1, _H1), W2)
    agg2 = _agg64(t2, src2, dst2, zeros64)
    (logp,) = _out_call(agg2[:_N], agg2[_NP:_NP + _N], t2, dinv,
                        b2.reshape(1, _H2), fc_W, fc_b.reshape(1, _OUT))
    return (logp, w)

# --- scband reference (transcript-rebuilt; emitter-appended) ---
"""Pipeline reference for scband-ss-gcn-63797444215684 (READ-ONLY COPY).

The authoritative reference and input builder live on the scoring server;
editing this copy changes nothing except your own understanding.
"""

import jax, jax.numpy as jnp
import numpy as np

N = 10000
E = 320000
D = 128
H1 = 128
H2 = 64
OUT = 40
RED = 4


def _glorot(k, shape):
    lim = np.sqrt(6.0 / (shape[0] + shape[1]))
    return jax.random.uniform(k, shape, jnp.float32, -lim, lim)


def setup_inputs(seed: int = 0) -> dict:
    key = jax.random.key(seed)
    ks = jax.random.split(key, 10)
    return {
        "x": jax.random.normal(ks[0], (N, D), jnp.float32),
        "edge_index": jax.random.randint(ks[1], (2, E), 0, N, jnp.int32).astype(jnp.int64),
        "U_W": _glorot(ks[2], (D, D)),
        "U_b": jnp.zeros((D,), jnp.float32),
        "fc1_W": _glorot(ks[3], (D, D // RED)),
        "fc1_b": jnp.zeros((D // RED,), jnp.float32),
        "fc2_W": _glorot(ks[4], (D // RED, D)),
        "fc2_b": jnp.zeros((D,), jnp.float32),
        "W1": _glorot(ks[5], (D, H1)),
        "b1": jnp.zeros((H1,), jnp.float32),
        "W2": _glorot(ks[6], (H1, H2)),
        "b2": jnp.zeros((H2,), jnp.float32),
        "fc_W": _glorot(ks[7], (H2, OUT)),
        "fc_b": jnp.zeros((OUT,), jnp.float32),
    }


def _gcn_conv(x, src, dst, W, b, n):
    # PyG GCNConv: D^{-1/2} (A + I) D^{-1/2} X W + b (self-loops already in src/dst)
    h = x @ W
    deg = jnp.zeros((n,), x.dtype).at[dst].add(1.0)
    dinv = jnp.where(deg > 0, 1.0 / jnp.sqrt(jnp.maximum(deg, 1e-12)), 0.0)
    norm = dinv[src] * dinv[dst]
    msg = h[src] * norm[:, None]
    out = jnp.zeros((n, W.shape[1]), x.dtype).at[dst].add(msg)
    return out + b


def reference(x, edge_index, U_W, U_b, fc1_W, fc1_b, fc2_W, fc2_b, W1, b1, W2, b2, fc_W, fc_b):
    n = x.shape[0]
    loop = jnp.arange(n, dtype=edge_index.dtype)
    src = jnp.concatenate([edge_index[0], loop])
    dst = jnp.concatenate([edge_index[1], loop])
    # SELayer
    h = x @ U_W + U_b
    w = jax.nn.sigmoid(jax.nn.relu(h @ fc1_W + fc1_b) @ fc2_W + fc2_b)
    h = h * w
    # GCN layers (dropout is identity in eval mode)
    h = jax.nn.relu(_gcn_conv(h, src, dst, W1, b1, n))
    h = _gcn_conv(h, src, dst, W2, b2, n)
    h = jax.nn.relu(h)
    h = h @ fc_W + fc_b
    logp = jax.nn.log_softmax(h, axis=1)
    return (logp, w)

if __name__ == "__main__":
    import jax
    _d = setup_inputs()
    print(jax.jit(kernel)(*tuple(_d.values())))

</pallas_src>

<mosaic_0001>
#map = affine_map<(d0, d1) -> (0, 0)>
module attributes {stable_mosaic.version = 14 : i64} {
  func.func @_agg_body(%arg0: i32, %arg1: i32, %arg2: memref<10000x128xf32, #tpu.memory_space<hbm>>, %arg3: memref<2560x125xi32, #tpu.memory_space<hbm>>, %arg4: memref<2560x125xi32, #tpu.memory_space<hbm>>, %arg5: memref<640x128xf32, #tpu.memory_space<hbm>>, %arg6: memref<20480x128xf32, #tpu.memory_space<hbm>>, %arg7: memref<2x16x125xi32, #tpu.memory_space<vmem>>, %arg8: memref<2x16x125xi32, #tpu.memory_space<vmem>>, %arg9: memref<2x125x128xf32, #tpu.memory_space<vmem>>, %arg10: memref<10240x128xf32, #tpu.memory_space<vmem_shared>>, %arg11: memref<!tpu.dma_semaphore, #tpu.memory_space<semaphore_mem>>, %arg12: memref<!tpu.dma_semaphore, #tpu.memory_space<semaphore_mem>>, %arg13: memref<!tpu.dma_semaphore, #tpu.memory_space<semaphore_mem>>, %arg14: memref<!tpu.dma_semaphore, #tpu.memory_space<semaphore_mem>>) attributes {dimension_semantics = [#tpu.dimension_semantics<core_parallel>, #tpu.dimension_semantics<subcore_parallel>], iteration_bounds = array<i64: 2, 16>, scalar_prefetch = 0 : i64, scratch_operands = 8 : i64, tpu.core_type = #tpu.core_type<sc_vector_subcore>, window_params = [{transform_indices = #map}, {transform_indices = #map}, {transform_indices = #map}, {transform_indices = #map}, {transform_indices = #map}]} {
    %mul3A = arith.constant 16 : i32
    %mul3A_0 = arith.muli %arg0, %mul3A : i32
    %add3A = arith.addi %mul3A_0, %arg1 : i32
    %mul3A_1 = arith.constant 640 : i32
    %mul3A_2 = arith.muli %arg1, %mul3A_1 : i32
    %mul3A_3 = arith.constant 80 : i32
    %mul3A_4 = arith.muli %add3A, %mul3A_3 : i32
    "tpu.region"() ({
      %run_scoped3A_130 = tpu.sem_alloc : memref<!tpu.dma_semaphore, #tpu.memory_space<semaphore_mem>>
      %dma_start3A_131 = arith.constant 0 : i32
      %dma_start3A_132 = tpu.memref_slice %arg10[%mul3A_2, %dma_start3A_131] : memref<10240x128xf32, #tpu.memory_space<vmem_shared>> -> memref<640x128xf32, #tpu.memory_space<vmem_shared>>
      tpu.enqueue_dma source(%arg5 : memref<640x128xf32, #tpu.memory_space<hbm>>) target(%dma_start3A_132 : memref<640x128xf32, #tpu.memory_space<vmem_shared>>) target_semaphore(%run_scoped3A_130 : memref<!tpu.dma_semaphore, #tpu.memory_space<semaphore_mem>>)
      %dma_wait3A_133 = arith.constant 0 : i32
      %dma_wait3A_134 = tpu.memref_slice %arg10[%mul3A_2, %dma_wait3A_133] : memref<10240x128xf32, #tpu.memory_space<vmem_shared>> -> memref<640x128xf32, #tpu.memory_space<vmem_shared>>
      tpu.wait_dma2 semaphore(%run_scoped3A_130 : memref<!tpu.dma_semaphore, #tpu.memory_space<semaphore_mem>>) src(%arg5 : memref<640x128xf32, #tpu.memory_space<hbm>>) dst(%dma_wait3A_134 : memref<640x128xf32, #tpu.memory_space<vmem_shared>>)
      tpu.yield
    }) : () -> ()
    %run_scoped3A = arith.constant 0 : i32
    "tpu.region"() ({
      %run_scoped3A_130 = tpu.sem_alloc : memref<!tpu.dma_semaphore, #tpu.memory_space<semaphore_mem>>
      %dma_start3A_131 = arith.constant 0 : i32
      %dma_start3A_132 = arith.constant 0 : i32
      %dma_start3A_133 = tpu.memref_slice %arg7[%run_scoped3A, %dma_start3A_131, %dma_start3A_132] : memref<2x16x125xi32, #tpu.memory_space<vmem>> -> memref<1x16x125xi32, #tpu.memory_space<vmem>>
      %dma_start3A_134 = tpu.memref_squeeze %dma_start3A_133 : memref<1x16x125xi32, #tpu.memory_space<vmem>> -> memref<16x125xi32, #tpu.memory_space<vmem>>
      %dma_start3A_135 = arith.constant 0 : i32
      %dma_start3A_136 = tpu.memref_slice %arg3[%mul3A_4, %dma_start3A_135] : memref<2560x125xi32, #tpu.memory_space<hbm>> -> memref<16x125xi32, #tpu.memory_space<hbm>>
      %dma_start3A_137 = arith.constant 0 : i32
      %dma_start3A_138 = arith.constant 0 : i32
      %dma_start3A_139 = tpu.memref_slice %arg7[%run_scoped3A, %dma_start3A_137, %dma_start3A_138] : memref<2x16x125xi32, #tpu.memory_space<vmem>> -> memref<1x16x125xi32, #tpu.memory_space<vmem>>
      %dma_start3A_140 = tpu.memref_squeeze %dma_start3A_139 : memref<1x16x125xi32, #tpu.memory_space<vmem>> -> memref<16x125xi32, #tpu.memory_space<vmem>>
      %dma_start3A_141 = arith.constant 0 : i32
      %dma_start3A_142 = tpu.memref_slice %arg3[%mul3A_4, %dma_start3A_141] : memref<2560x125xi32, #tpu.memory_space<hbm>> -> memref<16x125xi32, #tpu.memory_space<hbm>>
      tpu.enqueue_dma source(%dma_start3A_142 : memref<16x125xi32, #tpu.memory_space<hbm>>) target(%dma_start3A_140 : memref<16x125xi32, #tpu.memory_space<vmem>>) target_semaphore(%run_scoped3A_130 : memref<!tpu.dma_semaphore, #tpu.memory_space<semaphore_mem>>)
      %dma_wait3A_143 = arith.constant 0 : i32
      %dma_wait3A_144 = arith.constant 0 : i32
      %dma_wait3A_145 = tpu.memref_slice %arg7[%run_scoped3A, %dma_wait3A_143, %dma_wait3A_144] : memref<2x16x125xi32, #tpu.memory_space<vmem>> -> memref<1x16x125xi32, #tpu.memory_space<vmem>>
      %dma_wait3A_146 = tpu.memref_squeeze %dma_wait3A_145 : memref<1x16x125xi32, #tpu.memory_space<vmem>> -> memref<16x125xi32, #tpu.memory_space<vmem>>
      %dma_wait3A_147 = arith.constant 0 : i32
      %dma_wait3A_148 = tpu.memref_slice %arg3[%mul3A_4, %dma_wait3A_147] : memref<2560x125xi32, #tpu.memory_space<hbm>> -> memref<16x125xi32, #tpu.memory_space<hbm>>
      %dma_wait3A_149 = arith.constant 0 : i32
      %dma_wait3A_150 = arith.constant 0 : i32
      %dma_wait3A_151 = tpu.memref_slice %arg7[%run_scoped3A, %dma_wait3A_149, %dma_wait3A_150] : memref<2x16x125xi32, #tpu.memory_space<vmem>> -> memref<1x16x125xi32, #tpu.memory_space<vmem>>
      %dma_wait3A_152 = tpu.memref_squeeze %dma_wait3A_151 : memref<1x16x125xi32, #tpu.memory_space<vmem>> -> memref<16x125xi32, #tpu.memory_space<vmem>>
      %dma_wait3A_153 = arith.constant 0 : i32
      %dma_wait3A_154 = tpu.memref_slice %arg3[%mul3A_4, %dma_wait3A_153] : memref<2560x125xi32, #tpu.memory_space<hbm>> -> memref<16x125xi32, #tpu.memory_space<hbm>>
      tpu.wait_dma2 semaphore(%run_scoped3A_130 : memref<!tpu.dma_semaphore, #tpu.memory_space<semaphore_mem>>) src(%dma_wait3A_154 : memref<16x125xi32, #tpu.memory_space<hbm>>) dst(%dma_wait3A_152 : memref<16x125xi32, #tpu.memory_space<vmem>>)
      tpu.yield
    }) : () -> ()
    %run_scoped3A_5 = arith.constant 0 : i32
    "tpu.region"() ({
      %run_scoped3A_130 = tpu.sem_alloc : memref<!tpu.dma_semaphore, #tpu.memory_space<semaphore_mem>>
      %dma_start3A_131 = arith.constant 0 : i32
      %dma_start3A_132 = arith.constant 0 : i32
      %dma_start3A_133 = tpu.memref_slice %arg8[%run_scoped3A_5, %dma_start3A_131, %dma_start3A_132] : memref<2x16x125xi32, #tpu.memory_space<vmem>> -> memref<1x16x125xi32, #tpu.memory_space<vmem>>
      %dma_start3A_134 = tpu.memref_squeeze %dma_start3A_133 : memref<1x16x125xi32, #tpu.memory_space<vmem>> -> memref<16x125xi32, #tpu.memory_space<vmem>>
      %dma_start3A_135 = arith.constant 0 : i32
      %dma_start3A_136 = tpu.memref_slice %arg4[%mul3A_4, %dma_start3A_135] : memref<2560x125xi32, #tpu.memory_space<hbm>> -> memref<16x125xi32, #tpu.memory_space<hbm>>
      %dma_start3A_137 = arith.constant 0 : i32
      %dma_start3A_138 = arith.constant 0 : i32
      %dma_start3A_139 = tpu.memref_slice %arg8[%run_scoped3A_5, %dma_start3A_137, %dma_start3A_138] : memref<2x16x125xi32, #tpu.memory_space<vmem>> -> memref<1x16x125xi32, #tpu.memory_space<vmem>>
      %dma_start3A_140 = tpu.memref_squeeze %dma_start3A_139 : memref<1x16x125xi32, #tpu.memory_space<vmem>> -> memref<16x125xi32, #tpu.memory_space<vmem>>
      %dma_start3A_141 = arith.constant 0 : i32
      %dma_start3A_142 = tpu.memref_slice %arg4[%mul3A_4, %dma_start3A_141] : memref<2560x125xi32, #tpu.memory_space<hbm>> -> memref<16x125xi32, #tpu.memory_space<hbm>>
      tpu.enqueue_dma source(%dma_start3A_142 : memref<16x125xi32, #tpu.memory_space<hbm>>) target(%dma_start3A_140 : memref<16x125xi32, #tpu.memory_space<vmem>>) target_semaphore(%run_scoped3A_130 : memref<!tpu.dma_semaphore, #tpu.memory_space<semaphore_mem>>)
      %dma_wait3A_143 = arith.constant 0 : i32
      %dma_wait3A_144 = arith.constant 0 : i32
      %dma_wait3A_145 = tpu.memref_slice %arg8[%run_scoped3A_5, %dma_wait3A_143, %dma_wait3A_144] : memref<2x16x125xi32, #tpu.memory_space<vmem>> -> memref<1x16x125xi32, #tpu.memory_space<vmem>>
      %dma_wait3A_146 = tpu.memref_squeeze %dma_wait3A_145 : memref<1x16x125xi32, #tpu.memory_space<vmem>> -> memref<16x125xi32, #tpu.memory_space<vmem>>
      %dma_wait3A_147 = arith.constant 0 : i32
      %dma_wait3A_148 = tpu.memref_slice %arg4[%mul3A_4, %dma_wait3A_147] : memref<2560x125xi32, #tpu.memory_space<hbm>> -> memref<16x125xi32, #tpu.memory_space<hbm>>
      %dma_wait3A_149 = arith.constant 0 : i32
      %dma_wait3A_150 = arith.constant 0 : i32
      %dma_wait3A_151 = tpu.memref_slice %arg8[%run_scoped3A_5, %dma_wait3A_149, %dma_wait3A_150] : memref<2x16x125xi32, #tpu.memory_space<vmem>> -> memref<1x16x125xi32, #tpu.memory_space<vmem>>
      %dma_wait3A_152 = tpu.memref_squeeze %dma_wait3A_151 : memref<1x16x125xi32, #tpu.memory_space<vmem>> -> memref<16x125xi32, #tpu.memory_space<vmem>>
      %dma_wait3A_153 = arith.constant 0 : i32
      %dma_wait3A_154 = tpu.memref_slice %arg4[%mul3A_4, %dma_wait3A_153] : memref<2560x125xi32, #tpu.memory_space<hbm>> -> memref<16x125xi32, #tpu.memory_space<hbm>>
      tpu.wait_dma2 semaphore(%run_scoped3A_130 : memref<!tpu.dma_semaphore, #tpu.memory_space<semaphore_mem>>) src(%dma_wait3A_154 : memref<16x125xi32, #tpu.memory_space<hbm>>) dst(%dma_wait3A_152 : memref<16x125xi32, #tpu.memory_space<vmem>>)
      tpu.yield
    }) : () -> ()
    %barrier3A = arith.constant 0 : index
    tpu.barrier barrier_id(%barrier3A)
    %dma_start3A = arith.constant 0 : i32
    %dma_start3A_6 = arith.constant 0 : i32
    %dma_start3A_7 = arith.constant 0 : i32
    %dma_start3A_8 = arith.constant 0 : i32
    %dma_start3A_9 = arith.constant 0 : i32
    %dma_start3A_10 = tpu.memref_slice %arg9[%dma_start3A_7, %dma_start3A_8, %dma_start3A_9] : memref<2x125x128xf32, #tpu.memory_space<vmem>> -> memref<1x125x128xf32, #tpu.memory_space<vmem>>
    %dma_start3A_11 = tpu.memref_squeeze %dma_start3A_10 : memref<1x125x128xf32, #tpu.memory_space<vmem>> -> memref<125x128xf32, #tpu.memory_space<vmem>>
    %dma_start3A_12 = arith.constant 0 : i32
    %dma_start3A_13 = tpu.memref_slice %arg7[%dma_start3A, %dma_start3A_6, %dma_start3A_12] : memref<2x16x125xi32, #tpu.memory_space<vmem>> -> memref<1x1x125xi32, #tpu.memory_space<vmem>>
    %dma_start3A_14 = tpu.memref_squeeze %dma_start3A_13 : memref<1x1x125xi32, #tpu.memory_space<vmem>> -> memref<125xi32, #tpu.memory_space<vmem>>
    %dma_start3A_15 = arith.constant 0 : i32
    %dma_start3A_16 = arith.constant 0 : i32
    %dma_start3A_17 = tpu.memref_slice %arg2[%dma_start3A_15, %dma_start3A_16] : memref<10000x128xf32, #tpu.memory_space<hbm>> -> memref<10000x128xf32, #tpu.memory_space<hbm>>
    tpu.enqueue_indirect_dma source(%dma_start3A_17 : memref<10000x128xf32, #tpu.memory_space<hbm>>) target(%dma_start3A_11 : memref<125x128xf32, #tpu.memory_space<vmem>>) offsets(%dma_start3A_14 : memref<125xi32, #tpu.memory_space<vmem>>) semaphore(%arg11 : memref<!tpu.dma_semaphore, #tpu.memory_space<semaphore_mem>>)
    %dma_wait3A = arith.constant 0 : i32
    %dma_wait3A_18 = arith.constant 0 : i32
    %dma_wait3A_19 = arith.constant 0 : i32
    %dma_wait3A_20 = arith.constant 0 : i32
    %dma_wait3A_21 = arith.constant 0 : i32
    %dma_wait3A_22 = tpu.memref_slice %arg9[%dma_wait3A_19, %dma_wait3A_20, %dma_wait3A_21] : memref<2x125x128xf32, #tpu.memory_space<vmem>> -> memref<1x125x128xf32, #tpu.memory_space<vmem>>
    %dma_wait3A_23 = tpu.memref_squeeze %dma_wait3A_22 : memref<1x125x128xf32, #tpu.memory_space<vmem>> -> memref<125x128xf32, #tpu.memory_space<vmem>>
    %dma_wait3A_24 = arith.constant 0 : i32
    %dma_wait3A_25 = tpu.memref_slice %arg7[%dma_wait3A, %dma_wait3A_18, %dma_wait3A_24] : memref<2x16x125xi32, #tpu.memory_space<vmem>> -> memref<1x1x125xi32, #tpu.memory_space<vmem>>
    %dma_wait3A_26 = tpu.memref_squeeze %dma_wait3A_25 : memref<1x1x125xi32, #tpu.memory_space<vmem>> -> memref<125xi32, #tpu.memory_space<vmem>>
    %dma_wait3A_27 = arith.constant 0 : i32
    %dma_wait3A_28 = arith.constant 0 : i32
    %dma_wait3A_29 = tpu.memref_slice %arg2[%dma_wait3A_27, %dma_wait3A_28] : memref<10000x128xf32, #tpu.memory_space<hbm>> -> memref<10000x128xf32, #tpu.memory_space<hbm>>
    tpu.wait_indirect_dma semaphore(%arg11 : memref<!tpu.dma_semaphore, #tpu.memory_space<semaphore_mem>>) src(%dma_wait3A_29 : memref<10000x128xf32, #tpu.memory_space<hbm>>) dst(%dma_wait3A_23 : memref<125x128xf32, #tpu.memory_space<vmem>>)
    %dma_start3A_30 = arith.constant 0 : i32
    %dma_start3A_31 = arith.constant 0 : i32
    %dma_start3A_32 = arith.constant 0 : i32
    %dma_start3A_33 = arith.constant 0 : i32
    %dma_start3A_34 = arith.constant 0 : i32
    %dma_start3A_35 = tpu.memref_slice %arg9[%dma_start3A_30, %dma_start3A_33, %dma_start3A_34] : memref<2x125x128xf32, #tpu.memory_space<vmem>> -> memref<1x125x128xf32, #tpu.memory_space<vmem>>
    %dma_start3A_36 = tpu.memref_squeeze %dma_start3A_35 : memref<1x125x128xf32, #tpu.memory_space<vmem>> -> memref<125x128xf32, #tpu.memory_space<vmem>>
    %dma_start3A_37 = arith.constant 0 : i32
    %dma_start3A_38 = tpu.memref_slice %arg8[%dma_start3A_31, %dma_start3A_32, %dma_start3A_37] : memref<2x16x125xi32, #tpu.memory_space<vmem>> -> memref<1x1x125xi32, #tpu.memory_space<vmem>>
    %dma_start3A_39 = tpu.memref_squeeze %dma_start3A_38 : memref<1x1x125xi32, #tpu.memory_space<vmem>> -> memref<125xi32, #tpu.memory_space<vmem>>
    %dma_start3A_40 = arith.constant 0 : i32
    %dma_start3A_41 = arith.constant 0 : i32
    %dma_start3A_42 = tpu.memref_slice %arg10[%dma_start3A_40, %dma_start3A_41] : memref<10240x128xf32, #tpu.memory_space<vmem_shared>> -> memref<10240x128xf32, #tpu.memory_space<vmem_shared>>
    tpu.enqueue_indirect_dma source(%dma_start3A_36 : memref<125x128xf32, #tpu.memory_space<vmem>>) target(%dma_start3A_42 : memref<10240x128xf32, #tpu.memory_space<vmem_shared>>) offsets(%dma_start3A_39 : memref<125xi32, #tpu.memory_space<vmem>>) semaphore(%arg13 : memref<!tpu.dma_semaphore, #tpu.memory_space<semaphore_mem>>) {add = true}
    %dma_start3A_43 = arith.constant 0 : i32
    %dma_start3A_44 = arith.constant 1 : i32
    %dma_start3A_45 = arith.constant 1 : i32
    %dma_start3A_46 = arith.constant 0 : i32
    %dma_start3A_47 = arith.constant 0 : i32
    %dma_start3A_48 = tpu.memref_slice %arg9[%dma_start3A_45, %dma_start3A_46, %dma_start3A_47] : memref<2x125x128xf32, #tpu.memory_space<vmem>> -> memref<1x125x128xf32, #tpu.memory_space<vmem>>
    %dma_start3A_49 = tpu.memref_squeeze %dma_start3A_48 : memref<1x125x128xf32, #tpu.memory_space<vmem>> -> memref<125x128xf32, #tpu.memory_space<vmem>>
    %dma_start3A_50 = arith.constant 0 : i32
    %dma_start3A_51 = tpu.memref_slice %arg7[%dma_start3A_43, %dma_start3A_44, %dma_start3A_50] : memref<2x16x125xi32, #tpu.memory_space<vmem>> -> memref<1x1x125xi32, #tpu.memory_space<vmem>>
    %dma_start3A_52 = tpu.memref_squeeze %dma_start3A_51 : memref<1x1x125xi32, #tpu.memory_space<vmem>> -> memref<125xi32, #tpu.memory_space<vmem>>
    %dma_start3A_53 = arith.constant 0 : i32
    %dma_start3A_54 = arith.constant 0 : i32
    %dma_start3A_55 = tpu.memref_slice %arg2[%dma_start3A_53, %dma_start3A_54] : memref<10000x128xf32, #tpu.memory_space<hbm>> -> memref<10000x128xf32, #tpu.memory_space<hbm>>
    tpu.enqueue_indirect_dma source(%dma_start3A_55 : memref<10000x128xf32, #tpu.memory_space<hbm>>) target(%dma_start3A_49 : memref<125x128xf32, #tpu.memory_space<vmem>>) offsets(%dma_start3A_52 : memref<125xi32, #tpu.memory_space<vmem>>) semaphore(%arg12 : memref<!tpu.dma_semaphore, #tpu.memory_space<semaphore_mem>>)
    %scan3A = arith.constant 0 : i32
    %scan3A_56 = arith.constant 0 : i32
    %scan3A_57 = arith.constant 39 : i32
    %scan3A_58 = arith.addi %scan3A_56, %scan3A_57 : i32
    %scan3A_59 = arith.constant 1 : i32
    scf.for %scan3A_130 = %scan3A_56 to %scan3A_58 step %scan3A_59  : i32 {
      %mul3A_131 = arith.constant 2 : i32
      %mul3A_132 = arith.muli %mul3A_131, %scan3A_130 : i32
      %add3A_133 = arith.constant 2 : i32
      %add3A_134 = arith.addi %mul3A_132, %add3A_133 : i32
      %jit3A = arith.constant 16 : i32
      %div3A = arith.divsi %add3A_134, %jit3A : i32
      %sign3A = arith.constant 0 : i32
      %sign3A_135 = arith.cmpi sgt, %add3A_134, %sign3A : i32
      %sign3A_136 = arith.extui %sign3A_135 : i1 to i32
      %sign3A_137 = arith.constant 0 : i32
      %sign3A_138 = arith.cmpi slt, %add3A_134, %sign3A_137 : i32
      %sign3A_139 = arith.extui %sign3A_138 : i1 to i32
      %sign3A_140 = arith.subi %sign3A_136, %sign3A_139 : i32
      %sign3A_141 = arith.constant 0 : i32
      %sign3A_142 = arith.cmpi sgt, %jit3A, %sign3A_141 : i32
      %sign3A_143 = arith.extui %sign3A_142 : i1 to i32
      %sign3A_144 = arith.constant 0 : i32
      %sign3A_145 = arith.cmpi slt, %jit3A, %sign3A_144 : i32
      %sign3A_146 = arith.extui %sign3A_145 : i1 to i32
      %sign3A_147 = arith.subi %sign3A_143, %sign3A_146 : i32
      %ne3A = arith.cmpi ne, %sign3A_140, %sign3A_147 : i32
      %rem3A = arith.remsi %add3A_134, %jit3A : i32
      %ne3A_148 = arith.constant 0 : i32
      %ne3A_149 = arith.cmpi ne, %rem3A, %ne3A_148 : i32
      %and3A = arith.andi %ne3A, %ne3A_149 : i1
      %sub3A = arith.constant 1 : i32
      %sub3A_150 = arith.subi %div3A, %sub3A : i32
      %select_n3A = arith.select %and3A, %sub3A_150, %div3A : i32
      %jit3A_151 = arith.constant 8 : i32
      %eq3A = arith.constant 0 : i32
      %eq3A_152 = arith.cmpi eq, %jit3A_151, %eq3A : i32
      %jit3A_153 = arith.constant 1 : i32
      %select_n3A_154 = arith.select %eq3A_152, %jit3A_153, %jit3A_151 : i32
      %rem3A_155 = arith.remsi %scan3A_130, %select_n3A_154 : i32
      %ne3A_156 = arith.constant 0 : i32
      %ne3A_157 = arith.cmpi ne, %rem3A_155, %ne3A_156 : i32
      %lt3A = arith.constant 0 : i32
      %lt3A_158 = arith.cmpi slt, %rem3A_155, %lt3A : i32
      %lt3A_159 = arith.constant 0 : i32
      %lt3A_160 = arith.cmpi slt, %select_n3A_154, %lt3A_159 : i32
      %ne3A_161 = arith.xori %lt3A_158, %lt3A_160 : i1
      %and3A_162 = arith.andi %ne3A_161, %ne3A_157 : i1
      %add3A_163 = arith.addi %rem3A_155, %select_n3A_154 : i32
      %select_n3A_164 = arith.select %and3A_162, %add3A_163, %rem3A_155 : i32
      %eq3A_165 = arith.constant 7 : i32
      %eq3A_166 = arith.cmpi eq, %select_n3A_164, %eq3A_165 : i32
      %lt3A_167 = arith.constant 5 : i32
      %lt3A_168 = arith.cmpi slt, %select_n3A, %lt3A_167 : i32
      %and3A_169 = arith.andi %eq3A_166, %lt3A_168 : i1
      %convert_element_type3A = arith.extui %and3A_169 : i1 to i32
      %cond3A = arith.constant 0 : i32
      %cond3A_170 = arith.cmpi ne, %convert_element_type3A, %cond3A : i32
      scf.if %cond3A_170 {
        %mul3A_441 = arith.constant 16 : i32
        %mul3A_442 = arith.muli %select_n3A, %mul3A_441 : i32
        %add3A_443 = arith.addi %mul3A_4, %mul3A_442 : i32
        %jit3A_444 = arith.constant 2 : i32
        %eq3A_445 = arith.constant 0 : i32
        %eq3A_446 = arith.cmpi eq, %jit3A_444, %eq3A_445 : i32
        %jit3A_447 = arith.constant 1 : i32
        %select_n3A_448 = arith.select %eq3A_446, %jit3A_447, %jit3A_444 : i32
        %rem3A_449 = arith.remsi %select_n3A, %select_n3A_448 : i32
        %ne3A_450 = arith.constant 0 : i32
        %ne3A_451 = arith.cmpi ne, %rem3A_449, %ne3A_450 : i32
        %lt3A_452 = arith.constant 0 : i32
        %lt3A_453 = arith.cmpi slt, %rem3A_449, %lt3A_452 : i32
        %lt3A_454 = arith.constant 0 : i32
        %lt3A_455 = arith.cmpi slt, %select_n3A_448, %lt3A_454 : i32
        %ne3A_456 = arith.xori %lt3A_453, %lt3A_455 : i1
        %and3A_457 = arith.andi %ne3A_456, %ne3A_451 : i1
        %add3A_458 = arith.addi %rem3A_449, %select_n3A_448 : i32
        %select_n3A_459 = arith.select %and3A_457, %add3A_458, %rem3A_449 : i32
        "tpu.region"() ({
          %run_scoped3A_476 = tpu.sem_alloc : memref<!tpu.dma_semaphore, #tpu.memory_space<semaphore_mem>>
          %dma_start3A_477 = arith.constant 0 : i32
          %dma_start3A_478 = arith.constant 0 : i32
          %dma_start3A_479 = tpu.memref_slice %arg7[%select_n3A_459, %dma_start3A_477, %dma_start3A_478] : memref<2x16x125xi32, #tpu.memory_space<vmem>> -> memref<1x16x125xi32, #tpu.memory_space<vmem>>
          %dma_start3A_480 = tpu.memref_squeeze %dma_start3A_479 : memref<1x16x125xi32, #tpu.memory_space<vmem>> -> memref<16x125xi32, #tpu.memory_space<vmem>>
          %dma_start3A_481 = arith.constant 0 : i32
          %dma_start3A_482 = tpu.memref_slice %arg3[%add3A_443, %dma_start3A_481] : memref<2560x125xi32, #tpu.memory_space<hbm>> -> memref<16x125xi32, #tpu.memory_space<hbm>>
          %dma_start3A_483 = arith.constant 0 : i32
          %dma_start3A_484 = arith.constant 0 : i32
          %dma_start3A_485 = tpu.memref_slice %arg7[%select_n3A_459, %dma_start3A_483, %dma_start3A_484] : memref<2x16x125xi32, #tpu.memory_space<vmem>> -> memref<1x16x125xi32, #tpu.memory_space<vmem>>
          %dma_start3A_486 = tpu.memref_squeeze %dma_start3A_485 : memref<1x16x125xi32, #tpu.memory_space<vmem>> -> memref<16x125xi32, #tpu.memory_space<vmem>>
          %dma_start3A_487 = arith.constant 0 : i32
          %dma_start3A_488 = tpu.memref_slice %arg3[%add3A_443, %dma_start3A_487] : memref<2560x125xi32, #tpu.memory_space<hbm>> -> memref<16x125xi32, #tpu.memory_space<hbm>>
          tpu.enqueue_dma source(%dma_start3A_488 : memref<16x125xi32, #tpu.memory_space<hbm>>) target(%dma_start3A_486 : memref<16x125xi32, #tpu.memory_space<vmem>>) target_semaphore(%run_scoped3A_476 : memref<!tpu.dma_semaphore, #tpu.memory_space<semaphore_mem>>)
          %dma_wait3A_489 = arith.constant 0 : i32
          %dma_wait3A_490 = arith.constant 0 : i32
          %dma_wait3A_491 = tpu.memref_slice %arg7[%select_n3A_459, %dma_wait3A_489, %dma_wait3A_490] : memref<2x16x125xi32, #tpu.memory_space<vmem>> -> memref<1x16x125xi32, #tpu.memory_space<vmem>>
          %dma_wait3A_492 = tpu.memref_squeeze %dma_wait3A_491 : memref<1x16x125xi32, #tpu.memory_space<vmem>> -> memref<16x125xi32, #tpu.memory_space<vmem>>
          %dma_wait3A_493 = arith.constant 0 : i32
          %dma_wait3A_494 = tpu.memref_slice %arg3[%add3A_443, %dma_wait3A_493] : memref<2560x125xi32, #tpu.memory_space<hbm>> -> memref<16x125xi32, #tpu.memory_space<hbm>>
          %dma_wait3A_495 = arith.constant 0 : i32
          %dma_wait3A_496 = arith.constant 0 : i32
          %dma_wait3A_497 = tpu.memref_slice %arg7[%select_n3A_459, %dma_wait3A_495, %dma_wait3A_496] : memref<2x16x125xi32, #tpu.memory_space<vmem>> -> memref<1x16x125xi32, #tpu.memory_space<vmem>>
          %dma_wait3A_498 = tpu.memref_squeeze %dma_wait3A_497 : memref<1x16x125xi32, #tpu.memory_space<vmem>> -> memref<16x125xi32, #tpu.memory_space<vmem>>
          %dma_wait3A_499 = arith.constant 0 : i32
          %dma_wait3A_500 = tpu.memref_slice %arg3[%add3A_443, %dma_wait3A_499] : memref<2560x125xi32, #tpu.memory_space<hbm>> -> memref<16x125xi32, #tpu.memory_space<hbm>>
          tpu.wait_dma2 semaphore(%run_scoped3A_476 : memref<!tpu.dma_semaphore, #tpu.memory_space<semaphore_mem>>) src(%dma_wait3A_500 : memref<16x125xi32, #tpu.memory_space<hbm>>) dst(%dma_wait3A_498 : memref<16x125xi32, #tpu.memory_space<vmem>>)
          tpu.yield
        }) : () -> ()
        %jit3A_460 = arith.constant 2 : i32
        %eq3A_461 = arith.constant 0 : i32
        %eq3A_462 = arith.cmpi eq, %jit3A_460, %eq3A_461 : i32
        %jit3A_463 = arith.constant 1 : i32
        %select_n3A_464 = arith.select %eq3A_462, %jit3A_463, %jit3A_460 : i32
        %rem3A_465 = arith.remsi %select_n3A, %select_n3A_464 : i32
        %ne3A_466 = arith.constant 0 : i32
        %ne3A_467 = arith.cmpi ne, %rem3A_465, %ne3A_466 : i32
        %lt3A_468 = arith.constant 0 : i32
        %lt3A_469 = arith.cmpi slt, %rem3A_465, %lt3A_468 : i32
        %lt3A_470 = arith.constant 0 : i32
        %lt3A_471 = arith.cmpi slt, %select_n3A_464, %lt3A_470 : i32
        %ne3A_472 = arith.xori %lt3A_469, %lt3A_471 : i1
        %and3A_473 = arith.andi %ne3A_472, %ne3A_467 : i1
        %add3A_474 = arith.addi %rem3A_465, %select_n3A_464 : i32
        %select_n3A_475 = arith.select %and3A_473, %add3A_474, %rem3A_465 : i32
        "tpu.region"() ({
          %run_scoped3A_476 = tpu.sem_alloc : memref<!tpu.dma_semaphore, #tpu.memory_space<semaphore_mem>>
          %dma_start3A_477 = arith.constant 0 : i32
          %dma_start3A_478 = arith.constant 0 : i32
          %dma_start3A_479 = tpu.memref_slice %arg8[%select_n3A_475, %dma_start3A_477, %dma_start3A_478] : memref<2x16x125xi32, #tpu.memory_space<vmem>> -> memref<1x16x125xi32, #tpu.memory_space<vmem>>
          %dma_start3A_480 = tpu.memref_squeeze %dma_start3A_479 : memref<1x16x125xi32, #tpu.memory_space<vmem>> -> memref<16x125xi32, #tpu.memory_space<vmem>>
          %dma_start3A_481 = arith.constant 0 : i32
          %dma_start3A_482 = tpu.memref_slice %arg4[%add3A_443, %dma_start3A_481] : memref<2560x125xi32, #tpu.memory_space<hbm>> -> memref<16x125xi32, #tpu.memory_space<hbm>>
          %dma_start3A_483 = arith.constant 0 : i32
          %dma_start3A_484 = arith.constant 0 : i32
          %dma_start3A_485 = tpu.memref_slice %arg8[%select_n3A_475, %dma_start3A_483, %dma_start3A_484] : memref<2x16x125xi32, #tpu.memory_space<vmem>> -> memref<1x16x125xi32, #tpu.memory_space<vmem>>
          %dma_start3A_486 = tpu.memref_squeeze %dma_start3A_485 : memref<1x16x125xi32, #tpu.memory_space<vmem>> -> memref<16x125xi32, #tpu.memory_space<vmem>>
          %dma_start3A_487 = arith.constant 0 : i32
          %dma_start3A_488 = tpu.memref_slice %arg4[%add3A_443, %dma_start3A_487] : memref<2560x125xi32, #tpu.memory_space<hbm>> -> memref<16x125xi32, #tpu.memory_space<hbm>>
          tpu.enqueue_dma source(%dma_start3A_488 : memref<16x125xi32, #tpu.memory_space<hbm>>) target(%dma_start3A_486 : memref<16x125xi32, #tpu.memory_space<vmem>>) target_semaphore(%run_scoped3A_476 : memref<!tpu.dma_semaphore, #tpu.memory_space<semaphore_mem>>)
          %dma_wait3A_489 = arith.constant 0 : i32
          %dma_wait3A_490 = arith.constant 0 : i32
          %dma_wait3A_491 = tpu.memref_slice %arg8[%select_n3A_475, %dma_wait3A_489, %dma_wait3A_490] : memref<2x16x125xi32, #tpu.memory_space<vmem>> -> memref<1x16x125xi32, #tpu.memory_space<vmem>>
          %dma_wait3A_492 = tpu.memref_squeeze %dma_wait3A_491 : memref<1x16x125xi32, #tpu.memory_space<vmem>> -> memref<16x125xi32, #tpu.memory_space<vmem>>
          %dma_wait3A_493 = arith.constant 0 : i32
          %dma_wait3A_494 = tpu.memref_slice %arg4[%add3A_443, %dma_wait3A_493] : memref<2560x125xi32, #tpu.memory_space<hbm>> -> memref<16x125xi32, #tpu.memory_space<hbm>>
          %dma_wait3A_495 = arith.constant 0 : i32
          %dma_wait3A_496 = arith.constant 0 : i32
          %dma_wait3A_497 = tpu.memref_slice %arg8[%select_n3A_475, %dma_wait3A_495, %dma_wait3A_496] : memref<2x16x125xi32, #tpu.memory_space<vmem>> -> memref<1x16x125xi32, #tpu.memory_space<vmem>>
          %dma_wait3A_498 = tpu.memref_squeeze %dma_wait3A_497 : memref<1x16x125xi32, #tpu.memory_space<vmem>> -> memref<16x125xi32, #tpu.memory_space<vmem>>
          %dma_wait3A_499 = arith.constant 0 : i32
          %dma_wait3A_500 = tpu.memref_slice %arg4[%add3A_443, %dma_wait3A_499] : memref<2560x125xi32, #tpu.memory_space<hbm>> -> memref<16x125xi32, #tpu.memory_space<hbm>>
          tpu.wait_dma2 semaphore(%run_scoped3A_476 : memref<!tpu.dma_semaphore, #tpu.memory_space<semaphore_mem>>) src(%dma_wait3A_500 : memref<16x125xi32, #tpu.memory_space<hbm>>) dst(%dma_wait3A_498 : memref<16x125xi32, #tpu.memory_space<vmem>>)
          tpu.yield
        }) : () -> ()
      } else {
      }
      %dma_wait3A_171 = arith.constant 0 : i32
      %dma_wait3A_172 = arith.constant 0 : i32
      %dma_wait3A_173 = arith.constant 1 : i32
      %dma_wait3A_174 = arith.constant 0 : i32
      %dma_wait3A_175 = arith.constant 0 : i32
      %dma_wait3A_176 = tpu.memref_slice %arg9[%dma_wait3A_173, %dma_wait3A_174, %dma_wait3A_175] : memref<2x125x128xf32, #tpu.memory_space<vmem>> -> memref<1x125x128xf32, #tpu.memory_space<vmem>>
      %dma_wait3A_177 = tpu.memref_squeeze %dma_wait3A_176 : memref<1x125x128xf32, #tpu.memory_space<vmem>> -> memref<125x128xf32, #tpu.memory_space<vmem>>
      %dma_wait3A_178 = arith.constant 0 : i32
      %dma_wait3A_179 = tpu.memref_slice %arg7[%dma_wait3A_171, %dma_wait3A_172, %dma_wait3A_178] : memref<2x16x125xi32, #tpu.memory_space<vmem>> -> memref<1x1x125xi32, #tpu.memory_space<vmem>>
      %dma_wait3A_180 = tpu.memref_squeeze %dma_wait3A_179 : memref<1x1x125xi32, #tpu.memory_space<vmem>> -> memref<125xi32, #tpu.memory_space<vmem>>
      %dma_wait3A_181 = arith.constant 0 : i32
      %dma_wait3A_182 = arith.constant 0 : i32
      %dma_wait3A_183 = tpu.memref_slice %arg2[%dma_wait3A_181, %dma_wait3A_182] : memref<10000x128xf32, #tpu.memory_space<hbm>> -> memref<10000x128xf32, #tpu.memory_space<hbm>>
      tpu.wait_indirect_dma semaphore(%arg12 : memref<!tpu.dma_semaphore, #tpu.memory_space<semaphore_mem>>) src(%dma_wait3A_183 : memref<10000x128xf32, #tpu.memory_space<hbm>>) dst(%dma_wait3A_177 : memref<125x128xf32, #tpu.memory_space<vmem>>)
      %mul3A_184 = arith.constant 2 : i32
      %mul3A_185 = arith.muli %mul3A_184, %scan3A_130 : i32
      %add3A_186 = arith.constant 1 : i32
      %add3A_187 = arith.addi %mul3A_185, %add3A_186 : i32
      %jit3A_188 = arith.constant 16 : i32
      %div3A_189 = arith.divsi %add3A_187, %jit3A_188 : i32
      %sign3A_190 = arith.constant 0 : i32
      %sign3A_191 = arith.cmpi sgt, %add3A_187, %sign3A_190 : i32
      %sign3A_192 = arith.extui %sign3A_191 : i1 to i32
      %sign3A_193 = arith.constant 0 : i32
      %sign3A_194 = arith.cmpi slt, %add3A_187, %sign3A_193 : i32
      %sign3A_195 = arith.extui %sign3A_194 : i1 to i32
      %sign3A_196 = arith.subi %sign3A_192, %sign3A_195 : i32
      %sign3A_197 = arith.constant 0 : i32
      %sign3A_198 = arith.cmpi sgt, %jit3A_188, %sign3A_197 : i32
      %sign3A_199 = arith.extui %sign3A_198 : i1 to i32
      %sign3A_200 = arith.constant 0 : i32
      %sign3A_201 = arith.cmpi slt, %jit3A_188, %sign3A_200 : i32
      %sign3A_202 = arith.extui %sign3A_201 : i1 to i32
      %sign3A_203 = arith.subi %sign3A_199, %sign3A_202 : i32
      %ne3A_204 = arith.cmpi ne, %sign3A_196, %sign3A_203 : i32
      %rem3A_205 = arith.remsi %add3A_187, %jit3A_188 : i32
      %ne3A_206 = arith.constant 0 : i32
      %ne3A_207 = arith.cmpi ne, %rem3A_205, %ne3A_206 : i32
      %and3A_208 = arith.andi %ne3A_204, %ne3A_207 : i1
      %sub3A_209 = arith.constant 1 : i32
      %sub3A_210 = arith.subi %div3A_189, %sub3A_209 : i32
      %select_n3A_211 = arith.select %and3A_208, %sub3A_210, %div3A_189 : i32
      %jit3A_212 = arith.constant 2 : i32
      %eq3A_213 = arith.constant 0 : i32
      %eq3A_214 = arith.cmpi eq, %jit3A_212, %eq3A_213 : i32
      %jit3A_215 = arith.constant 1 : i32
      %select_n3A_216 = arith.select %eq3A_214, %jit3A_215, %jit3A_212 : i32
      %rem3A_217 = arith.remsi %select_n3A_211, %select_n3A_216 : i32
      %ne3A_218 = arith.constant 0 : i32
      %ne3A_219 = arith.cmpi ne, %rem3A_217, %ne3A_218 : i32
      %lt3A_220 = arith.constant 0 : i32
      %lt3A_221 = arith.cmpi slt, %rem3A_217, %lt3A_220 : i32
      %lt3A_222 = arith.constant 0 : i32
      %lt3A_223 = arith.cmpi slt, %select_n3A_216, %lt3A_222 : i32
      %ne3A_224 = arith.xori %lt3A_221, %lt3A_223 : i1
      %and3A_225 = arith.andi %ne3A_224, %ne3A_219 : i1
      %add3A_226 = arith.addi %rem3A_217, %select_n3A_216 : i32
      %select_n3A_227 = arith.select %and3A_225, %add3A_226, %rem3A_217 : i32
      %jit3A_228 = arith.constant 16 : i32
      %eq3A_229 = arith.constant 0 : i32
      %eq3A_230 = arith.cmpi eq, %jit3A_228, %eq3A_229 : i32
      %jit3A_231 = arith.constant 1 : i32
      %select_n3A_232 = arith.select %eq3A_230, %jit3A_231, %jit3A_228 : i32
      %rem3A_233 = arith.remsi %add3A_187, %select_n3A_232 : i32
      %ne3A_234 = arith.constant 0 : i32
      %ne3A_235 = arith.cmpi ne, %rem3A_233, %ne3A_234 : i32
      %lt3A_236 = arith.constant 0 : i32
      %lt3A_237 = arith.cmpi slt, %rem3A_233, %lt3A_236 : i32
      %lt3A_238 = arith.constant 0 : i32
      %lt3A_239 = arith.cmpi slt, %select_n3A_232, %lt3A_238 : i32
      %ne3A_240 = arith.xori %lt3A_237, %lt3A_239 : i1
      %and3A_241 = arith.andi %ne3A_240, %ne3A_235 : i1
      %add3A_242 = arith.addi %rem3A_233, %select_n3A_232 : i32
      %select_n3A_243 = arith.select %and3A_241, %add3A_242, %rem3A_233 : i32
      %dma_start3A_244 = arith.constant 1 : i32
      %dma_start3A_245 = arith.constant 0 : i32
      %dma_start3A_246 = arith.constant 0 : i32
      %dma_start3A_247 = tpu.memref_slice %arg9[%dma_start3A_244, %dma_start3A_245, %dma_start3A_246] : memref<2x125x128xf32, #tpu.memory_space<vmem>> -> memref<1x125x128xf32, #tpu.memory_space<vmem>>
      %dma_start3A_248 = tpu.memref_squeeze %dma_start3A_247 : memref<1x125x128xf32, #tpu.memory_space<vmem>> -> memref<125x128xf32, #tpu.memory_space<vmem>>
      %dma_start3A_249 = arith.constant 0 : i32
      %dma_start3A_250 = tpu.memref_slice %arg8[%select_n3A_227, %select_n3A_243, %dma_start3A_249] : memref<2x16x125xi32, #tpu.memory_space<vmem>> -> memref<1x1x125xi32, #tpu.memory_space<vmem>>
      %dma_start3A_251 = tpu.memref_squeeze %dma_start3A_250 : memref<1x1x125xi32, #tpu.memory_space<vmem>> -> memref<125xi32, #tpu.memory_space<vmem>>
      %dma_start3A_252 = arith.constant 0 : i32
      %dma_start3A_253 = arith.constant 0 : i32
      %dma_start3A_254 = tpu.memref_slice %arg10[%dma_start3A_252, %dma_start3A_253] : memref<10240x128xf32, #tpu.memory_space<vmem_shared>> -> memref<10240x128xf32, #tpu.memory_space<vmem_shared>>
      tpu.enqueue_indirect_dma source(%dma_start3A_248 : memref<125x128xf32, #tpu.memory_space<vmem>>) target(%dma_start3A_254 : memref<10240x128xf32, #tpu.memory_space<vmem_shared>>) offsets(%dma_start3A_251 : memref<125xi32, #tpu.memory_space<vmem>>) semaphore(%arg14 : memref<!tpu.dma_semaphore, #tpu.memory_space<semaphore_mem>>) {add = true}
      %dma_wait3A_255 = arith.constant 0 : i32
      %dma_wait3A_256 = arith.constant 0 : i32
      %dma_wait3A_257 = arith.constant 0 : i32
      %dma_wait3A_258 = arith.constant 0 : i32
      %dma_wait3A_259 = arith.constant 0 : i32
      %dma_wait3A_260 = tpu.memref_slice %arg9[%dma_wait3A_255, %dma_wait3A_258, %dma_wait3A_259] : memref<2x125x128xf32, #tpu.memory_space<vmem>> -> memref<1x125x128xf32, #tpu.memory_space<vmem>>
      %dma_wait3A_261 = tpu.memref_squeeze %dma_wait3A_260 : memref<1x125x128xf32, #tpu.memory_space<vmem>> -> memref<125x128xf32, #tpu.memory_space<vmem>>
      %dma_wait3A_262 = arith.constant 0 : i32
      %dma_wait3A_263 = tpu.memref_slice %arg8[%dma_wait3A_256, %dma_wait3A_257, %dma_wait3A_262] : memref<2x16x125xi32, #tpu.memory_space<vmem>> -> memref<1x1x125xi32, #tpu.memory_space<vmem>>
      %dma_wait3A_264 = tpu.memref_squeeze %dma_wait3A_263 : memref<1x1x125xi32, #tpu.memory_space<vmem>> -> memref<125xi32, #tpu.memory_space<vmem>>
      %dma_wait3A_265 = arith.constant 0 : i32
      %dma_wait3A_266 = arith.constant 0 : i32
      %dma_wait3A_267 = tpu.memref_slice %arg10[%dma_wait3A_265, %dma_wait3A_266] : memref<10240x128xf32, #tpu.memory_space<vmem_shared>> -> memref<10240x128xf32, #tpu.memory_space<vmem_shared>>
      tpu.wait_indirect_dma semaphore(%arg13 : memref<!tpu.dma_semaphore, #tpu.memory_space<semaphore_mem>>) src(%dma_wait3A_261 : memref<125x128xf32, #tpu.memory_space<vmem>>) dst(%dma_wait3A_267 : memref<10240x128xf32, #tpu.memory_space<vmem_shared>>)
      %mul3A_268 = arith.constant 2 : i32
      %mul3A_269 = arith.muli %mul3A_268, %scan3A_130 : i32
      %add3A_270 = arith.constant 2 : i32
      %add3A_271 = arith.addi %mul3A_269, %add3A_270 : i32
      %jit3A_272 = arith.constant 16 : i32
      %div3A_273 = arith.divsi %add3A_271, %jit3A_272 : i32
      %sign3A_274 = arith.constant 0 : i32
      %sign3A_275 = arith.cmpi sgt, %add3A_271, %sign3A_274 : i32
      %sign3A_276 = arith.extui %sign3A_275 : i1 to i32
      %sign3A_277 = arith.constant 0 : i32
      %sign3A_278 = arith.cmpi slt, %add3A_271, %sign3A_277 : i32
      %sign3A_279 = arith.extui %sign3A_278 : i1 to i32
      %sign3A_280 = arith.subi %sign3A_276, %sign3A_279 : i32
      %sign3A_281 = arith.constant 0 : i32
      %sign3A_282 = arith.cmpi sgt, %jit3A_272, %sign3A_281 : i32
      %sign3A_283 = arith.extui %sign3A_282 : i1 to i32
      %sign3A_284 = arith.constant 0 : i32
      %sign3A_285 = arith.cmpi slt, %jit3A_272, %sign3A_284 : i32
      %sign3A_286 = arith.extui %sign3A_285 : i1 to i32
      %sign3A_287 = arith.subi %sign3A_283, %sign3A_286 : i32
      %ne3A_288 = arith.cmpi ne, %sign3A_280, %sign3A_287 : i32
      %rem3A_289 = arith.remsi %add3A_271, %jit3A_272 : i32
      %ne3A_290 = arith.constant 0 : i32
      %ne3A_291 = arith.cmpi ne, %rem3A_289, %ne3A_290 : i32
      %and3A_292 = arith.andi %ne3A_288, %ne3A_291 : i1
      %sub3A_293 = arith.constant 1 : i32
      %sub3A_294 = arith.subi %div3A_273, %sub3A_293 : i32
      %select_n3A_295 = arith.select %and3A_292, %sub3A_294, %div3A_273 : i32
      %jit3A_296 = arith.constant 2 : i32
      %eq3A_297 = arith.constant 0 : i32
      %eq3A_298 = arith.cmpi eq, %jit3A_296, %eq3A_297 : i32
      %jit3A_299 = arith.constant 1 : i32
      %select_n3A_300 = arith.select %eq3A_298, %jit3A_299, %jit3A_296 : i32
      %rem3A_301 = arith.remsi %select_n3A_295, %select_n3A_300 : i32
      %ne3A_302 = arith.constant 0 : i32
      %ne3A_303 = arith.cmpi ne, %rem3A_301, %ne3A_302 : i32
      %lt3A_304 = arith.constant 0 : i32
      %lt3A_305 = arith.cmpi slt, %rem3A_301, %lt3A_304 : i32
      %lt3A_306 = arith.constant 0 : i32
      %lt3A_307 = arith.cmpi slt, %select_n3A_300, %lt3A_306 : i32
      %ne3A_308 = arith.xori %lt3A_305, %lt3A_307 : i1
      %and3A_309 = arith.andi %ne3A_308, %ne3A_303 : i1
      %add3A_310 = arith.addi %rem3A_301, %select_n3A_300 : i32
      %select_n3A_311 = arith.select %and3A_309, %add3A_310, %rem3A_301 : i32
      %jit3A_312 = arith.constant 16 : i32
      %eq3A_313 = arith.constant 0 : i32
      %eq3A_314 = arith.cmpi eq, %jit3A_312, %eq3A_313 : i32
      %jit3A_315 = arith.constant 1 : i32
      %select_n3A_316 = arith.select %eq3A_314, %jit3A_315, %jit3A_312 : i32
      %rem3A_317 = arith.remsi %add3A_271, %select_n3A_316 : i32
      %ne3A_318 = arith.constant 0 : i32
      %ne3A_319 = arith.cmpi ne, %rem3A_317, %ne3A_318 : i32
      %lt3A_320 = arith.constant 0 : i32
      %lt3A_321 = arith.cmpi slt, %rem3A_317, %lt3A_320 : i32
      %lt3A_322 = arith.constant 0 : i32
      %lt3A_323 = arith.cmpi slt, %select_n3A_316, %lt3A_322 : i32
      %ne3A_324 = arith.xori %lt3A_321, %lt3A_323 : i1
      %and3A_325 = arith.andi %ne3A_324, %ne3A_319 : i1
      %add3A_326 = arith.addi %rem3A_317, %select_n3A_316 : i32
      %select_n3A_327 = arith.select %and3A_325, %add3A_326, %rem3A_317 : i32
      %dma_start3A_328 = arith.constant 0 : i32
      %dma_start3A_329 = arith.constant 0 : i32
      %dma_start3A_330 = arith.constant 0 : i32
      %dma_start3A_331 = tpu.memref_slice %arg9[%dma_start3A_328, %dma_start3A_329, %dma_start3A_330] : memref<2x125x128xf32, #tpu.memory_space<vmem>> -> memref<1x125x128xf32, #tpu.memory_space<vmem>>
      %dma_start3A_332 = tpu.memref_squeeze %dma_start3A_331 : memref<1x125x128xf32, #tpu.memory_space<vmem>> -> memref<125x128xf32, #tpu.memory_space<vmem>>
      %dma_start3A_333 = arith.constant 0 : i32
      %dma_start3A_334 = tpu.memref_slice %arg7[%select_n3A_311, %select_n3A_327, %dma_start3A_333] : memref<2x16x125xi32, #tpu.memory_space<vmem>> -> memref<1x1x125xi32, #tpu.memory_space<vmem>>
      %dma_start3A_335 = tpu.memref_squeeze %dma_start3A_334 : memref<1x1x125xi32, #tpu.memory_space<vmem>> -> memref<125xi32, #tpu.memory_space<vmem>>
      %dma_start3A_336 = arith.constant 0 : i32
      %dma_start3A_337 = arith.constant 0 : i32
      %dma_start3A_338 = tpu.memref_slice %arg2[%dma_start3A_336, %dma_start3A_337] : memref<10000x128xf32, #tpu.memory_space<hbm>> -> memref<10000x128xf32, #tpu.memory_space<hbm>>
      tpu.enqueue_indirect_dma source(%dma_start3A_338 : memref<10000x128xf32, #tpu.memory_space<hbm>>) target(%dma_start3A_332 : memref<125x128xf32, #tpu.memory_space<vmem>>) offsets(%dma_start3A_335 : memref<125xi32, #tpu.memory_space<vmem>>) semaphore(%arg11 : memref<!tpu.dma_semaphore, #tpu.memory_space<semaphore_mem>>)
      %dma_wait3A_339 = arith.constant 0 : i32
      %dma_wait3A_340 = arith.constant 0 : i32
      %dma_wait3A_341 = arith.constant 0 : i32
      %dma_wait3A_342 = arith.constant 0 : i32
      %dma_wait3A_343 = arith.constant 0 : i32
      %dma_wait3A_344 = tpu.memref_slice %arg9[%dma_wait3A_341, %dma_wait3A_342, %dma_wait3A_343] : memref<2x125x128xf32, #tpu.memory_space<vmem>> -> memref<1x125x128xf32, #tpu.memory_space<vmem>>
      %dma_wait3A_345 = tpu.memref_squeeze %dma_wait3A_344 : memref<1x125x128xf32, #tpu.memory_space<vmem>> -> memref<125x128xf32, #tpu.memory_space<vmem>>
      %dma_wait3A_346 = arith.constant 0 : i32
      %dma_wait3A_347 = tpu.memref_slice %arg7[%dma_wait3A_339, %dma_wait3A_340, %dma_wait3A_346] : memref<2x16x125xi32, #tpu.memory_space<vmem>> -> memref<1x1x125xi32, #tpu.memory_space<vmem>>
      %dma_wait3A_348 = tpu.memref_squeeze %dma_wait3A_347 : memref<1x1x125xi32, #tpu.memory_space<vmem>> -> memref<125xi32, #tpu.memory_space<vmem>>
      %dma_wait3A_349 = arith.constant 0 : i32
      %dma_wait3A_350 = arith.constant 0 : i32
      %dma_wait3A_351 = tpu.memref_slice %arg2[%dma_wait3A_349, %dma_wait3A_350] : memref<10000x128xf32, #tpu.memory_space<hbm>> -> memref<10000x128xf32, #tpu.memory_space<hbm>>
      tpu.wait_indirect_dma semaphore(%arg11 : memref<!tpu.dma_semaphore, #tpu.memory_space<semaphore_mem>>) src(%dma_wait3A_351 : memref<10000x128xf32, #tpu.memory_space<hbm>>) dst(%dma_wait3A_345 : memref<125x128xf32, #tpu.memory_space<vmem>>)
      %mul3A_352 = arith.constant 2 : i32
      %mul3A_353 = arith.muli %mul3A_352, %scan3A_130 : i32
      %add3A_354 = arith.constant 2 : i32
      %add3A_355 = arith.addi %mul3A_353, %add3A_354 : i32
      %jit3A_356 = arith.constant 16 : i32
      %div3A_357 = arith.divsi %add3A_355, %jit3A_356 : i32
      %sign3A_358 = arith.constant 0 : i32
      %sign3A_359 = arith.cmpi sgt, %add3A_355, %sign3A_358 : i32
      %sign3A_360 = arith.extui %sign3A_359 : i1 to i32
      %sign3A_361 = arith.constant 0 : i32
      %sign3A_362 = arith.cmpi slt, %add3A_355, %sign3A_361 : i32
      %sign3A_363 = arith.extui %sign3A_362 : i1 to i32
      %sign3A_364 = arith.subi %sign3A_360, %sign3A_363 : i32
      %sign3A_365 = arith.constant 0 : i32
      %sign3A_366 = arith.cmpi sgt, %jit3A_356, %sign3A_365 : i32
      %sign3A_367 = arith.extui %sign3A_366 : i1 to i32
      %sign3A_368 = arith.constant 0 : i32
      %sign3A_369 = arith.cmpi slt, %jit3A_356, %sign3A_368 : i32
      %sign3A_370 = arith.extui %sign3A_369 : i1 to i32
      %sign3A_371 = arith.subi %sign3A_367, %sign3A_370 : i32
      %ne3A_372 = arith.cmpi ne, %sign3A_364, %sign3A_371 : i32
      %rem3A_373 = arith.remsi %add3A_355, %jit3A_356 : i32
      %ne3A_374 = arith.constant 0 : i32
      %ne3A_375 = arith.cmpi ne, %rem3A_373, %ne3A_374 : i32
      %and3A_376 = arith.andi %ne3A_372, %ne3A_375 : i1
      %sub3A_377 = arith.constant 1 : i32
      %sub3A_378 = arith.subi %div3A_357, %sub3A_377 : i32
      %select_n3A_379 = arith.select %and3A_376, %sub3A_378, %div3A_357 : i32
      %jit3A_380 = arith.constant 2 : i32
      %eq3A_381 = arith.constant 0 : i32
      %eq3A_382 = arith.cmpi eq, %jit3A_380, %eq3A_381 : i32
      %jit3A_383 = arith.constant 1 : i32
      %select_n3A_384 = arith.select %eq3A_382, %jit3A_383, %jit3A_380 : i32
      %rem3A_385 = arith.remsi %select_n3A_379, %select_n3A_384 : i32
      %ne3A_386 = arith.constant 0 : i32
      %ne3A_387 = arith.cmpi ne, %rem3A_385, %ne3A_386 : i32
      %lt3A_388 = arith.constant 0 : i32
      %lt3A_389 = arith.cmpi slt, %rem3A_385, %lt3A_388 : i32
      %lt3A_390 = arith.constant 0 : i32
      %lt3A_391 = arith.cmpi slt, %select_n3A_384, %lt3A_390 : i32
      %ne3A_392 = arith.xori %lt3A_389, %lt3A_391 : i1
      %and3A_393 = arith.andi %ne3A_392, %ne3A_387 : i1
      %add3A_394 = arith.addi %rem3A_385, %select_n3A_384 : i32
      %select_n3A_395 = arith.select %and3A_393, %add3A_394, %rem3A_385 : i32
      %jit3A_396 = arith.constant 16 : i32
      %eq3A_397 = arith.constant 0 : i32
      %eq3A_398 = arith.cmpi eq, %jit3A_396, %eq3A_397 : i32
      %jit3A_399 = arith.constant 1 : i32
      %select_n3A_400 = arith.select %eq3A_398, %jit3A_399, %jit3A_396 : i32
      %rem3A_401 = arith.remsi %add3A_355, %select_n3A_400 : i32
      %ne3A_402 = arith.constant 0 : i32
      %ne3A_403 = arith.cmpi ne, %rem3A_401, %ne3A_402 : i32
      %lt3A_404 = arith.constant 0 : i32
      %lt3A_405 = arith.cmpi slt, %rem3A_401, %lt3A_404 : i32
      %lt3A_406 = arith.constant 0 : i32
      %lt3A_407 = arith.cmpi slt, %select_n3A_400, %lt3A_406 : i32
      %ne3A_408 = arith.xori %lt3A_405, %lt3A_407 : i1
      %and3A_409 = arith.andi %ne3A_408, %ne3A_403 : i1
      %add3A_410 = arith.addi %rem3A_401, %select_n3A_400 : i32
      %select_n3A_411 = arith.select %and3A_409, %add3A_410, %rem3A_401 : i32
      %dma_start3A_412 = arith.constant 0 : i32
      %dma_start3A_413 = arith.constant 0 : i32
      %dma_start3A_414 = arith.constant 0 : i32
      %dma_start3A_415 = tpu.memref_slice %arg9[%dma_start3A_412, %dma_start3A_413, %dma_start3A_414] : memref<2x125x128xf32, #tpu.memory_space<vmem>> -> memref<1x125x128xf32, #tpu.memory_space<vmem>>
      %dma_start3A_416 = tpu.memref_squeeze %dma_start3A_415 : memref<1x125x128xf32, #tpu.memory_space<vmem>> -> memref<125x128xf32, #tpu.memory_space<vmem>>
      %dma_start3A_417 = arith.constant 0 : i32
      %dma_start3A_418 = tpu.memref_slice %arg8[%select_n3A_395, %select_n3A_411, %dma_start3A_417] : memref<2x16x125xi32, #tpu.memory_space<vmem>> -> memref<1x1x125xi32, #tpu.memory_space<vmem>>
      %dma_start3A_419 = tpu.memref_squeeze %dma_start3A_418 : memref<1x1x125xi32, #tpu.memory_space<vmem>> -> memref<125xi32, #tpu.memory_space<vmem>>
      %dma_start3A_420 = arith.constant 0 : i32
      %dma_start3A_421 = arith.constant 0 : i32
      %dma_start3A_422 = tpu.memref_slice %arg10[%dma_start3A_420, %dma_start3A_421] : memref<10240x128xf32, #tpu.memory_space<vmem_shared>> -> memref<10240x128xf32, #tpu.memory_space<vmem_shared>>
      tpu.enqueue_indirect_dma source(%dma_start3A_416 : memref<125x128xf32, #tpu.memory_space<vmem>>) target(%dma_start3A_422 : memref<10240x128xf32, #tpu.memory_space<vmem_shared>>) offsets(%dma_start3A_419 : memref<125xi32, #tpu.memory_space<vmem>>) semaphore(%arg13 : memref<!tpu.dma_semaphore, #tpu.memory_space<semaphore_mem>>) {add = true}
      %dma_wait3A_423 = arith.constant 1 : i32
      %dma_wait3A_424 = arith.constant 0 : i32
      %dma_wait3A_425 = arith.constant 0 : i32
      %dma_wait3A_426 = arith.constant 0 : i32
      %dma_wait3A_427 = arith.constant 0 : i32
      %dma_wait3A_428 = tpu.memref_slice %arg9[%dma_wait3A_423, %dma_wait3A_426, %dma_wait3A_427] : memref<2x125x128xf32, #tpu.memory_space<vmem>> -> memref<1x125x128xf32, #tpu.memory_space<vmem>>
      %dma_wait3A_429 = tpu.memref_squeeze %dma_wait3A_428 : memref<1x125x128xf32, #tpu.memory_space<vmem>> -> memref<125x128xf32, #tpu.memory_space<vmem>>
      %dma_wait3A_430 = arith.constant 0 : i32
      %dma_wait3A_431 = tpu.memref_slice %arg8[%dma_wait3A_424, %dma_wait3A_425, %dma_wait3A_430] : memref<2x16x125xi32, #tpu.memory_space<vmem>> -> memref<1x1x125xi32, #tpu.memory_space<vmem>>
      %dma_wait3A_432 = tpu.memref_squeeze %dma_wait3A_431 : memref<1x1x125xi32, #tpu.memory_space<vmem>> -> memref<125xi32, #tpu.memory_space<vmem>>
      %dma_wait3A_433 = arith.constant 0 : i32
      %dma_wait3A_434 = arith.constant 0 : i32
      %dma_wait3A_435 = tpu.memref_slice %arg10[%dma_wait3A_433, %dma_wait3A_434] : memref<10240x128xf32, #tpu.memory_space<vmem_shared>> -> memref<10240x128xf32, #tpu.memory_space<vmem_shared>>
      tpu.wait_indirect_dma semaphore(%arg14 : memref<!tpu.dma_semaphore, #tpu.memory_space<semaphore_mem>>) src(%dma_wait3A_429 : memref<125x128xf32, #tpu.memory_space<vmem>>) dst(%dma_wait3A_435 : memref<10240x128xf32, #tpu.memory_space<vmem_shared>>)
      %lt3A_436 = arith.constant 38 : i32
      %lt3A_437 = arith.cmpi slt, %scan3A_130, %lt3A_436 : i32
      %convert_element_type3A_438 = arith.extui %lt3A_437 : i1 to i32
      %cond3A_439 = arith.constant 0 : i32
      %cond3A_440 = arith.cmpi ne, %convert_element_type3A_438, %cond3A_439 : i32
      scf.if %cond3A_440 {
        %mul3A_441 = arith.constant 2 : i32
        %mul3A_442 = arith.muli %mul3A_441, %scan3A_130 : i32
        %add3A_443 = arith.constant 3 : i32
        %add3A_444 = arith.addi %mul3A_442, %add3A_443 : i32
        %jit3A_445 = arith.constant 16 : i32
        %div3A_446 = arith.divsi %add3A_444, %jit3A_445 : i32
        %sign3A_447 = arith.constant 0 : i32
        %sign3A_448 = arith.cmpi sgt, %add3A_444, %sign3A_447 : i32
        %sign3A_449 = arith.extui %sign3A_448 : i1 to i32
        %sign3A_450 = arith.constant 0 : i32
        %sign3A_451 = arith.cmpi slt, %add3A_444, %sign3A_450 : i32
        %sign3A_452 = arith.extui %sign3A_451 : i1 to i32
        %sign3A_453 = arith.subi %sign3A_449, %sign3A_452 : i32
        %sign3A_454 = arith.constant 0 : i32
        %sign3A_455 = arith.cmpi sgt, %jit3A_445, %sign3A_454 : i32
        %sign3A_456 = arith.extui %sign3A_455 : i1 to i32
        %sign3A_457 = arith.constant 0 : i32
        %sign3A_458 = arith.cmpi slt, %jit3A_445, %sign3A_457 : i32
        %sign3A_459 = arith.extui %sign3A_458 : i1 to i32
        %sign3A_460 = arith.subi %sign3A_456, %sign3A_459 : i32
        %ne3A_461 = arith.cmpi ne, %sign3A_453, %sign3A_460 : i32
        %rem3A_462 = arith.remsi %add3A_444, %jit3A_445 : i32
        %ne3A_463 = arith.constant 0 : i32
        %ne3A_464 = arith.cmpi ne, %rem3A_462, %ne3A_463 : i32
        %and3A_465 = arith.andi %ne3A_461, %ne3A_464 : i1
        %sub3A_466 = arith.constant 1 : i32
        %sub3A_467 = arith.subi %div3A_446, %sub3A_466 : i32
        %select_n3A_468 = arith.select %and3A_465, %sub3A_467, %div3A_446 : i32
        %jit3A_469 = arith.constant 2 : i32
        %eq3A_470 = arith.constant 0 : i32
        %eq3A_471 = arith.cmpi eq, %jit3A_469, %eq3A_470 : i32
        %jit3A_472 = arith.constant 1 : i32
        %select_n3A_473 = arith.select %eq3A_471, %jit3A_472, %jit3A_469 : i32
        %rem3A_474 = arith.remsi %select_n3A_468, %select_n3A_473 : i32
        %ne3A_475 = arith.constant 0 : i32
        %ne3A_476 = arith.cmpi ne, %rem3A_474, %ne3A_475 : i32
        %lt3A_477 = arith.constant 0 : i32
        %lt3A_478 = arith.cmpi slt, %rem3A_474, %lt3A_477 : i32
        %lt3A_479 = arith.constant 0 : i32
        %lt3A_480 = arith.cmpi slt, %select_n3A_473, %lt3A_479 : i32
        %ne3A_481 = arith.xori %lt3A_478, %lt3A_480 : i1
        %and3A_482 = arith.andi %ne3A_481, %ne3A_476 : i1
        %add3A_483 = arith.addi %rem3A_474, %select_n3A_473 : i32
        %select_n3A_484 = arith.select %and3A_482, %add3A_483, %rem3A_474 : i32
        %jit3A_485 = arith.constant 16 : i32
        %eq3A_486 = arith.constant 0 : i32
        %eq3A_487 = arith.cmpi eq, %jit3A_485, %eq3A_486 : i32
        %jit3A_488 = arith.constant 1 : i32
        %select_n3A_489 = arith.select %eq3A_487, %jit3A_488, %jit3A_485 : i32
        %rem3A_490 = arith.remsi %add3A_444, %select_n3A_489 : i32
        %ne3A_491 = arith.constant 0 : i32
        %ne3A_492 = arith.cmpi ne, %rem3A_490, %ne3A_491 : i32
        %lt3A_493 = arith.constant 0 : i32
        %lt3A_494 = arith.cmpi slt, %rem3A_490, %lt3A_493 : i32
        %lt3A_495 = arith.constant 0 : i32
        %lt3A_496 = arith.cmpi slt, %select_n3A_489, %lt3A_495 : i32
        %ne3A_497 = arith.xori %lt3A_494, %lt3A_496 : i1
        %and3A_498 = arith.andi %ne3A_497, %ne3A_492 : i1
        %add3A_499 = arith.addi %rem3A_490, %select_n3A_489 : i32
        %select_n3A_500 = arith.select %and3A_498, %add3A_499, %rem3A_490 : i32
        %dma_start3A_501 = arith.constant 1 : i32
        %dma_start3A_502 = arith.constant 0 : i32
        %dma_start3A_503 = arith.constant 0 : i32
        %dma_start3A_504 = tpu.memref_slice %arg9[%dma_start3A_501, %dma_start3A_502, %dma_start3A_503] : memref<2x125x128xf32, #tpu.memory_space<vmem>> -> memref<1x125x128xf32, #tpu.memory_space<vmem>>
        %dma_start3A_505 = tpu.memref_squeeze %dma_start3A_504 : memref<1x125x128xf32, #tpu.memory_space<vmem>> -> memref<125x128xf32, #tpu.memory_space<vmem>>
        %dma_start3A_506 = arith.constant 0 : i32
        %dma_start3A_507 = tpu.memref_slice %arg7[%select_n3A_484, %select_n3A_500, %dma_start3A_506] : memref<2x16x125xi32, #tpu.memory_space<vmem>> -> memref<1x1x125xi32, #tpu.memory_space<vmem>>
        %dma_start3A_508 = tpu.memref_squeeze %dma_start3A_507 : memref<1x1x125xi32, #tpu.memory_space<vmem>> -> memref<125xi32, #tpu.memory_space<vmem>>
        %dma_start3A_509 = arith.constant 0 : i32
        %dma_start3A_510 = arith.constant 0 : i32
        %dma_start3A_511 = tpu.memref_slice %arg2[%dma_start3A_509, %dma_start3A_510] : memref<10000x128xf32, #tpu.memory_space<hbm>> -> memref<10000x128xf32, #tpu.memory_space<hbm>>
        tpu.enqueue_indirect_dma source(%dma_start3A_511 : memref<10000x128xf32, #tpu.memory_space<hbm>>) target(%dma_start3A_505 : memref<125x128xf32, #tpu.memory_space<vmem>>) offsets(%dma_start3A_508 : memref<125xi32, #tpu.memory_space<vmem>>) semaphore(%arg12 : memref<!tpu.dma_semaphore, #tpu.memory_space<semaphore_mem>>)
      } else {
      }
    }
    %scan3A_60 = arith.constant 39 : i32
    %dma_start3A_61 = arith.constant 0 : i32
    %dma_start3A_62 = arith.constant 15 : i32
    %dma_start3A_63 = arith.constant 1 : i32
    %dma_start3A_64 = arith.constant 0 : i32
    %dma_start3A_65 = arith.constant 0 : i32
    %dma_start3A_66 = tpu.memref_slice %arg9[%dma_start3A_63, %dma_start3A_64, %dma_start3A_65] : memref<2x125x128xf32, #tpu.memory_space<vmem>> -> memref<1x125x128xf32, #tpu.memory_space<vmem>>
    %dma_start3A_67 = tpu.memref_squeeze %dma_start3A_66 : memref<1x125x128xf32, #tpu.memory_space<vmem>> -> memref<125x128xf32, #tpu.memory_space<vmem>>
    %dma_start3A_68 = arith.constant 0 : i32
    %dma_start3A_69 = tpu.memref_slice %arg7[%dma_start3A_61, %dma_start3A_62, %dma_start3A_68] : memref<2x16x125xi32, #tpu.memory_space<vmem>> -> memref<1x1x125xi32, #tpu.memory_space<vmem>>
    %dma_start3A_70 = tpu.memref_squeeze %dma_start3A_69 : memref<1x1x125xi32, #tpu.memory_space<vmem>> -> memref<125xi32, #tpu.memory_space<vmem>>
    %dma_start3A_71 = arith.constant 0 : i32
    %dma_start3A_72 = arith.constant 0 : i32
    %dma_start3A_73 = tpu.memref_slice %arg2[%dma_start3A_71, %dma_start3A_72] : memref<10000x128xf32, #tpu.memory_space<hbm>> -> memref<10000x128xf32, #tpu.memory_space<hbm>>
    tpu.enqueue_indirect_dma source(%dma_start3A_73 : memref<10000x128xf32, #tpu.memory_space<hbm>>) target(%dma_start3A_67 : memref<125x128xf32, #tpu.memory_space<vmem>>) offsets(%dma_start3A_70 : memref<125xi32, #tpu.memory_space<vmem>>) semaphore(%arg12 : memref<!tpu.dma_semaphore, #tpu.memory_space<semaphore_mem>>)
    %dma_wait3A_74 = arith.constant 0 : i32
    %dma_wait3A_75 = arith.constant 0 : i32
    %dma_wait3A_76 = arith.constant 1 : i32
    %dma_wait3A_77 = arith.constant 0 : i32
    %dma_wait3A_78 = arith.constant 0 : i32
    %dma_wait3A_79 = tpu.memref_slice %arg9[%dma_wait3A_76, %dma_wait3A_77, %dma_wait3A_78] : memref<2x125x128xf32, #tpu.memory_space<vmem>> -> memref<1x125x128xf32, #tpu.memory_space<vmem>>
    %dma_wait3A_80 = tpu.memref_squeeze %dma_wait3A_79 : memref<1x125x128xf32, #tpu.memory_space<vmem>> -> memref<125x128xf32, #tpu.memory_space<vmem>>
    %dma_wait3A_81 = arith.constant 0 : i32
    %dma_wait3A_82 = tpu.memref_slice %arg7[%dma_wait3A_74, %dma_wait3A_75, %dma_wait3A_81] : memref<2x16x125xi32, #tpu.memory_space<vmem>> -> memref<1x1x125xi32, #tpu.memory_space<vmem>>
    %dma_wait3A_83 = tpu.memref_squeeze %dma_wait3A_82 : memref<1x1x125xi32, #tpu.memory_space<vmem>> -> memref<125xi32, #tpu.memory_space<vmem>>
    %dma_wait3A_84 = arith.constant 0 : i32
    %dma_wait3A_85 = arith.constant 0 : i32
    %dma_wait3A_86 = tpu.memref_slice %arg2[%dma_wait3A_84, %dma_wait3A_85] : memref<10000x128xf32, #tpu.memory_space<hbm>> -> memref<10000x128xf32, #tpu.memory_space<hbm>>
    tpu.wait_indirect_dma semaphore(%arg12 : memref<!tpu.dma_semaphore, #tpu.memory_space<semaphore_mem>>) src(%dma_wait3A_86 : memref<10000x128xf32, #tpu.memory_space<hbm>>) dst(%dma_wait3A_80 : memref<125x128xf32, #tpu.memory_space<vmem>>)
    %dma_start3A_87 = arith.constant 1 : i32
    %dma_start3A_88 = arith.constant 0 : i32
    %dma_start3A_89 = arith.constant 15 : i32
    %dma_start3A_90 = arith.constant 0 : i32
    %dma_start3A_91 = arith.constant 0 : i32
    %dma_start3A_92 = tpu.memref_slice %arg9[%dma_start3A_87, %dma_start3A_90, %dma_start3A_91] : memref<2x125x128xf32, #tpu.memory_space<vmem>> -> memref<1x125x128xf32, #tpu.memory_space<vmem>>
    %dma_start3A_93 = tpu.memref_squeeze %dma_start3A_92 : memref<1x125x128xf32, #tpu.memory_space<vmem>> -> memref<125x128xf32, #tpu.memory_space<vmem>>
    %dma_start3A_94 = arith.constant 0 : i32
    %dma_start3A_95 = tpu.memref_slice %arg8[%dma_start3A_88, %dma_start3A_89, %dma_start3A_94] : memref<2x16x125xi32, #tpu.memory_space<vmem>> -> memref<1x1x125xi32, #tpu.memory_space<vmem>>
    %dma_start3A_96 = tpu.memref_squeeze %dma_start3A_95 : memref<1x1x125xi32, #tpu.memory_space<vmem>> -> memref<125xi32, #tpu.memory_space<vmem>>
    %dma_start3A_97 = arith.constant 0 : i32
    %dma_start3A_98 = arith.constant 0 : i32
    %dma_start3A_99 = tpu.memref_slice %arg10[%dma_start3A_97, %dma_start3A_98] : memref<10240x128xf32, #tpu.memory_space<vmem_shared>> -> memref<10240x128xf32, #tpu.memory_space<vmem_shared>>
    tpu.enqueue_indirect_dma source(%dma_start3A_93 : memref<125x128xf32, #tpu.memory_space<vmem>>) target(%dma_start3A_99 : memref<10240x128xf32, #tpu.memory_space<vmem_shared>>) offsets(%dma_start3A_96 : memref<125xi32, #tpu.memory_space<vmem>>) semaphore(%arg14 : memref<!tpu.dma_semaphore, #tpu.memory_space<semaphore_mem>>) {add = true}
    %dma_wait3A_100 = arith.constant 0 : i32
    %dma_wait3A_101 = arith.constant 0 : i32
    %dma_wait3A_102 = arith.constant 0 : i32
    %dma_wait3A_103 = arith.constant 0 : i32
    %dma_wait3A_104 = arith.constant 0 : i32
    %dma_wait3A_105 = tpu.memref_slice %arg9[%dma_wait3A_100, %dma_wait3A_103, %dma_wait3A_104] : memref<2x125x128xf32, #tpu.memory_space<vmem>> -> memref<1x125x128xf32, #tpu.memory_space<vmem>>
    %dma_wait3A_106 = tpu.memref_squeeze %dma_wait3A_105 : memref<1x125x128xf32, #tpu.memory_space<vmem>> -> memref<125x128xf32, #tpu.memory_space<vmem>>
    %dma_wait3A_107 = arith.constant 0 : i32
    %dma_wait3A_108 = tpu.memref_slice %arg8[%dma_wait3A_101, %dma_wait3A_102, %dma_wait3A_107] : memref<2x16x125xi32, #tpu.memory_space<vmem>> -> memref<1x1x125xi32, #tpu.memory_space<vmem>>
    %dma_wait3A_109 = tpu.memref_squeeze %dma_wait3A_108 : memref<1x1x125xi32, #tpu.memory_space<vmem>> -> memref<125xi32, #tpu.memory_space<vmem>>
    %dma_wait3A_110 = arith.constant 0 : i32
    %dma_wait3A_111 = arith.constant 0 : i32
    %dma_wait3A_112 = tpu.memref_slice %arg10[%dma_wait3A_110, %dma_wait3A_111] : memref<10240x128xf32, #tpu.memory_space<vmem_shared>> -> memref<10240x128xf32, #tpu.memory_space<vmem_shared>>
    tpu.wait_indirect_dma semaphore(%arg13 : memref<!tpu.dma_semaphore, #tpu.memory_space<semaphore_mem>>) src(%dma_wait3A_106 : memref<125x128xf32, #tpu.memory_space<vmem>>) dst(%dma_wait3A_112 : memref<10240x128xf32, #tpu.memory_space<vmem_shared>>)
    %dma_wait3A_113 = arith.constant 1 : i32
    %dma_wait3A_114 = arith.constant 0 : i32
    %dma_wait3A_115 = arith.constant 0 : i32
    %dma_wait3A_116 = arith.constant 0 : i32
    %dma_wait3A_117 = arith.constant 0 : i32
    %dma_wait3A_118 = tpu.memref_slice %arg9[%dma_wait3A_113, %dma_wait3A_116, %dma_wait3A_117] : memref<2x125x128xf32, #tpu.memory_space<vmem>> -> memref<1x125x128xf32, #tpu.memory_space<vmem>>
    %dma_wait3A_119 = tpu.memref_squeeze %dma_wait3A_118 : memref<1x125x128xf32, #tpu.memory_space<vmem>> -> memref<125x128xf32, #tpu.memory_space<vmem>>
    %dma_wait3A_120 = arith.constant 0 : i32
    %dma_wait3A_121 = tpu.memref_slice %arg8[%dma_wait3A_114, %dma_wait3A_115, %dma_wait3A_120] : memref<2x16x125xi32, #tpu.memory_space<vmem>> -> memref<1x1x125xi32, #tpu.memory_space<vmem>>
    %dma_wait3A_122 = tpu.memref_squeeze %dma_wait3A_121 : memref<1x1x125xi32, #tpu.memory_space<vmem>> -> memref<125xi32, #tpu.memory_space<vmem>>
    %dma_wait3A_123 = arith.constant 0 : i32
    %dma_wait3A_124 = arith.constant 0 : i32
    %dma_wait3A_125 = tpu.memref_slice %arg10[%dma_wait3A_123, %dma_wait3A_124] : memref<10240x128xf32, #tpu.memory_space<vmem_shared>> -> memref<10240x128xf32, #tpu.memory_space<vmem_shared>>
    tpu.wait_indirect_dma semaphore(%arg14 : memref<!tpu.dma_semaphore, #tpu.memory_space<semaphore_mem>>) src(%dma_wait3A_119 : memref<125x128xf32, #tpu.memory_space<vmem>>) dst(%dma_wait3A_125 : memref<10240x128xf32, #tpu.memory_space<vmem_shared>>)
    %barrier3A_126 = arith.constant 0 : index
    tpu.barrier barrier_id(%barrier3A_126)
    %mul3A_127 = arith.constant 10240 : i32
    %mul3A_128 = arith.muli %arg0, %mul3A_127 : i32
    %add3A_129 = arith.addi %mul3A_128, %mul3A_2 : i32
    "tpu.region"() ({
      %run_scoped3A_130 = tpu.sem_alloc : memref<!tpu.dma_semaphore, #tpu.memory_space<semaphore_mem>>
      %dma_start3A_131 = arith.constant 0 : i32
      %dma_start3A_132 = tpu.memref_slice %arg6[%add3A_129, %dma_start3A_131] : memref<20480x128xf32, #tpu.memory_space<hbm>> -> memref<640x128xf32, #tpu.memory_space<hbm>>
      %dma_start3A_133 = arith.constant 0 : i32
      %dma_start3A_134 = tpu.memref_slice %arg10[%mul3A_2, %dma_start3A_133] : memref<10240x128xf32, #tpu.memory_space<vmem_shared>> -> memref<640x128xf32, #tpu.memory_space<vmem_shared>>
      tpu.enqueue_dma source(%dma_start3A_134 : memref<640x128xf32, #tpu.memory_space<vmem_shared>>) target(%dma_start3A_132 : memref<640x128xf32, #tpu.memory_space<hbm>>) target_semaphore(%run_scoped3A_130 : memref<!tpu.dma_semaphore, #tpu.memory_space<semaphore_mem>>)
      %dma_wait3A_135 = arith.constant 0 : i32
      %dma_wait3A_136 = tpu.memref_slice %arg6[%add3A_129, %dma_wait3A_135] : memref<20480x128xf32, #tpu.memory_space<hbm>> -> memref<640x128xf32, #tpu.memory_space<hbm>>
      %dma_wait3A_137 = arith.constant 0 : i32
      %dma_wait3A_138 = tpu.memref_slice %arg10[%mul3A_2, %dma_wait3A_137] : memref<10240x128xf32, #tpu.memory_space<vmem_shared>> -> memref<640x128xf32, #tpu.memory_space<vmem_shared>>
      tpu.wait_dma2 semaphore(%run_scoped3A_130 : memref<!tpu.dma_semaphore, #tpu.memory_space<semaphore_mem>>) src(%dma_wait3A_138 : memref<640x128xf32, #tpu.memory_space<vmem_shared>>) dst(%dma_wait3A_136 : memref<640x128xf32, #tpu.memory_space<hbm>>)
      tpu.yield
    }) : () -> ()
    return
  }
}

#map = affine_map<(d0, d1) -> (0, 0)>
module attributes {stable_mosaic.version = 14 : i64} {
  func.func @_agg_body(%arg0: i32, %arg1: i32, %arg2: memref<10000x64xf32, #tpu.memory_space<hbm>>, %arg3: memref<2560x125xi32, #tpu.memory_space<hbm>>, %arg4: memref<2560x125xi32, #tpu.memory_space<hbm>>, %arg5: memref<640x64xf32, #tpu.memory_space<hbm>>, %arg6: memref<20480x64xf32, #tpu.memory_space<hbm>>, %arg7: memref<2x16x125xi32, #tpu.memory_space<vmem>>, %arg8: memref<2x16x125xi32, #tpu.memory_space<vmem>>, %arg9: memref<2x125x64xf32, #tpu.memory_space<vmem>>, %arg10: memref<10240x64xf32, #tpu.memory_space<vmem_shared>>, %arg11: memref<!tpu.dma_semaphore, #tpu.memory_space<semaphore_mem>>, %arg12: memref<!tpu.dma_semaphore, #tpu.memory_space<semaphore_mem>>, %arg13: memref<!tpu.dma_semaphore, #tpu.memory_space<semaphore_mem>>, %arg14: memref<!tpu.dma_semaphore, #tpu.memory_space<semaphore_mem>>) attributes {dimension_semantics = [#tpu.dimension_semantics<core_parallel>, #tpu.dimension_semantics<subcore_parallel>], iteration_bounds = array<i64: 2, 16>, scalar_prefetch = 0 : i64, scratch_operands = 8 : i64, tpu.core_type = #tpu.core_type<sc_vector_subcore>, window_params = [{transform_indices = #map}, {transform_indices = #map}, {transform_indices = #map}, {transform_indices = #map}, {transform_indices = #map}]} {
    %mul3A = arith.constant 16 : i32
    %mul3A_0 = arith.muli %arg0, %mul3A : i32
    %add3A = arith.addi %mul3A_0, %arg1 : i32
    %mul3A_1 = arith.constant 640 : i32
    %mul3A_2 = arith.muli %arg1, %mul3A_1 : i32
    %mul3A_3 = arith.constant 80 : i32
    %mul3A_4 = arith.muli %add3A, %mul3A_3 : i32
    "tpu.region"() ({
      %run_scoped3A_130 = tpu.sem_alloc : memref<!tpu.dma_semaphore, #tpu.memory_space<semaphore_mem>>
      %dma_start3A_131 = arith.constant 0 : i32
      %dma_start3A_132 = tpu.memref_slice %arg10[%mul3A_2, %dma_start3A_131] : memref<10240x64xf32, #tpu.memory_space<vmem_shared>> -> memref<640x64xf32, #tpu.memory_space<vmem_shared>>
      tpu.enqueue_dma source(%arg5 : memref<640x64xf32, #tpu.memory_space<hbm>>) target(%dma_start3A_132 : memref<640x64xf32, #tpu.memory_space<vmem_shared>>) target_semaphore(%run_scoped3A_130 : memref<!tpu.dma_semaphore, #tpu.memory_space<semaphore_mem>>)
      %dma_wait3A_133 = arith.constant 0 : i32
      %dma_wait3A_134 = tpu.memref_slice %arg10[%mul3A_2, %dma_wait3A_133] : memref<10240x64xf32, #tpu.memory_space<vmem_shared>> -> memref<640x64xf32, #tpu.memory_space<vmem_shared>>
      tpu.wait_dma2 semaphore(%run_scoped3A_130 : memref<!tpu.dma_semaphore, #tpu.memory_space<semaphore_mem>>) src(%arg5 : memref<640x64xf32, #tpu.memory_space<hbm>>) dst(%dma_wait3A_134 : memref<640x64xf32, #tpu.memory_space<vmem_shared>>)
      tpu.yield
    }) : () -> ()
    %run_scoped3A = arith.constant 0 : i32
    "tpu.region"() ({
      %run_scoped3A_130 = tpu.sem_alloc : memref<!tpu.dma_semaphore, #tpu.memory_space<semaphore_mem>>
      %dma_start3A_131 = arith.constant 0 : i32
      %dma_start3A_132 = arith.constant 0 : i32
      %dma_start3A_133 = tpu.memref_slice %arg7[%run_scoped3A, %dma_start3A_131, %dma_start3A_132] : memref<2x16x125xi32, #tpu.memory_space<vmem>> -> memref<1x16x125xi32, #tpu.memory_space<vmem>>
      %dma_start3A_134 = tpu.memref_squeeze %dma_start3A_133 : memref<1x16x125xi32, #tpu.memory_space<vmem>> -> memref<16x125xi32, #tpu.memory_space<vmem>>
      %dma_start3A_135 = arith.constant 0 : i32
      %dma_start3A_136 = tpu.memref_slice %arg3[%mul3A_4, %dma_start3A_135] : memref<2560x125xi32, #tpu.memory_space<hbm>> -> memref<16x125xi32, #tpu.memory_space<hbm>>
      %dma_start3A_137 = arith.constant 0 : i32
      %dma_start3A_138 = arith.constant 0 : i32
      %dma_start3A_139 = tpu.memref_slice %arg7[%run_scoped3A, %dma_start3A_137, %dma_start3A_138] : memref<2x16x125xi32, #tpu.memory_space<vmem>> -> memref<1x16x125xi32, #tpu.memory_space<vmem>>
      %dma_start3A_140 = tpu.memref_squeeze %dma_start3A_139 : memref<1x16x125xi32, #tpu.memory_space<vmem>> -> memref<16x125xi32, #tpu.memory_space<vmem>>
      %dma_start3A_141 = arith.constant 0 : i32
      %dma_start3A_142 = tpu.memref_slice %arg3[%mul3A_4, %dma_start3A_141] : memref<2560x125xi32, #tpu.memory_space<hbm>> -> memref<16x125xi32, #tpu.memory_space<hbm>>
      tpu.enqueue_dma source(%dma_start3A_142 : memref<16x125xi32, #tpu.memory_space<hbm>>) target(%dma_start3A_140 : memref<16x125xi32, #tpu.memory_space<vmem>>) target_semaphore(%run_scoped3A_130 : memref<!tpu.dma_semaphore, #tpu.memory_space<semaphore_mem>>)
      %dma_wait3A_143 = arith.constant 0 : i32
      %dma_wait3A_144 = arith.constant 0 : i32
      %dma_wait3A_145 = tpu.memref_slice %arg7[%run_scoped3A, %dma_wait3A_143, %dma_wait3A_144] : memref<2x16x125xi32, #tpu.memory_space<vmem>> -> memref<1x16x125xi32, #tpu.memory_space<vmem>>
      %dma_wait3A_146 = tpu.memref_squeeze %dma_wait3A_145 : memref<1x16x125xi32, #tpu.memory_space<vmem>> -> memref<16x125xi32, #tpu.memory_space<vmem>>
      %dma_wait3A_147 = arith.constant 0 : i32
      %dma_wait3A_148 = tpu.memref_slice %arg3[%mul3A_4, %dma_wait3A_147] : memref<2560x125xi32, #tpu.memory_space<hbm>> -> memref<16x125xi32, #tpu.memory_space<hbm>>
      %dma_wait3A_149 = arith.constant 0 : i32
      %dma_wait3A_150 = arith.constant 0 : i32
      %dma_wait3A_151 = tpu.memref_slice %arg7[%run_scoped3A, %dma_wait3A_149, %dma_wait3A_150] : memref<2x16x125xi32, #tpu.memory_space<vmem>> -> memref<1x16x125xi32, #tpu.memory_space<vmem>>
      %dma_wait3A_152 = tpu.memref_squeeze %dma_wait3A_151 : memref<1x16x125xi32, #tpu.memory_space<vmem>> -> memref<16x125xi32, #tpu.memory_space<vmem>>
      %dma_wait3A_153 = arith.constant 0 : i32
      %dma_wait3A_154 = tpu.memref_slice %arg3[%mul3A_4, %dma_wait3A_153] : memref<2560x125xi32, #tpu.memory_space<hbm>> -> memref<16x125xi32, #tpu.memory_space<hbm>>
      tpu.wait_dma2 semaphore(%run_scoped3A_130 : memref<!tpu.dma_semaphore, #tpu.memory_space<semaphore_mem>>) src(%dma_wait3A_154 : memref<16x125xi32, #tpu.memory_space<hbm>>) dst(%dma_wait3A_152 : memref<16x125xi32, #tpu.memory_space<vmem>>)
      tpu.yield
    }) : () -> ()
    %run_scoped3A_5 = arith.constant 0 : i32
    "tpu.region"() ({
      %run_scoped3A_130 = tpu.sem_alloc : memref<!tpu.dma_semaphore, #tpu.memory_space<semaphore_mem>>
      %dma_start3A_131 = arith.constant 0 : i32
      %dma_start3A_132 = arith.constant 0 : i32
      %dma_start3A_133 = tpu.memref_slice %arg8[%run_scoped3A_5, %dma_start3A_131, %dma_start3A_132] : memref<2x16x125xi32, #tpu.memory_space<vmem>> -> memref<1x16x125xi32, #tpu.memory_space<vmem>>
      %dma_start3A_134 = tpu.memref_squeeze %dma_start3A_133 : memref<1x16x125xi32, #tpu.memory_space<vmem>> -> memref<16x125xi32, #tpu.memory_space<vmem>>
      %dma_start3A_135 = arith.constant 0 : i32
      %dma_start3A_136 = tpu.memref_slice %arg4[%mul3A_4, %dma_start3A_135] : memref<2560x125xi32, #tpu.memory_space<hbm>> -> memref<16x125xi32, #tpu.memory_space<hbm>>
      %dma_start3A_137 = arith.constant 0 : i32
      %dma_start3A_138 = arith.constant 0 : i32
      %dma_start3A_139 = tpu.memref_slice %arg8[%run_scoped3A_5, %dma_start3A_137, %dma_start3A_138] : memref<2x16x125xi32, #tpu.memory_space<vmem>> -> memref<1x16x125xi32, #tpu.memory_space<vmem>>
      %dma_start3A_140 = tpu.memref_squeeze %dma_start3A_139 : memref<1x16x125xi32, #tpu.memory_space<vmem>> -> memref<16x125xi32, #tpu.memory_space<vmem>>
      %dma_start3A_141 = arith.constant 0 : i32
      %dma_start3A_142 = tpu.memref_slice %arg4[%mul3A_4, %dma_start3A_141] : memref<2560x125xi32, #tpu.memory_space<hbm>> -> memref<16x125xi32, #tpu.memory_space<hbm>>
      tpu.enqueue_dma source(%dma_start3A_142 : memref<16x125xi32, #tpu.memory_space<hbm>>) target(%dma_start3A_140 : memref<16x125xi32, #tpu.memory_space<vmem>>) target_semaphore(%run_scoped3A_130 : memref<!tpu.dma_semaphore, #tpu.memory_space<semaphore_mem>>)
      %dma_wait3A_143 = arith.constant 0 : i32
      %dma_wait3A_144 = arith.constant 0 : i32
      %dma_wait3A_145 = tpu.memref_slice %arg8[%run_scoped3A_5, %dma_wait3A_143, %dma_wait3A_144] : memref<2x16x125xi32, #tpu.memory_space<vmem>> -> memref<1x16x125xi32, #tpu.memory_space<vmem>>
      %dma_wait3A_146 = tpu.memref_squeeze %dma_wait3A_145 : memref<1x16x125xi32, #tpu.memory_space<vmem>> -> memref<16x125xi32, #tpu.memory_space<vmem>>
      %dma_wait3A_147 = arith.constant 0 : i32
      %dma_wait3A_148 = tpu.memref_slice %arg4[%mul3A_4, %dma_wait3A_147] : memref<2560x125xi32, #tpu.memory_space<hbm>> -> memref<16x125xi32, #tpu.memory_space<hbm>>
      %dma_wait3A_149 = arith.constant 0 : i32
      %dma_wait3A_150 = arith.constant 0 : i32
      %dma_wait3A_151 = tpu.memref_slice %arg8[%run_scoped3A_5, %dma_wait3A_149, %dma_wait3A_150] : memref<2x16x125xi32, #tpu.memory_space<vmem>> -> memref<1x16x125xi32, #tpu.memory_space<vmem>>
      %dma_wait3A_152 = tpu.memref_squeeze %dma_wait3A_151 : memref<1x16x125xi32, #tpu.memory_space<vmem>> -> memref<16x125xi32, #tpu.memory_space<vmem>>
      %dma_wait3A_153 = arith.constant 0 : i32
      %dma_wait3A_154 = tpu.memref_slice %arg4[%mul3A_4, %dma_wait3A_153] : memref<2560x125xi32, #tpu.memory_space<hbm>> -> memref<16x125xi32, #tpu.memory_space<hbm>>
      tpu.wait_dma2 semaphore(%run_scoped3A_130 : memref<!tpu.dma_semaphore, #tpu.memory_space<semaphore_mem>>) src(%dma_wait3A_154 : memref<16x125xi32, #tpu.memory_space<hbm>>) dst(%dma_wait3A_152 : memref<16x125xi32, #tpu.memory_space<vmem>>)
      tpu.yield
    }) : () -> ()
    %barrier3A = arith.constant 0 : index
    tpu.barrier barrier_id(%barrier3A)
    %dma_start3A = arith.constant 0 : i32
    %dma_start3A_6 = arith.constant 0 : i32
    %dma_start3A_7 = arith.constant 0 : i32
    %dma_start3A_8 = arith.constant 0 : i32
    %dma_start3A_9 = arith.constant 0 : i32
    %dma_start3A_10 = tpu.memref_slice %arg9[%dma_start3A_7, %dma_start3A_8, %dma_start3A_9] : memref<2x125x64xf32, #tpu.memory_space<vmem>> -> memref<1x125x64xf32, #tpu.memory_space<vmem>>
    %dma_start3A_11 = tpu.memref_squeeze %dma_start3A_10 : memref<1x125x64xf32, #tpu.memory_space<vmem>> -> memref<125x64xf32, #tpu.memory_space<vmem>>
    %dma_start3A_12 = arith.constant 0 : i32
    %dma_start3A_13 = tpu.memref_slice %arg7[%dma_start3A, %dma_start3A_6, %dma_start3A_12] : memref<2x16x125xi32, #tpu.memory_space<vmem>> -> memref<1x1x125xi32, #tpu.memory_space<vmem>>
    %dma_start3A_14 = tpu.memref_squeeze %dma_start3A_13 : memref<1x1x125xi32, #tpu.memory_space<vmem>> -> memref<125xi32, #tpu.memory_space<vmem>>
    %dma_start3A_15 = arith.constant 0 : i32
    %dma_start3A_16 = arith.constant 0 : i32
    %dma_start3A_17 = tpu.memref_slice %arg2[%dma_start3A_15, %dma_start3A_16] : memref<10000x64xf32, #tpu.memory_space<hbm>> -> memref<10000x64xf32, #tpu.memory_space<hbm>>
    tpu.enqueue_indirect_dma source(%dma_start3A_17 : memref<10000x64xf32, #tpu.memory_space<hbm>>) target(%dma_start3A_11 : memref<125x64xf32, #tpu.memory_space<vmem>>) offsets(%dma_start3A_14 : memref<125xi32, #tpu.memory_space<vmem>>) semaphore(%arg11 : memref<!tpu.dma_semaphore, #tpu.memory_space<semaphore_mem>>)
    %dma_wait3A = arith.constant 0 : i32
    %dma_wait3A_18 = arith.constant 0 : i32
    %dma_wait3A_19 = arith.constant 0 : i32
    %dma_wait3A_20 = arith.constant 0 : i32
    %dma_wait3A_21 = arith.constant 0 : i32
    %dma_wait3A_22 = tpu.memref_slice %arg9[%dma_wait3A_19, %dma_wait3A_20, %dma_wait3A_21] : memref<2x125x64xf32, #tpu.memory_space<vmem>> -> memref<1x125x64xf32, #tpu.memory_space<vmem>>
    %dma_wait3A_23 = tpu.memref_squeeze %dma_wait3A_22 : memref<1x125x64xf32, #tpu.memory_space<vmem>> -> memref<125x64xf32, #tpu.memory_space<vmem>>
    %dma_wait3A_24 = arith.constant 0 : i32
    %dma_wait3A_25 = tpu.memref_slice %arg7[%dma_wait3A, %dma_wait3A_18, %dma_wait3A_24] : memref<2x16x125xi32, #tpu.memory_space<vmem>> -> memref<1x1x125xi32, #tpu.memory_space<vmem>>
    %dma_wait3A_26 = tpu.memref_squeeze %dma_wait3A_25 : memref<1x1x125xi32, #tpu.memory_space<vmem>> -> memref<125xi32, #tpu.memory_space<vmem>>
    %dma_wait3A_27 = arith.constant 0 : i32
    %dma_wait3A_28 = arith.constant 0 : i32
    %dma_wait3A_29 = tpu.memref_slice %arg2[%dma_wait3A_27, %dma_wait3A_28] : memref<10000x64xf32, #tpu.memory_space<hbm>> -> memref<10000x64xf32, #tpu.memory_space<hbm>>
    tpu.wait_indirect_dma semaphore(%arg11 : memref<!tpu.dma_semaphore, #tpu.memory_space<semaphore_mem>>) src(%dma_wait3A_29 : memref<10000x64xf32, #tpu.memory_space<hbm>>) dst(%dma_wait3A_23 : memref<125x64xf32, #tpu.memory_space<vmem>>)
    %dma_start3A_30 = arith.constant 0 : i32
    %dma_start3A_31 = arith.constant 0 : i32
    %dma_start3A_32 = arith.constant 0 : i32
    %dma_start3A_33 = arith.constant 0 : i32
    %dma_start3A_34 = arith.constant 0 : i32
    %dma_start3A_35 = tpu.memref_slice %arg9[%dma_start3A_30, %dma_start3A_33, %dma_start3A_34] : memref<2x125x64xf32, #tpu.memory_space<vmem>> -> memref<1x125x64xf32, #tpu.memory_space<vmem>>
    %dma_start3A_36 = tpu.memref_squeeze %dma_start3A_35 : memref<1x125x64xf32, #tpu.memory_space<vmem>> -> memref<125x64xf32, #tpu.memory_space<vmem>>
    %dma_start3A_37 = arith.constant 0 : i32
    %dma_start3A_38 = tpu.memref_slice %arg8[%dma_start3A_31, %dma_start3A_32, %dma_start3A_37] : memref<2x16x125xi32, #tpu.memory_space<vmem>> -> memref<1x1x125xi32, #tpu.memory_space<vmem>>
    %dma_start3A_39 = tpu.memref_squeeze %dma_start3A_38 : memref<1x1x125xi32, #tpu.memory_space<vmem>> -> memref<125xi32, #tpu.memory_space<vmem>>
    %dma_start3A_40 = arith.constant 0 : i32
    %dma_start3A_41 = arith.constant 0 : i32
    %dma_start3A_42 = tpu.memref_slice %arg10[%dma_start3A_40, %dma_start3A_41] : memref<10240x64xf32, #tpu.memory_space<vmem_shared>> -> memref<10240x64xf32, #tpu.memory_space<vmem_shared>>
    tpu.enqueue_indirect_dma source(%dma_start3A_36 : memref<125x64xf32, #tpu.memory_space<vmem>>) target(%dma_start3A_42 : memref<10240x64xf32, #tpu.memory_space<vmem_shared>>) offsets(%dma_start3A_39 : memref<125xi32, #tpu.memory_space<vmem>>) semaphore(%arg13 : memref<!tpu.dma_semaphore, #tpu.memory_space<semaphore_mem>>) {add = true}
    %dma_start3A_43 = arith.constant 0 : i32
    %dma_start3A_44 = arith.constant 1 : i32
    %dma_start3A_45 = arith.constant 1 : i32
    %dma_start3A_46 = arith.constant 0 : i32
    %dma_start3A_47 = arith.constant 0 : i32
    %dma_start3A_48 = tpu.memref_slice %arg9[%dma_start3A_45, %dma_start3A_46, %dma_start3A_47] : memref<2x125x64xf32, #tpu.memory_space<vmem>> -> memref<1x125x64xf32, #tpu.memory_space<vmem>>
    %dma_start3A_49 = tpu.memref_squeeze %dma_start3A_48 : memref<1x125x64xf32, #tpu.memory_space<vmem>> -> memref<125x64xf32, #tpu.memory_space<vmem>>
    %dma_start3A_50 = arith.constant 0 : i32
    %dma_start3A_51 = tpu.memref_slice %arg7[%dma_start3A_43, %dma_start3A_44, %dma_start3A_50] : memref<2x16x125xi32, #tpu.memory_space<vmem>> -> memref<1x1x125xi32, #tpu.memory_space<vmem>>
    %dma_start3A_52 = tpu.memref_squeeze %dma_start3A_51 : memref<1x1x125xi32, #tpu.memory_space<vmem>> -> memref<125xi32, #tpu.memory_space<vmem>>
    %dma_start3A_53 = arith.constant 0 : i32
    %dma_start3A_54 = arith.constant 0 : i32
    %dma_start3A_55 = tpu.memref_slice %arg2[%dma_start3A_53, %dma_start3A_54] : memref<10000x64xf32, #tpu.memory_space<hbm>> -> memref<10000x64xf32, #tpu.memory_space<hbm>>
    tpu.enqueue_indirect_dma source(%dma_start3A_55 : memref<10000x64xf32, #tpu.memory_space<hbm>>) target(%dma_start3A_49 : memref<125x64xf32, #tpu.memory_space<vmem>>) offsets(%dma_start3A_52 : memref<125xi32, #tpu.memory_space<vmem>>) semaphore(%arg12 : memref<!tpu.dma_semaphore, #tpu.memory_space<semaphore_mem>>)
    %scan3A = arith.constant 0 : i32
    %scan3A_56 = arith.constant 0 : i32
    %scan3A_57 = arith.constant 39 : i32
    %scan3A_58 = arith.addi %scan3A_56, %scan3A_57 : i32
    %scan3A_59 = arith.constant 1 : i32
    scf.for %scan3A_130 = %scan3A_56 to %scan3A_58 step %scan3A_59  : i32 {
      %mul3A_131 = arith.constant 2 : i32
      %mul3A_132 = arith.muli %mul3A_131, %scan3A_130 : i32
      %add3A_133 = arith.constant 2 : i32
      %add3A_134 = arith.addi %mul3A_132, %add3A_133 : i32
      %jit3A = arith.constant 16 : i32
      %div3A = arith.divsi %add3A_134, %jit3A : i32
      %sign3A = arith.constant 0 : i32
      %sign3A_135 = arith.cmpi sgt, %add3A_134, %sign3A : i32
      %sign3A_136 = arith.extui %sign3A_135 : i1 to i32
      %sign3A_137 = arith.constant 0 : i32
      %sign3A_138 = arith.cmpi slt, %add3A_134, %sign3A_137 : i32
      %sign3A_139 = arith.extui %sign3A_138 : i1 to i32
      %sign3A_140 = arith.subi %sign3A_136, %sign3A_139 : i32
      %sign3A_141 = arith.constant 0 : i32
      %sign3A_142 = arith.cmpi sgt, %jit3A, %sign3A_141 : i32
      %sign3A_143 = arith.extui %sign3A_142 : i1 to i32
      %sign3A_144 = arith.constant 0 : i32
      %sign3A_145 = arith.cmpi slt, %jit3A, %sign3A_144 : i32
      %sign3A_146 = arith.extui %sign3A_145 : i1 to i32
      %sign3A_147 = arith.subi %sign3A_143, %sign3A_146 : i32
      %ne3A = arith.cmpi ne, %sign3A_140, %sign3A_147 : i32
      %rem3A = arith.remsi %add3A_134, %jit3A : i32
      %ne3A_148 = arith.constant 0 : i32
      %ne3A_149 = arith.cmpi ne, %rem3A, %ne3A_148 : i32
      %and3A = arith.andi %ne3A, %ne3A_149 : i1
      %sub3A = arith.constant 1 : i32
      %sub3A_150 = arith.subi %div3A, %sub3A : i32
      %select_n3A = arith.select %and3A, %sub3A_150, %div3A : i32
      %jit3A_151 = arith.constant 8 : i32
      %eq3A = arith.constant 0 : i32
      %eq3A_152 = arith.cmpi eq, %jit3A_151, %eq3A : i32
      %jit3A_153 = arith.constant 1 : i32
      %select_n3A_154 = arith.select %eq3A_152, %jit3A_153, %jit3A_151 : i32
      %rem3A_155 = arith.remsi %scan3A_130, %select_n3A_154 : i32
      %ne3A_156 = arith.constant 0 : i32
      %ne3A_157 = arith.cmpi ne, %rem3A_155, %ne3A_156 : i32
      %lt3A = arith.constant 0 : i32
      %lt3A_158 = arith.cmpi slt, %rem3A_155, %lt3A : i32
      %lt3A_159 = arith.constant 0 : i32
      %lt3A_160 = arith.cmpi slt, %select_n3A_154, %lt3A_159 : i32
      %ne3A_161 = arith.xori %lt3A_158, %lt3A_160 : i1
      %and3A_162 = arith.andi %ne3A_161, %ne3A_157 : i1
      %add3A_163 = arith.addi %rem3A_155, %select_n3A_154 : i32
      %select_n3A_164 = arith.select %and3A_162, %add3A_163, %rem3A_155 : i32
      %eq3A_165 = arith.constant 7 : i32
      %eq3A_166 = arith.cmpi eq, %select_n3A_164, %eq3A_165 : i32
      %lt3A_167 = arith.constant 5 : i32
      %lt3A_168 = arith.cmpi slt, %select_n3A, %lt3A_167 : i32
      %and3A_169 = arith.andi %eq3A_166, %lt3A_168 : i1
      %convert_element_type3A = arith.extui %and3A_169 : i1 to i32
      %cond3A = arith.constant 0 : i32
      %cond3A_170 = arith.cmpi ne, %convert_element_type3A, %cond3A : i32
      scf.if %cond3A_170 {
        %mul3A_441 = arith.constant 16 : i32
        %mul3A_442 = arith.muli %select_n3A, %mul3A_441 : i32
        %add3A_443 = arith.addi %mul3A_4, %mul3A_442 : i32
        %jit3A_444 = arith.constant 2 : i32
        %eq3A_445 = arith.constant 0 : i32
        %eq3A_446 = arith.cmpi eq, %jit3A_444, %eq3A_445 : i32
        %jit3A_447 = arith.constant 1 : i32
        %select_n3A_448 = arith.select %eq3A_446, %jit3A_447, %jit3A_444 : i32
        %rem3A_449 = arith.remsi %select_n3A, %select_n3A_448 : i32
        %ne3A_450 = arith.constant 0 : i32
        %ne3A_451 = arith.cmpi ne, %rem3A_449, %ne3A_450 : i32
        %lt3A_452 = arith.constant 0 : i32
        %lt3A_453 = arith.cmpi slt, %rem3A_449, %lt3A_452 : i32
        %lt3A_454 = arith.constant 0 : i32
        %lt3A_455 = arith.cmpi slt, %select_n3A_448, %lt3A_454 : i32
        %ne3A_456 = arith.xori %lt3A_453, %lt3A_455 : i1
        %and3A_457 = arith.andi %ne3A_456, %ne3A_451 : i1
        %add3A_458 = arith.addi %rem3A_449, %select_n3A_448 : i32
        %select_n3A_459 = arith.select %and3A_457, %add3A_458, %rem3A_449 : i32
        "tpu.region"() ({
          %run_scoped3A_476 = tpu.sem_alloc : memref<!tpu.dma_semaphore, #tpu.memory_space<semaphore_mem>>
          %dma_start3A_477 = arith.constant 0 : i32
          %dma_start3A_478 = arith.constant 0 : i32
          %dma_start3A_479 = tpu.memref_slice %arg7[%select_n3A_459, %dma_start3A_477, %dma_start3A_478] : memref<2x16x125xi32, #tpu.memory_space<vmem>> -> memref<1x16x125xi32, #tpu.memory_space<vmem>>
          %dma_start3A_480 = tpu.memref_squeeze %dma_start3A_479 : memref<1x16x125xi32, #tpu.memory_space<vmem>> -> memref<16x125xi32, #tpu.memory_space<vmem>>
          %dma_start3A_481 = arith.constant 0 : i32
          %dma_start3A_482 = tpu.memref_slice %arg3[%add3A_443, %dma_start3A_481] : memref<2560x125xi32, #tpu.memory_space<hbm>> -> memref<16x125xi32, #tpu.memory_space<hbm>>
          %dma_start3A_483 = arith.constant 0 : i32
          %dma_start3A_484 = arith.constant 0 : i32
          %dma_start3A_485 = tpu.memref_slice %arg7[%select_n3A_459, %dma_start3A_483, %dma_start3A_484] : memref<2x16x125xi32, #tpu.memory_space<vmem>> -> memref<1x16x125xi32, #tpu.memory_space<vmem>>
          %dma_start3A_486 = tpu.memref_squeeze %dma_start3A_485 : memref<1x16x125xi32, #tpu.memory_space<vmem>> -> memref<16x125xi32, #tpu.memory_space<vmem>>
          %dma_start3A_487 = arith.constant 0 : i32
          %dma_start3A_488 = tpu.memref_slice %arg3[%add3A_443, %dma_start3A_487] : memref<2560x125xi32, #tpu.memory_space<hbm>> -> memref<16x125xi32, #tpu.memory_space<hbm>>
          tpu.enqueue_dma source(%dma_start3A_488 : memref<16x125xi32, #tpu.memory_space<hbm>>) target(%dma_start3A_486 : memref<16x125xi32, #tpu.memory_space<vmem>>) target_semaphore(%run_scoped3A_476 : memref<!tpu.dma_semaphore, #tpu.memory_space<semaphore_mem>>)
          %dma_wait3A_489 = arith.constant 0 : i32
          %dma_wait3A_490 = arith.constant 0 : i32
          %dma_wait3A_491 = tpu.memref_slice %arg7[%select_n3A_459, %dma_wait3A_489, %dma_wait3A_490] : memref<2x16x125xi32, #tpu.memory_space<vmem>> -> memref<1x16x125xi32, #tpu.memory_space<vmem>>
          %dma_wait3A_492 = tpu.memref_squeeze %dma_wait3A_491 : memref<1x16x125xi32, #tpu.memory_space<vmem>> -> memref<16x125xi32, #tpu.memory_space<vmem>>
          %dma_wait3A_493 = arith.constant 0 : i32
          %dma_wait3A_494 = tpu.memref_slice %arg3[%add3A_443, %dma_wait3A_493] : memref<2560x125xi32, #tpu.memory_space<hbm>> -> memref<16x125xi32, #tpu.memory_space<hbm>>
          %dma_wait3A_495 = arith.constant 0 : i32
          %dma_wait3A_496 = arith.constant 0 : i32
          %dma_wait3A_497 = tpu.memref_slice %arg7[%select_n3A_459, %dma_wait3A_495, %dma_wait3A_496] : memref<2x16x125xi32, #tpu.memory_space<vmem>> -> memref<1x16x125xi32, #tpu.memory_space<vmem>>
          %dma_wait3A_498 = tpu.memref_squeeze %dma_wait3A_497 : memref<1x16x125xi32, #tpu.memory_space<vmem>> -> memref<16x125xi32, #tpu.memory_space<vmem>>
          %dma_wait3A_499 = arith.constant 0 : i32
          %dma_wait3A_500 = tpu.memref_slice %arg3[%add3A_443, %dma_wait3A_499] : memref<2560x125xi32, #tpu.memory_space<hbm>> -> memref<16x125xi32, #tpu.memory_space<hbm>>
          tpu.wait_dma2 semaphore(%run_scoped3A_476 : memref<!tpu.dma_semaphore, #tpu.memory_space<semaphore_mem>>) src(%dma_wait3A_500 : memref<16x125xi32, #tpu.memory_space<hbm>>) dst(%dma_wait3A_498 : memref<16x125xi32, #tpu.memory_space<vmem>>)
          tpu.yield
        }) : () -> ()
        %jit3A_460 = arith.constant 2 : i32
        %eq3A_461 = arith.constant 0 : i32
        %eq3A_462 = arith.cmpi eq, %jit3A_460, %eq3A_461 : i32
        %jit3A_463 = arith.constant 1 : i32
        %select_n3A_464 = arith.select %eq3A_462, %jit3A_463, %jit3A_460 : i32
        %rem3A_465 = arith.remsi %select_n3A, %select_n3A_464 : i32
        %ne3A_466 = arith.constant 0 : i32
        %ne3A_467 = arith.cmpi ne, %rem3A_465, %ne3A_466 : i32
        %lt3A_468 = arith.constant 0 : i32
        %lt3A_469 = arith.cmpi slt, %rem3A_465, %lt3A_468 : i32
        %lt3A_470 = arith.constant 0 : i32
        %lt3A_471 = arith.cmpi slt, %select_n3A_464, %lt3A_470 : i32
        %ne3A_472 = arith.xori %lt3A_469, %lt3A_471 : i1
        %and3A_473 = arith.andi %ne3A_472, %ne3A_467 : i1
        %add3A_474 = arith.addi %rem3A_465, %select_n3A_464 : i32
        %select_n3A_475 = arith.select %and3A_473, %add3A_474, %rem3A_465 : i32
        "tpu.region"() ({
          %run_scoped3A_476 = tpu.sem_alloc : memref<!tpu.dma_semaphore, #tpu.memory_space<semaphore_mem>>
          %dma_start3A_477 = arith.constant 0 : i32
          %dma_start3A_478 = arith.constant 0 : i32
          %dma_start3A_479 = tpu.memref_slice %arg8[%select_n3A_475, %dma_start3A_477, %dma_start3A_478] : memref<2x16x125xi32, #tpu.memory_space<vmem>> -> memref<1x16x125xi32, #tpu.memory_space<vmem>>
          %dma_start3A_480 = tpu.memref_squeeze %dma_start3A_479 : memref<1x16x125xi32, #tpu.memory_space<vmem>> -> memref<16x125xi32, #tpu.memory_space<vmem>>
          %dma_start3A_481 = arith.constant 0 : i32
          %dma_start3A_482 = tpu.memref_slice %arg4[%add3A_443, %dma_start3A_481] : memref<2560x125xi32, #tpu.memory_space<hbm>> -> memref<16x125xi32, #tpu.memory_space<hbm>>
          %dma_start3A_483 = arith.constant 0 : i32
          %dma_start3A_484 = arith.constant 0 : i32
          %dma_start3A_485 = tpu.memref_slice %arg8[%select_n3A_475, %dma_start3A_483, %dma_start3A_484] : memref<2x16x125xi32, #tpu.memory_space<vmem>> -> memref<1x16x125xi32, #tpu.memory_space<vmem>>
          %dma_start3A_486 = tpu.memref_squeeze %dma_start3A_485 : memref<1x16x125xi32, #tpu.memory_space<vmem>> -> memref<16x125xi32, #tpu.memory_space<vmem>>
          %dma_start3A_487 = arith.constant 0 : i32
          %dma_start3A_488 = tpu.memref_slice %arg4[%add3A_443, %dma_start3A_487] : memref<2560x125xi32, #tpu.memory_space<hbm>> -> memref<16x125xi32, #tpu.memory_space<hbm>>
          tpu.enqueue_dma source(%dma_start3A_488 : memref<16x125xi32, #tpu.memory_space<hbm>>) target(%dma_start3A_486 : memref<16x125xi32, #tpu.memory_space<vmem>>) target_semaphore(%run_scoped3A_476 : memref<!tpu.dma_semaphore, #tpu.memory_space<semaphore_mem>>)
          %dma_wait3A_489 = arith.constant 0 : i32
          %dma_wait3A_490 = arith.constant 0 : i32
          %dma_wait3A_491 = tpu.memref_slice %arg8[%select_n3A_475, %dma_wait3A_489, %dma_wait3A_490] : memref<2x16x125xi32, #tpu.memory_space<vmem>> -> memref<1x16x125xi32, #tpu.memory_space<vmem>>
          %dma_wait3A_492 = tpu.memref_squeeze %dma_wait3A_491 : memref<1x16x125xi32, #tpu.memory_space<vmem>> -> memref<16x125xi32, #tpu.memory_space<vmem>>
          %dma_wait3A_493 = arith.constant 0 : i32
          %dma_wait3A_494 = tpu.memref_slice %arg4[%add3A_443, %dma_wait3A_493] : memref<2560x125xi32, #tpu.memory_space<hbm>> -> memref<16x125xi32, #tpu.memory_space<hbm>>
          %dma_wait3A_495 = arith.constant 0 : i32
          %dma_wait3A_496 = arith.constant 0 : i32
          %dma_wait3A_497 = tpu.memref_slice %arg8[%select_n3A_475, %dma_wait3A_495, %dma_wait3A_496] : memref<2x16x125xi32, #tpu.memory_space<vmem>> -> memref<1x16x125xi32, #tpu.memory_space<vmem>>
          %dma_wait3A_498 = tpu.memref_squeeze %dma_wait3A_497 : memref<1x16x125xi32, #tpu.memory_space<vmem>> -> memref<16x125xi32, #tpu.memory_space<vmem>>
          %dma_wait3A_499 = arith.constant 0 : i32
          %dma_wait3A_500 = tpu.memref_slice %arg4[%add3A_443, %dma_wait3A_499] : memref<2560x125xi32, #tpu.memory_space<hbm>> -> memref<16x125xi32, #tpu.memory_space<hbm>>
          tpu.wait_dma2 semaphore(%run_scoped3A_476 : memref<!tpu.dma_semaphore, #tpu.memory_space<semaphore_mem>>) src(%dma_wait3A_500 : memref<16x125xi32, #tpu.memory_space<hbm>>) dst(%dma_wait3A_498 : memref<16x125xi32, #tpu.memory_space<vmem>>)
          tpu.yield
        }) : () -> ()
      } else {
      }
      %dma_wait3A_171 = arith.constant 0 : i32
      %dma_wait3A_172 = arith.constant 0 : i32
      %dma_wait3A_173 = arith.constant 1 : i32
      %dma_wait3A_174 = arith.constant 0 : i32
      %dma_wait3A_175 = arith.constant 0 : i32
      %dma_wait3A_176 = tpu.memref_slice %arg9[%dma_wait3A_173, %dma_wait3A_174, %dma_wait3A_175] : memref<2x125x64xf32, #tpu.memory_space<vmem>> -> memref<1x125x64xf32, #tpu.memory_space<vmem>>
      %dma_wait3A_177 = tpu.memref_squeeze %dma_wait3A_176 : memref<1x125x64xf32, #tpu.memory_space<vmem>> -> memref<125x64xf32, #tpu.memory_space<vmem>>
      %dma_wait3A_178 = arith.constant 0 : i32
      %dma_wait3A_179 = tpu.memref_slice %arg7[%dma_wait3A_171, %dma_wait3A_172, %dma_wait3A_178] : memref<2x16x125xi32, #tpu.memory_space<vmem>> -> memref<1x1x125xi32, #tpu.memory_space<vmem>>
      %dma_wait3A_180 = tpu.memref_squeeze %dma_wait3A_179 : memref<1x1x125xi32, #tpu.memory_space<vmem>> -> memref<125xi32, #tpu.memory_space<vmem>>
      %dma_wait3A_181 = arith.constant 0 : i32
      %dma_wait3A_182 = arith.constant 0 : i32
      %dma_wait3A_183 = tpu.memref_slice %arg2[%dma_wait3A_181, %dma_wait3A_182] : memref<10000x64xf32, #tpu.memory_space<hbm>> -> memref<10000x64xf32, #tpu.memory_space<hbm>>
      tpu.wait_indirect_dma semaphore(%arg12 : memref<!tpu.dma_semaphore, #tpu.memory_space<semaphore_mem>>) src(%dma_wait3A_183 : memref<10000x64xf32, #tpu.memory_space<hbm>>) dst(%dma_wait3A_177 : memref<125x64xf32, #tpu.memory_space<vmem>>)
      %mul3A_184 = arith.constant 2 : i32
      %mul3A_185 = arith.muli %mul3A_184, %scan3A_130 : i32
      %add3A_186 = arith.constant 1 : i32
      %add3A_187 = arith.addi %mul3A_185, %add3A_186 : i32
      %jit3A_188 = arith.constant 16 : i32
      %div3A_189 = arith.divsi %add3A_187, %jit3A_188 : i32
      %sign3A_190 = arith.constant 0 : i32
      %sign3A_191 = arith.cmpi sgt, %add3A_187, %sign3A_190 : i32
      %sign3A_192 = arith.extui %sign3A_191 : i1 to i32
      %sign3A_193 = arith.constant 0 : i32
      %sign3A_194 = arith.cmpi slt, %add3A_187, %sign3A_193 : i32
      %sign3A_195 = arith.extui %sign3A_194 : i1 to i32
      %sign3A_196 = arith.subi %sign3A_192, %sign3A_195 : i32
      %sign3A_197 = arith.constant 0 : i32
      %sign3A_198 = arith.cmpi sgt, %jit3A_188, %sign3A_197 : i32
      %sign3A_199 = arith.extui %sign3A_198 : i1 to i32
      %sign3A_200 = arith.constant 0 : i32
      %sign3A_201 = arith.cmpi slt, %jit3A_188, %sign3A_200 : i32
      %sign3A_202 = arith.extui %sign3A_201 : i1 to i32
      %sign3A_203 = arith.subi %sign3A_199, %sign3A_202 : i32
      %ne3A_204 = arith.cmpi ne, %sign3A_196, %sign3A_203 : i32
      %rem3A_205 = arith.remsi %add3A_187, %jit3A_188 : i32
      %ne3A_206 = arith.constant 0 : i32
      %ne3A_207 = arith.cmpi ne, %rem3A_205, %ne3A_206 : i32
      %and3A_208 = arith.andi %ne3A_204, %ne3A_207 : i1
      %sub3A_209 = arith.constant 1 : i32
      %sub3A_210 = arith.subi %div3A_189, %sub3A_209 : i32
      %select_n3A_211 = arith.select %and3A_208, %sub3A_210, %div3A_189 : i32
      %jit3A_212 = arith.constant 2 : i32
      %eq3A_213 = arith.constant 0 : i32
      %eq3A_214 = arith.cmpi eq, %jit3A_212, %eq3A_213 : i32
      %jit3A_215 = arith.constant 1 : i32
      %select_n3A_216 = arith.select %eq3A_214, %jit3A_215, %jit3A_212 : i32
      %rem3A_217 = arith.remsi %select_n3A_211, %select_n3A_216 : i32
      %ne3A_218 = arith.constant 0 : i32
      %ne3A_219 = arith.cmpi ne, %rem3A_217, %ne3A_218 : i32
      %lt3A_220 = arith.constant 0 : i32
      %lt3A_221 = arith.cmpi slt, %rem3A_217, %lt3A_220 : i32
      %lt3A_222 = arith.constant 0 : i32
      %lt3A_223 = arith.cmpi slt, %select_n3A_216, %lt3A_222 : i32
      %ne3A_224 = arith.xori %lt3A_221, %lt3A_223 : i1
      %and3A_225 = arith.andi %ne3A_224, %ne3A_219 : i1
      %add3A_226 = arith.addi %rem3A_217, %select_n3A_216 : i32
      %select_n3A_227 = arith.select %and3A_225, %add3A_226, %rem3A_217 : i32
      %jit3A_228 = arith.constant 16 : i32
      %eq3A_229 = arith.constant 0 : i32
      %eq3A_230 = arith.cmpi eq, %jit3A_228, %eq3A_229 : i32
      %jit3A_231 = arith.constant 1 : i32
      %select_n3A_232 = arith.select %eq3A_230, %jit3A_231, %jit3A_228 : i32
      %rem3A_233 = arith.remsi %add3A_187, %select_n3A_232 : i32
      %ne3A_234 = arith.constant 0 : i32
      %ne3A_235 = arith.cmpi ne, %rem3A_233, %ne3A_234 : i32
      %lt3A_236 = arith.constant 0 : i32
      %lt3A_237 = arith.cmpi slt, %rem3A_233, %lt3A_236 : i32
      %lt3A_238 = arith.constant 0 : i32
      %lt3A_239 = arith.cmpi slt, %select_n3A_232, %lt3A_238 : i32
      %ne3A_240 = arith.xori %lt3A_237, %lt3A_239 : i1
      %and3A_241 = arith.andi %ne3A_240, %ne3A_235 : i1
      %add3A_242 = arith.addi %rem3A_233, %select_n3A_232 : i32
      %select_n3A_243 = arith.select %and3A_241, %add3A_242, %rem3A_233 : i32
      %dma_start3A_244 = arith.constant 1 : i32
      %dma_start3A_245 = arith.constant 0 : i32
      %dma_start3A_246 = arith.constant 0 : i32
      %dma_start3A_247 = tpu.memref_slice %arg9[%dma_start3A_244, %dma_start3A_245, %dma_start3A_246] : memref<2x125x64xf32, #tpu.memory_space<vmem>> -> memref<1x125x64xf32, #tpu.memory_space<vmem>>
      %dma_start3A_248 = tpu.memref_squeeze %dma_start3A_247 : memref<1x125x64xf32, #tpu.memory_space<vmem>> -> memref<125x64xf32, #tpu.memory_space<vmem>>
      %dma_start3A_249 = arith.constant 0 : i32
      %dma_start3A_250 = tpu.memref_slice %arg8[%select_n3A_227, %select_n3A_243, %dma_start3A_249] : memref<2x16x125xi32, #tpu.memory_space<vmem>> -> memref<1x1x125xi32, #tpu.memory_space<vmem>>
      %dma_start3A_251 = tpu.memref_squeeze %dma_start3A_250 : memref<1x1x125xi32, #tpu.memory_space<vmem>> -> memref<125xi32, #tpu.memory_space<vmem>>
      %dma_start3A_252 = arith.constant 0 : i32
      %dma_start3A_253 = arith.constant 0 : i32
      %dma_start3A_254 = tpu.memref_slice %arg10[%dma_start3A_252, %dma_start3A_253] : memref<10240x64xf32, #tpu.memory_space<vmem_shared>> -> memref<10240x64xf32, #tpu.memory_space<vmem_shared>>
      tpu.enqueue_indirect_dma source(%dma_start3A_248 : memref<125x64xf32, #tpu.memory_space<vmem>>) target(%dma_start3A_254 : memref<10240x64xf32, #tpu.memory_space<vmem_shared>>) offsets(%dma_start3A_251 : memref<125xi32, #tpu.memory_space<vmem>>) semaphore(%arg14 : memref<!tpu.dma_semaphore, #tpu.memory_space<semaphore_mem>>) {add = true}
      %dma_wait3A_255 = arith.constant 0 : i32
      %dma_wait3A_256 = arith.constant 0 : i32
      %dma_wait3A_257 = arith.constant 0 : i32
      %dma_wait3A_258 = arith.constant 0 : i32
      %dma_wait3A_259 = arith.constant 0 : i32
      %dma_wait3A_260 = tpu.memref_slice %arg9[%dma_wait3A_255, %dma_wait3A_258, %dma_wait3A_259] : memref<2x125x64xf32, #tpu.memory_space<vmem>> -> memref<1x125x64xf32, #tpu.memory_space<vmem>>
      %dma_wait3A_261 = tpu.memref_squeeze %dma_wait3A_260 : memref<1x125x64xf32, #tpu.memory_space<vmem>> -> memref<125x64xf32, #tpu.memory_space<vmem>>
      %dma_wait3A_262 = arith.constant 0 : i32
      %dma_wait3A_263 = tpu.memref_slice %arg8[%dma_wait3A_256, %dma_wait3A_257, %dma_wait3A_262] : memref<2x16x125xi32, #tpu.memory_space<vmem>> -> memref<1x1x125xi32, #tpu.memory_space<vmem>>
      %dma_wait3A_264 = tpu.memref_squeeze %dma_wait3A_263 : memref<1x1x125xi32, #tpu.memory_space<vmem>> -> memref<125xi32, #tpu.memory_space<vmem>>
      %dma_wait3A_265 = arith.constant 0 : i32
      %dma_wait3A_266 = arith.constant 0 : i32
      %dma_wait3A_267 = tpu.memref_slice %arg10[%dma_wait3A_265, %dma_wait3A_266] : memref<10240x64xf32, #tpu.memory_space<vmem_shared>> -> memref<10240x64xf32, #tpu.memory_space<vmem_shared>>
      tpu.wait_indirect_dma semaphore(%arg13 : memref<!tpu.dma_semaphore, #tpu.memory_space<semaphore_mem>>) src(%dma_wait3A_261 : memref<125x64xf32, #tpu.memory_space<vmem>>) dst(%dma_wait3A_267 : memref<10240x64xf32, #tpu.memory_space<vmem_shared>>)
      %mul3A_268 = arith.constant 2 : i32
      %mul3A_269 = arith.muli %mul3A_268, %scan3A_130 : i32
      %add3A_270 = arith.constant 2 : i32
      %add3A_271 = arith.addi %mul3A_269, %add3A_270 : i32
      %jit3A_272 = arith.constant 16 : i32
      %div3A_273 = arith.divsi %add3A_271, %jit3A_272 : i32
      %sign3A_274 = arith.constant 0 : i32
      %sign3A_275 = arith.cmpi sgt, %add3A_271, %sign3A_274 : i32
      %sign3A_276 = arith.extui %sign3A_275 : i1 to i32
      %sign3A_277 = arith.constant 0 : i32
      %sign3A_278 = arith.cmpi slt, %add3A_271, %sign3A_277 : i32
      %sign3A_279 = arith.extui %sign3A_278 : i1 to i32
      %sign3A_280 = arith.subi %sign3A_276, %sign3A_279 : i32
      %sign3A_281 = arith.constant 0 : i32
      %sign3A_282 = arith.cmpi sgt, %jit3A_272, %sign3A_281 : i32
      %sign3A_283 = arith.extui %sign3A_282 : i1 to i32
      %sign3A_284 = arith.constant 0 : i32
      %sign3A_285 = arith.cmpi slt, %jit3A_272, %sign3A_284 : i32
      %sign3A_286 = arith.extui %sign3A_285 : i1 to i32
      %sign3A_287 = arith.subi %sign3A_283, %sign3A_286 : i32
      %ne3A_288 = arith.cmpi ne, %sign3A_280, %sign3A_287 : i32
      %rem3A_289 = arith.remsi %add3A_271, %jit3A_272 : i32
      %ne3A_290 = arith.constant 0 : i32
      %ne3A_291 = arith.cmpi ne, %rem3A_289, %ne3A_290 : i32
      %and3A_292 = arith.andi %ne3A_288, %ne3A_291 : i1
      %sub3A_293 = arith.constant 1 : i32
      %sub3A_294 = arith.subi %div3A_273, %sub3A_293 : i32
      %select_n3A_295 = arith.select %and3A_292, %sub3A_294, %div3A_273 : i32
      %jit3A_296 = arith.constant 2 : i32
      %eq3A_297 = arith.constant 0 : i32
      %eq3A_298 = arith.cmpi eq, %jit3A_296, %eq3A_297 : i32
      %jit3A_299 = arith.constant 1 : i32
      %select_n3A_300 = arith.select %eq3A_298, %jit3A_299, %jit3A_296 : i32
      %rem3A_301 = arith.remsi %select_n3A_295, %select_n3A_300 : i32
      %ne3A_302 = arith.constant 0 : i32
      %ne3A_303 = arith.cmpi ne, %rem3A_301, %ne3A_302 : i32
      %lt3A_304 = arith.constant 0 : i32
      %lt3A_305 = arith.cmpi slt, %rem3A_301, %lt3A_304 : i32
      %lt3A_306 = arith.constant 0 : i32
      %lt3A_307 = arith.cmpi slt, %select_n3A_300, %lt3A_306 : i32
      %ne3A_308 = arith.xori %lt3A_305, %lt3A_307 : i1
      %and3A_309 = arith.andi %ne3A_308, %ne3A_303 : i1
      %add3A_310 = arith.addi %rem3A_301, %select_n3A_300 : i32
      %select_n3A_311 = arith.select %and3A_309, %add3A_310, %rem3A_301 : i32
      %jit3A_312 = arith.constant 16 : i32
      %eq3A_313 = arith.constant 0 : i32
      %eq3A_314 = arith.cmpi eq, %jit3A_312, %eq3A_313 : i32
      %jit3A_315 = arith.constant 1 : i32
      %select_n3A_316 = arith.select %eq3A_314, %jit3A_315, %jit3A_312 : i32
      %rem3A_317 = arith.remsi %add3A_271, %select_n3A_316 : i32
      %ne3A_318 = arith.constant 0 : i32
      %ne3A_319 = arith.cmpi ne, %rem3A_317, %ne3A_318 : i32
      %lt3A_320 = arith.constant 0 : i32
      %lt3A_321 = arith.cmpi slt, %rem3A_317, %lt3A_320 : i32
      %lt3A_322 = arith.constant 0 : i32
      %lt3A_323 = arith.cmpi slt, %select_n3A_316, %lt3A_322 : i32
      %ne3A_324 = arith.xori %lt3A_321, %lt3A_323 : i1
      %and3A_325 = arith.andi %ne3A_324, %ne3A_319 : i1
      %add3A_326 = arith.addi %rem3A_317, %select_n3A_316 : i32
      %select_n3A_327 = arith.select %and3A_325, %add3A_326, %rem3A_317 : i32
      %dma_start3A_328 = arith.constant 0 : i32
      %dma_start3A_329 = arith.constant 0 : i32
      %dma_start3A_330 = arith.constant 0 : i32
      %dma_start3A_331 = tpu.memref_slice %arg9[%dma_start3A_328, %dma_start3A_329, %dma_start3A_330] : memref<2x125x64xf32, #tpu.memory_space<vmem>> -> memref<1x125x64xf32, #tpu.memory_space<vmem>>
      %dma_start3A_332 = tpu.memref_squeeze %dma_start3A_331 : memref<1x125x64xf32, #tpu.memory_space<vmem>> -> memref<125x64xf32, #tpu.memory_space<vmem>>
      %dma_start3A_333 = arith.constant 0 : i32
      %dma_start3A_334 = tpu.memref_slice %arg7[%select_n3A_311, %select_n3A_327, %dma_start3A_333] : memref<2x16x125xi32, #tpu.memory_space<vmem>> -> memref<1x1x125xi32, #tpu.memory_space<vmem>>
      %dma_start3A_335 = tpu.memref_squeeze %dma_start3A_334 : memref<1x1x125xi32, #tpu.memory_space<vmem>> -> memref<125xi32, #tpu.memory_space<vmem>>
      %dma_start3A_336 = arith.constant 0 : i32
      %dma_start3A_337 = arith.constant 0 : i32
      %dma_start3A_338 = tpu.memref_slice %arg2[%dma_start3A_336, %dma_start3A_337] : memref<10000x64xf32, #tpu.memory_space<hbm>> -> memref<10000x64xf32, #tpu.memory_space<hbm>>
      tpu.enqueue_indirect_dma source(%dma_start3A_338 : memref<10000x64xf32, #tpu.memory_space<hbm>>) target(%dma_start3A_332 : memref<125x64xf32, #tpu.memory_space<vmem>>) offsets(%dma_start3A_335 : memref<125xi32, #tpu.memory_space<vmem>>) semaphore(%arg11 : memref<!tpu.dma_semaphore, #tpu.memory_space<semaphore_mem>>)
      %dma_wait3A_339 = arith.constant 0 : i32
      %dma_wait3A_340 = arith.constant 0 : i32
      %dma_wait3A_341 = arith.constant 0 : i32
      %dma_wait3A_342 = arith.constant 0 : i32
      %dma_wait3A_343 = arith.constant 0 : i32
      %dma_wait3A_344 = tpu.memref_slice %arg9[%dma_wait3A_341, %dma_wait3A_342, %dma_wait3A_343] : memref<2x125x64xf32, #tpu.memory_space<vmem>> -> memref<1x125x64xf32, #tpu.memory_space<vmem>>
      %dma_wait3A_345 = tpu.memref_squeeze %dma_wait3A_344 : memref<1x125x64xf32, #tpu.memory_space<vmem>> -> memref<125x64xf32, #tpu.memory_space<vmem>>
      %dma_wait3A_346 = arith.constant 0 : i32
      %dma_wait3A_347 = tpu.memref_slice %arg7[%dma_wait3A_339, %dma_wait3A_340, %dma_wait3A_346] : memref<2x16x125xi32, #tpu.memory_space<vmem>> -> memref<1x1x125xi32, #tpu.memory_space<vmem>>
      %dma_wait3A_348 = tpu.memref_squeeze %dma_wait3A_347 : memref<1x1x125xi32, #tpu.memory_space<vmem>> -> memref<125xi32, #tpu.memory_space<vmem>>
      %dma_wait3A_349 = arith.constant 0 : i32
      %dma_wait3A_350 = arith.constant 0 : i32
      %dma_wait3A_351 = tpu.memref_slice %arg2[%dma_wait3A_349, %dma_wait3A_350] : memref<10000x64xf32, #tpu.memory_space<hbm>> -> memref<10000x64xf32, #tpu.memory_space<hbm>>
      tpu.wait_indirect_dma semaphore(%arg11 : memref<!tpu.dma_semaphore, #tpu.memory_space<semaphore_mem>>) src(%dma_wait3A_351 : memref<10000x64xf32, #tpu.memory_space<hbm>>) dst(%dma_wait3A_345 : memref<125x64xf32, #tpu.memory_space<vmem>>)
      %mul3A_352 = arith.constant 2 : i32
      %mul3A_353 = arith.muli %mul3A_352, %scan3A_130 : i32
      %add3A_354 = arith.constant 2 : i32
      %add3A_355 = arith.addi %mul3A_353, %add3A_354 : i32
      %jit3A_356 = arith.constant 16 : i32
      %div3A_357 = arith.divsi %add3A_355, %jit3A_356 : i32
      %sign3A_358 = arith.constant 0 : i32
      %sign3A_359 = arith.cmpi sgt, %add3A_355, %sign3A_358 : i32
      %sign3A_360 = arith.extui %sign3A_359 : i1 to i32
      %sign3A_361 = arith.constant 0 : i32
      %sign3A_362 = arith.cmpi slt, %add3A_355, %sign3A_361 : i32
      %sign3A_363 = arith.extui %sign3A_362 : i1 to i32
      %sign3A_364 = arith.subi %sign3A_360, %sign3A_363 : i32
      %sign3A_365 = arith.constant 0 : i32
      %sign3A_366 = arith.cmpi sgt, %jit3A_356, %sign3A_365 : i32
      %sign3A_367 = arith.extui %sign3A_366 : i1 to i32
      %sign3A_368 = arith.constant 0 : i32
      %sign3A_369 = arith.cmpi slt, %jit3A_356, %sign3A_368 : i32
      %sign3A_370 = arith.extui %sign3A_369 : i1 to i32
      %sign3A_371 = arith.subi %sign3A_367, %sign3A_370 : i32
      %ne3A_372 = arith.cmpi ne, %sign3A_364, %sign3A_371 : i32
      %rem3A_373 = arith.remsi %add3A_355, %jit3A_356 : i32
      %ne3A_374 = arith.constant 0 : i32
      %ne3A_375 = arith.cmpi ne, %rem3A_373, %ne3A_374 : i32
      %and3A_376 = arith.andi %ne3A_372, %ne3A_375 : i1
      %sub3A_377 = arith.constant 1 : i32
      %sub3A_378 = arith.subi %div3A_357, %sub3A_377 : i32
      %select_n3A_379 = arith.select %and3A_376, %sub3A_378, %div3A_357 : i32
      %jit3A_380 = arith.constant 2 : i32
      %eq3A_381 = arith.constant 0 : i32
      %eq3A_382 = arith.cmpi eq, %jit3A_380, %eq3A_381 : i32
      %jit3A_383 = arith.constant 1 : i32
      %select_n3A_384 = arith.select %eq3A_382, %jit3A_383, %jit3A_380 : i32
      %rem3A_385 = arith.remsi %select_n3A_379, %select_n3A_384 : i32
      %ne3A_386 = arith.constant 0 : i32
      %ne3A_387 = arith.cmpi ne, %rem3A_385, %ne3A_386 : i32
      %lt3A_388 = arith.constant 0 : i32
      %lt3A_389 = arith.cmpi slt, %rem3A_385, %lt3A_388 : i32
      %lt3A_390 = arith.constant 0 : i32
      %lt3A_391 = arith.cmpi slt, %select_n3A_384, %lt3A_390 : i32
      %ne3A_392 = arith.xori %lt3A_389, %lt3A_391 : i1
      %and3A_393 = arith.andi %ne3A_392, %ne3A_387 : i1
      %add3A_394 = arith.addi %rem3A_385, %select_n3A_384 : i32
      %select_n3A_395 = arith.select %and3A_393, %add3A_394, %rem3A_385 : i32
      %jit3A_396 = arith.constant 16 : i32
      %eq3A_397 = arith.constant 0 : i32
      %eq3A_398 = arith.cmpi eq, %jit3A_396, %eq3A_397 : i32
      %jit3A_399 = arith.constant 1 : i32
      %select_n3A_400 = arith.select %eq3A_398, %jit3A_399, %jit3A_396 : i32
      %rem3A_401 = arith.remsi %add3A_355, %select_n3A_400 : i32
      %ne3A_402 = arith.constant 0 : i32
      %ne3A_403 = arith.cmpi ne, %rem3A_401, %ne3A_402 : i32
      %lt3A_404 = arith.constant 0 : i32
      %lt3A_405 = arith.cmpi slt, %rem3A_401, %lt3A_404 : i32
      %lt3A_406 = arith.constant 0 : i32
      %lt3A_407 = arith.cmpi slt, %select_n3A_400, %lt3A_406 : i32
      %ne3A_408 = arith.xori %lt3A_405, %lt3A_407 : i1
      %and3A_409 = arith.andi %ne3A_408, %ne3A_403 : i1
      %add3A_410 = arith.addi %rem3A_401, %select_n3A_400 : i32
      %select_n3A_411 = arith.select %and3A_409, %add3A_410, %rem3A_401 : i32
      %dma_start3A_412 = arith.constant 0 : i32
      %dma_start3A_413 = arith.constant 0 : i32
      %dma_start3A_414 = arith.constant 0 : i32
      %dma_start3A_415 = tpu.memref_slice %arg9[%dma_start3A_412, %dma_start3A_413, %dma_start3A_414] : memref<2x125x64xf32, #tpu.memory_space<vmem>> -> memref<1x125x64xf32, #tpu.memory_space<vmem>>
      %dma_start3A_416 = tpu.memref_squeeze %dma_start3A_415 : memref<1x125x64xf32, #tpu.memory_space<vmem>> -> memref<125x64xf32, #tpu.memory_space<vmem>>
      %dma_start3A_417 = arith.constant 0 : i32
      %dma_start3A_418 = tpu.memref_slice %arg8[%select_n3A_395, %select_n3A_411, %dma_start3A_417] : memref<2x16x125xi32, #tpu.memory_space<vmem>> -> memref<1x1x125xi32, #tpu.memory_space<vmem>>
      %dma_start3A_419 = tpu.memref_squeeze %dma_start3A_418 : memref<1x1x125xi32, #tpu.memory_space<vmem>> -> memref<125xi32, #tpu.memory_space<vmem>>
      %dma_start3A_420 = arith.constant 0 : i32
      %dma_start3A_421 = arith.constant 0 : i32
      %dma_start3A_422 = tpu.memref_slice %arg10[%dma_start3A_420, %dma_start3A_421] : memref<10240x64xf32, #tpu.memory_space<vmem_shared>> -> memref<10240x64xf32, #tpu.memory_space<vmem_shared>>
      tpu.enqueue_indirect_dma source(%dma_start3A_416 : memref<125x64xf32, #tpu.memory_space<vmem>>) target(%dma_start3A_422 : memref<10240x64xf32, #tpu.memory_space<vmem_shared>>) offsets(%dma_start3A_419 : memref<125xi32, #tpu.memory_space<vmem>>) semaphore(%arg13 : memref<!tpu.dma_semaphore, #tpu.memory_space<semaphore_mem>>) {add = true}
      %dma_wait3A_423 = arith.constant 1 : i32
      %dma_wait3A_424 = arith.constant 0 : i32
      %dma_wait3A_425 = arith.constant 0 : i32
      %dma_wait3A_426 = arith.constant 0 : i32
      %dma_wait3A_427 = arith.constant 0 : i32
      %dma_wait3A_428 = tpu.memref_slice %arg9[%dma_wait3A_423, %dma_wait3A_426, %dma_wait3A_427] : memref<2x125x64xf32, #tpu.memory_space<vmem>> -> memref<1x125x64xf32, #tpu.memory_space<vmem>>
      %dma_wait3A_429 = tpu.memref_squeeze %dma_wait3A_428 : memref<1x125x64xf32, #tpu.memory_space<vmem>> -> memref<125x64xf32, #tpu.memory_space<vmem>>
      %dma_wait3A_430 = arith.constant 0 : i32
      %dma_wait3A_431 = tpu.memref_slice %arg8[%dma_wait3A_424, %dma_wait3A_425, %dma_wait3A_430] : memref<2x16x125xi32, #tpu.memory_space<vmem>> -> memref<1x1x125xi32, #tpu.memory_space<vmem>>
      %dma_wait3A_432 = tpu.memref_squeeze %dma_wait3A_431 : memref<1x1x125xi32, #tpu.memory_space<vmem>> -> memref<125xi32, #tpu.memory_space<vmem>>
      %dma_wait3A_433 = arith.constant 0 : i32
      %dma_wait3A_434 = arith.constant 0 : i32
      %dma_wait3A_435 = tpu.memref_slice %arg10[%dma_wait3A_433, %dma_wait3A_434] : memref<10240x64xf32, #tpu.memory_space<vmem_shared>> -> memref<10240x64xf32, #tpu.memory_space<vmem_shared>>
      tpu.wait_indirect_dma semaphore(%arg14 : memref<!tpu.dma_semaphore, #tpu.memory_space<semaphore_mem>>) src(%dma_wait3A_429 : memref<125x64xf32, #tpu.memory_space<vmem>>) dst(%dma_wait3A_435 : memref<10240x64xf32, #tpu.memory_space<vmem_shared>>)
      %lt3A_436 = arith.constant 38 : i32
      %lt3A_437 = arith.cmpi slt, %scan3A_130, %lt3A_436 : i32
      %convert_element_type3A_438 = arith.extui %lt3A_437 : i1 to i32
      %cond3A_439 = arith.constant 0 : i32
      %cond3A_440 = arith.cmpi ne, %convert_element_type3A_438, %cond3A_439 : i32
      scf.if %cond3A_440 {
        %mul3A_441 = arith.constant 2 : i32
        %mul3A_442 = arith.muli %mul3A_441, %scan3A_130 : i32
        %add3A_443 = arith.constant 3 : i32
        %add3A_444 = arith.addi %mul3A_442, %add3A_443 : i32
        %jit3A_445 = arith.constant 16 : i32
        %div3A_446 = arith.divsi %add3A_444, %jit3A_445 : i32
        %sign3A_447 = arith.constant 0 : i32
        %sign3A_448 = arith.cmpi sgt, %add3A_444, %sign3A_447 : i32
        %sign3A_449 = arith.extui %sign3A_448 : i1 to i32
        %sign3A_450 = arith.constant 0 : i32
        %sign3A_451 = arith.cmpi slt, %add3A_444, %sign3A_450 : i32
        %sign3A_452 = arith.extui %sign3A_451 : i1 to i32
        %sign3A_453 = arith.subi %sign3A_449, %sign3A_452 : i32
        %sign3A_454 = arith.constant 0 : i32
        %sign3A_455 = arith.cmpi sgt, %jit3A_445, %sign3A_454 : i32
        %sign3A_456 = arith.extui %sign3A_455 : i1 to i32
        %sign3A_457 = arith.constant 0 : i32
        %sign3A_458 = arith.cmpi slt, %jit3A_445, %sign3A_457 : i32
        %sign3A_459 = arith.extui %sign3A_458 : i1 to i32
        %sign3A_460 = arith.subi %sign3A_456, %sign3A_459 : i32
        %ne3A_461 = arith.cmpi ne, %sign3A_453, %sign3A_460 : i32
        %rem3A_462 = arith.remsi %add3A_444, %jit3A_445 : i32
        %ne3A_463 = arith.constant 0 : i32
        %ne3A_464 = arith.cmpi ne, %rem3A_462, %ne3A_463 : i32
        %and3A_465 = arith.andi %ne3A_461, %ne3A_464 : i1
        %sub3A_466 = arith.constant 1 : i32
        %sub3A_467 = arith.subi %div3A_446, %sub3A_466 : i32
        %select_n3A_468 = arith.select %and3A_465, %sub3A_467, %div3A_446 : i32
        %jit3A_469 = arith.constant 2 : i32
        %eq3A_470 = arith.constant 0 : i32
        %eq3A_471 = arith.cmpi eq, %jit3A_469, %eq3A_470 : i32
        %jit3A_472 = arith.constant 1 : i32
        %select_n3A_473 = arith.select %eq3A_471, %jit3A_472, %jit3A_469 : i32
        %rem3A_474 = arith.remsi %select_n3A_468, %select_n3A_473 : i32
        %ne3A_475 = arith.constant 0 : i32
        %ne3A_476 = arith.cmpi ne, %rem3A_474, %ne3A_475 : i32
        %lt3A_477 = arith.constant 0 : i32
        %lt3A_478 = arith.cmpi slt, %rem3A_474, %lt3A_477 : i32
        %lt3A_479 = arith.constant 0 : i32
        %lt3A_480 = arith.cmpi slt, %select_n3A_473, %lt3A_479 : i32
        %ne3A_481 = arith.xori %lt3A_478, %lt3A_480 : i1
        %and3A_482 = arith.andi %ne3A_481, %ne3A_476 : i1
        %add3A_483 = arith.addi %rem3A_474, %select_n3A_473 : i32
        %select_n3A_484 = arith.select %and3A_482, %add3A_483, %rem3A_474 : i32
        %jit3A_485 = arith.constant 16 : i32
        %eq3A_486 = arith.constant 0 : i32
        %eq3A_487 = arith.cmpi eq, %jit3A_485, %eq3A_486 : i32
        %jit3A_488 = arith.constant 1 : i32
        %select_n3A_489 = arith.select %eq3A_487, %jit3A_488, %jit3A_485 : i32
        %rem3A_490 = arith.remsi %add3A_444, %select_n3A_489 : i32
        %ne3A_491 = arith.constant 0 : i32
        %ne3A_492 = arith.cmpi ne, %rem3A_490, %ne3A_491 : i32
        %lt3A_493 = arith.constant 0 : i32
        %lt3A_494 = arith.cmpi slt, %rem3A_490, %lt3A_493 : i32
        %lt3A_495 = arith.constant 0 : i32
        %lt3A_496 = arith.cmpi slt, %select_n3A_489, %lt3A_495 : i32
        %ne3A_497 = arith.xori %lt3A_494, %lt3A_496 : i1
        %and3A_498 = arith.andi %ne3A_497, %ne3A_492 : i1
        %add3A_499 = arith.addi %rem3A_490, %select_n3A_489 : i32
        %select_n3A_500 = arith.select %and3A_498, %add3A_499, %rem3A_490 : i32
        %dma_start3A_501 = arith.constant 1 : i32
        %dma_start3A_502 = arith.constant 0 : i32
        %dma_start3A_503 = arith.constant 0 : i32
        %dma_start3A_504 = tpu.memref_slice %arg9[%dma_start3A_501, %dma_start3A_502, %dma_start3A_503] : memref<2x125x64xf32, #tpu.memory_space<vmem>> -> memref<1x125x64xf32, #tpu.memory_space<vmem>>
        %dma_start3A_505 = tpu.memref_squeeze %dma_start3A_504 : memref<1x125x64xf32, #tpu.memory_space<vmem>> -> memref<125x64xf32, #tpu.memory_space<vmem>>
        %dma_start3A_506 = arith.constant 0 : i32
        %dma_start3A_507 = tpu.memref_slice %arg7[%select_n3A_484, %select_n3A_500, %dma_start3A_506] : memref<2x16x125xi32, #tpu.memory_space<vmem>> -> memref<1x1x125xi32, #tpu.memory_space<vmem>>
        %dma_start3A_508 = tpu.memref_squeeze %dma_start3A_507 : memref<1x1x125xi32, #tpu.memory_space<vmem>> -> memref<125xi32, #tpu.memory_space<vmem>>
        %dma_start3A_509 = arith.constant 0 : i32
        %dma_start3A_510 = arith.constant 0 : i32
        %dma_start3A_511 = tpu.memref_slice %arg2[%dma_start3A_509, %dma_start3A_510] : memref<10000x64xf32, #tpu.memory_space<hbm>> -> memref<10000x64xf32, #tpu.memory_space<hbm>>
        tpu.enqueue_indirect_dma source(%dma_start3A_511 : memref<10000x64xf32, #tpu.memory_space<hbm>>) target(%dma_start3A_505 : memref<125x64xf32, #tpu.memory_space<vmem>>) offsets(%dma_start3A_508 : memref<125xi32, #tpu.memory_space<vmem>>) semaphore(%arg12 : memref<!tpu.dma_semaphore, #tpu.memory_space<semaphore_mem>>)
      } else {
      }
    }
    %scan3A_60 = arith.constant 39 : i32
    %dma_start3A_61 = arith.constant 0 : i32
    %dma_start3A_62 = arith.constant 15 : i32
    %dma_start3A_63 = arith.constant 1 : i32
    %dma_start3A_64 = arith.constant 0 : i32
    %dma_start3A_65 = arith.constant 0 : i32
    %dma_start3A_66 = tpu.memref_slice %arg9[%dma_start3A_63, %dma_start3A_64, %dma_start3A_65] : memref<2x125x64xf32, #tpu.memory_space<vmem>> -> memref<1x125x64xf32, #tpu.memory_space<vmem>>
    %dma_start3A_67 = tpu.memref_squeeze %dma_start3A_66 : memref<1x125x64xf32, #tpu.memory_space<vmem>> -> memref<125x64xf32, #tpu.memory_space<vmem>>
    %dma_start3A_68 = arith.constant 0 : i32
    %dma_start3A_69 = tpu.memref_slice %arg7[%dma_start3A_61, %dma_start3A_62, %dma_start3A_68] : memref<2x16x125xi32, #tpu.memory_space<vmem>> -> memref<1x1x125xi32, #tpu.memory_space<vmem>>
    %dma_start3A_70 = tpu.memref_squeeze %dma_start3A_69 : memref<1x1x125xi32, #tpu.memory_space<vmem>> -> memref<125xi32, #tpu.memory_space<vmem>>
    %dma_start3A_71 = arith.constant 0 : i32
    %dma_start3A_72 = arith.constant 0 : i32
    %dma_start3A_73 = tpu.memref_slice %arg2[%dma_start3A_71, %dma_start3A_72] : memref<10000x64xf32, #tpu.memory_space<hbm>> -> memref<10000x64xf32, #tpu.memory_space<hbm>>
    tpu.enqueue_indirect_dma source(%dma_start3A_73 : memref<10000x64xf32, #tpu.memory_space<hbm>>) target(%dma_start3A_67 : memref<125x64xf32, #tpu.memory_space<vmem>>) offsets(%dma_start3A_70 : memref<125xi32, #tpu.memory_space<vmem>>) semaphore(%arg12 : memref<!tpu.dma_semaphore, #tpu.memory_space<semaphore_mem>>)
    %dma_wait3A_74 = arith.constant 0 : i32
    %dma_wait3A_75 = arith.constant 0 : i32
    %dma_wait3A_76 = arith.constant 1 : i32
    %dma_wait3A_77 = arith.constant 0 : i32
    %dma_wait3A_78 = arith.constant 0 : i32
    %dma_wait3A_79 = tpu.memref_slice %arg9[%dma_wait3A_76, %dma_wait3A_77, %dma_wait3A_78] : memref<2x125x64xf32, #tpu.memory_space<vmem>> -> memref<1x125x64xf32, #tpu.memory_space<vmem>>
    %dma_wait3A_80 = tpu.memref_squeeze %dma_wait3A_79 : memref<1x125x64xf32, #tpu.memory_space<vmem>> -> memref<125x64xf32, #tpu.memory_space<vmem>>
    %dma_wait3A_81 = arith.constant 0 : i32
    %dma_wait3A_82 = tpu.memref_slice %arg7[%dma_wait3A_74, %dma_wait3A_75, %dma_wait3A_81] : memref<2x16x125xi32, #tpu.memory_space<vmem>> -> memref<1x1x125xi32, #tpu.memory_space<vmem>>
    %dma_wait3A_83 = tpu.memref_squeeze %dma_wait3A_82 : memref<1x1x125xi32, #tpu.memory_space<vmem>> -> memref<125xi32, #tpu.memory_space<vmem>>
    %dma_wait3A_84 = arith.constant 0 : i32
    %dma_wait3A_85 = arith.constant 0 : i32
    %dma_wait3A_86 = tpu.memref_slice %arg2[%dma_wait3A_84, %dma_wait3A_85] : memref<10000x64xf32, #tpu.memory_space<hbm>> -> memref<10000x64xf32, #tpu.memory_space<hbm>>
    tpu.wait_indirect_dma semaphore(%arg12 : memref<!tpu.dma_semaphore, #tpu.memory_space<semaphore_mem>>) src(%dma_wait3A_86 : memref<10000x64xf32, #tpu.memory_space<hbm>>) dst(%dma_wait3A_80 : memref<125x64xf32, #tpu.memory_space<vmem>>)
    %dma_start3A_87 = arith.constant 1 : i32
    %dma_start3A_88 = arith.constant 0 : i32
    %dma_start3A_89 = arith.constant 15 : i32
    %dma_start3A_90 = arith.constant 0 : i32
    %dma_start3A_91 = arith.constant 0 : i32
    %dma_start3A_92 = tpu.memref_slice %arg9[%dma_start3A_87, %dma_start3A_90, %dma_start3A_91] : memref<2x125x64xf32, #tpu.memory_space<vmem>> -> memref<1x125x64xf32, #tpu.memory_space<vmem>>
    %dma_start3A_93 = tpu.memref_squeeze %dma_start3A_92 : memref<1x125x64xf32, #tpu.memory_space<vmem>> -> memref<125x64xf32, #tpu.memory_space<vmem>>
    %dma_start3A_94 = arith.constant 0 : i32
    %dma_start3A_95 = tpu.memref_slice %arg8[%dma_start3A_88, %dma_start3A_89, %dma_start3A_94] : memref<2x16x125xi32, #tpu.memory_space<vmem>> -> memref<1x1x125xi32, #tpu.memory_space<vmem>>
    %dma_start3A_96 = tpu.memref_squeeze %dma_start3A_95 : memref<1x1x125xi32, #tpu.memory_space<vmem>> -> memref<125xi32, #tpu.memory_space<vmem>>
    %dma_start3A_97 = arith.constant 0 : i32
    %dma_start3A_98 = arith.constant 0 : i32
    %dma_start3A_99 = tpu.memref_slice %arg10[%dma_start3A_97, %dma_start3A_98] : memref<10240x64xf32, #tpu.memory_space<vmem_shared>> -> memref<10240x64xf32, #tpu.memory_space<vmem_shared>>
    tpu.enqueue_indirect_dma source(%dma_start3A_93 : memref<125x64xf32, #tpu.memory_space<vmem>>) target(%dma_start3A_99 : memref<10240x64xf32, #tpu.memory_space<vmem_shared>>) offsets(%dma_start3A_96 : memref<125xi32, #tpu.memory_space<vmem>>) semaphore(%arg14 : memref<!tpu.dma_semaphore, #tpu.memory_space<semaphore_mem>>) {add = true}
    %dma_wait3A_100 = arith.constant 0 : i32
    %dma_wait3A_101 = arith.constant 0 : i32
    %dma_wait3A_102 = arith.constant 0 : i32
    %dma_wait3A_103 = arith.constant 0 : i32
    %dma_wait3A_104 = arith.constant 0 : i32
    %dma_wait3A_105 = tpu.memref_slice %arg9[%dma_wait3A_100, %dma_wait3A_103, %dma_wait3A_104] : memref<2x125x64xf32, #tpu.memory_space<vmem>> -> memref<1x125x64xf32, #tpu.memory_space<vmem>>
    %dma_wait3A_106 = tpu.memref_squeeze %dma_wait3A_105 : memref<1x125x64xf32, #tpu.memory_space<vmem>> -> memref<125x64xf32, #tpu.memory_space<vmem>>
    %dma_wait3A_107 = arith.constant 0 : i32
    %dma_wait3A_108 = tpu.memref_slice %arg8[%dma_wait3A_101, %dma_wait3A_102, %dma_wait3A_107] : memref<2x16x125xi32, #tpu.memory_space<vmem>> -> memref<1x1x125xi32, #tpu.memory_space<vmem>>
    %dma_wait3A_109 = tpu.memref_squeeze %dma_wait3A_108 : memref<1x1x125xi32, #tpu.memory_space<vmem>> -> memref<125xi32, #tpu.memory_space<vmem>>
    %dma_wait3A_110 = arith.constant 0 : i32
    %dma_wait3A_111 = arith.constant 0 : i32
    %dma_wait3A_112 = tpu.memref_slice %arg10[%dma_wait3A_110, %dma_wait3A_111] : memref<10240x64xf32, #tpu.memory_space<vmem_shared>> -> memref<10240x64xf32, #tpu.memory_space<vmem_shared>>
    tpu.wait_indirect_dma semaphore(%arg13 : memref<!tpu.dma_semaphore, #tpu.memory_space<semaphore_mem>>) src(%dma_wait3A_106 : memref<125x64xf32, #tpu.memory_space<vmem>>) dst(%dma_wait3A_112 : memref<10240x64xf32, #tpu.memory_space<vmem_shared>>)
    %dma_wait3A_113 = arith.constant 1 : i32
    %dma_wait3A_114 = arith.constant 0 : i32
    %dma_wait3A_115 = arith.constant 0 : i32
    %dma_wait3A_116 = arith.constant 0 : i32
    %dma_wait3A_117 = arith.constant 0 : i32
    %dma_wait3A_118 = tpu.memref_slice %arg9[%dma_wait3A_113, %dma_wait3A_116, %dma_wait3A_117] : memref<2x125x64xf32, #tpu.memory_space<vmem>> -> memref<1x125x64xf32, #tpu.memory_space<vmem>>
    %dma_wait3A_119 = tpu.memref_squeeze %dma_wait3A_118 : memref<1x125x64xf32, #tpu.memory_space<vmem>> -> memref<125x64xf32, #tpu.memory_space<vmem>>
    %dma_wait3A_120 = arith.constant 0 : i32
    %dma_wait3A_121 = tpu.memref_slice %arg8[%dma_wait3A_114, %dma_wait3A_115, %dma_wait3A_120] : memref<2x16x125xi32, #tpu.memory_space<vmem>> -> memref<1x1x125xi32, #tpu.memory_space<vmem>>
    %dma_wait3A_122 = tpu.memref_squeeze %dma_wait3A_121 : memref<1x1x125xi32, #tpu.memory_space<vmem>> -> memref<125xi32, #tpu.memory_space<vmem>>
    %dma_wait3A_123 = arith.constant 0 : i32
    %dma_wait3A_124 = arith.constant 0 : i32
    %dma_wait3A_125 = tpu.memref_slice %arg10[%dma_wait3A_123, %dma_wait3A_124] : memref<10240x64xf32, #tpu.memory_space<vmem_shared>> -> memref<10240x64xf32, #tpu.memory_space<vmem_shared>>
    tpu.wait_indirect_dma semaphore(%arg14 : memref<!tpu.dma_semaphore, #tpu.memory_space<semaphore_mem>>) src(%dma_wait3A_119 : memref<125x64xf32, #tpu.memory_space<vmem>>) dst(%dma_wait3A_125 : memref<10240x64xf32, #tpu.memory_space<vmem_shared>>)
    %barrier3A_126 = arith.constant 0 : index
    tpu.barrier barrier_id(%barrier3A_126)
    %mul3A_127 = arith.constant 10240 : i32
    %mul3A_128 = arith.muli %arg0, %mul3A_127 : i32
    %add3A_129 = arith.addi %mul3A_128, %mul3A_2 : i32
    "tpu.region"() ({
      %run_scoped3A_130 = tpu.sem_alloc : memref<!tpu.dma_semaphore, #tpu.memory_space<semaphore_mem>>
      %dma_start3A_131 = arith.constant 0 : i32
      %dma_start3A_132 = tpu.memref_slice %arg6[%add3A_129, %dma_start3A_131] : memref<20480x64xf32, #tpu.memory_space<hbm>> -> memref<640x64xf32, #tpu.memory_space<hbm>>
      %dma_start3A_133 = arith.constant 0 : i32
      %dma_start3A_134 = tpu.memref_slice %arg10[%mul3A_2, %dma_start3A_133] : memref<10240x64xf32, #tpu.memory_space<vmem_shared>> -> memref<640x64xf32, #tpu.memory_space<vmem_shared>>
      tpu.enqueue_dma source(%dma_start3A_134 : memref<640x64xf32, #tpu.memory_space<vmem_shared>>) target(%dma_start3A_132 : memref<640x64xf32, #tpu.memory_space<hbm>>) target_semaphore(%run_scoped3A_130 : memref<!tpu.dma_semaphore, #tpu.memory_space<semaphore_mem>>)
      %dma_wait3A_135 = arith.constant 0 : i32
      %dma_wait3A_136 = tpu.memref_slice %arg6[%add3A_129, %dma_wait3A_135] : memref<20480x64xf32, #tpu.memory_space<hbm>> -> memref<640x64xf32, #tpu.memory_space<hbm>>
      %dma_wait3A_137 = arith.constant 0 : i32
      %dma_wait3A_138 = tpu.memref_slice %arg10[%mul3A_2, %dma_wait3A_137] : memref<10240x64xf32, #tpu.memory_space<vmem_shared>> -> memref<640x64xf32, #tpu.memory_space<vmem_shared>>
      tpu.wait_dma2 semaphore(%run_scoped3A_130 : memref<!tpu.dma_semaphore, #tpu.memory_space<semaphore_mem>>) src(%dma_wait3A_138 : memref<640x64xf32, #tpu.memory_space<vmem_shared>>) dst(%dma_wait3A_136 : memref<640x64xf32, #tpu.memory_space<hbm>>)
      tpu.yield
    }) : () -> ()
    return
  }
}

#map = affine_map<(d0, d1) -> (0, 0)>
module attributes {stable_mosaic.version = 14 : i64} {
  func.func @_deg_body(%arg0: i32, %arg1: i32, %arg2: memref<2560x125xi32, #tpu.memory_space<hbm>>, %arg3: memref<125x8xf32, #tpu.memory_space<hbm>>, %arg4: memref<640x8xf32, #tpu.memory_space<hbm>>, %arg5: memref<20480x8xf32, #tpu.memory_space<hbm>>, %arg6: memref<80x125xi32, #tpu.memory_space<vmem>>, %arg7: memref<125x8xf32, #tpu.memory_space<vmem>>, %arg8: memref<10240x8xf32, #tpu.memory_space<vmem_shared>>, %arg9: memref<!tpu.dma_semaphore, #tpu.memory_space<semaphore_mem>>) attributes {dimension_semantics = [#tpu.dimension_semantics<core_parallel>, #tpu.dimension_semantics<subcore_parallel>], iteration_bounds = array<i64: 2, 16>, scalar_prefetch = 0 : i64, scratch_operands = 4 : i64, tpu.core_type = #tpu.core_type<sc_vector_subcore>, window_params = [{transform_indices = #map}, {transform_indices = #map}, {transform_indices = #map}, {transform_indices = #map}]} {
    %mul3A = arith.constant 16 : i32
    %mul3A_0 = arith.muli %arg0, %mul3A : i32
    %add3A = arith.addi %mul3A_0, %arg1 : i32
    %mul3A_1 = arith.constant 640 : i32
    %mul3A_2 = arith.muli %arg1, %mul3A_1 : i32
    "tpu.region"() ({
      %run_scoped3A = tpu.sem_alloc : memref<!tpu.dma_semaphore, #tpu.memory_space<semaphore_mem>>
      %dma_start3A = arith.constant 0 : i32
      %dma_start3A_14 = tpu.memref_slice %arg8[%mul3A_2, %dma_start3A] : memref<10240x8xf32, #tpu.memory_space<vmem_shared>> -> memref<640x8xf32, #tpu.memory_space<vmem_shared>>
      tpu.enqueue_dma source(%arg4 : memref<640x8xf32, #tpu.memory_space<hbm>>) target(%dma_start3A_14 : memref<640x8xf32, #tpu.memory_space<vmem_shared>>) target_semaphore(%run_scoped3A : memref<!tpu.dma_semaphore, #tpu.memory_space<semaphore_mem>>)
      %dma_wait3A = arith.constant 0 : i32
      %dma_wait3A_15 = tpu.memref_slice %arg8[%mul3A_2, %dma_wait3A] : memref<10240x8xf32, #tpu.memory_space<vmem_shared>> -> memref<640x8xf32, #tpu.memory_space<vmem_shared>>
      tpu.wait_dma2 semaphore(%run_scoped3A : memref<!tpu.dma_semaphore, #tpu.memory_space<semaphore_mem>>) src(%arg4 : memref<640x8xf32, #tpu.memory_space<hbm>>) dst(%dma_wait3A_15 : memref<640x8xf32, #tpu.memory_space<vmem_shared>>)
      tpu.yield
    }) : () -> ()
    "tpu.region"() ({
      %run_scoped3A = tpu.sem_alloc : memref<!tpu.dma_semaphore, #tpu.memory_space<semaphore_mem>>
      tpu.enqueue_dma source(%arg3 : memref<125x8xf32, #tpu.memory_space<hbm>>) target(%arg7 : memref<125x8xf32, #tpu.memory_space<vmem>>) target_semaphore(%run_scoped3A : memref<!tpu.dma_semaphore, #tpu.memory_space<semaphore_mem>>)
      tpu.wait_dma2 semaphore(%run_scoped3A : memref<!tpu.dma_semaphore, #tpu.memory_space<semaphore_mem>>) src(%arg3 : memref<125x8xf32, #tpu.memory_space<hbm>>) dst(%arg7 : memref<125x8xf32, #tpu.memory_space<vmem>>)
      tpu.yield
    }) : () -> ()
    %mul3A_3 = arith.constant 80 : i32
    %mul3A_4 = arith.muli %add3A, %mul3A_3 : i32
    "tpu.region"() ({
      %run_scoped3A = tpu.sem_alloc : memref<!tpu.dma_semaphore, #tpu.memory_space<semaphore_mem>>
      %dma_start3A = arith.constant 0 : i32
      %dma_start3A_14 = tpu.memref_slice %arg2[%mul3A_4, %dma_start3A] : memref<2560x125xi32, #tpu.memory_space<hbm>> -> memref<80x125xi32, #tpu.memory_space<hbm>>
      %dma_start3A_15 = arith.constant 0 : i32
      %dma_start3A_16 = tpu.memref_slice %arg2[%mul3A_4, %dma_start3A_15] : memref<2560x125xi32, #tpu.memory_space<hbm>> -> memref<80x125xi32, #tpu.memory_space<hbm>>
      tpu.enqueue_dma source(%dma_start3A_16 : memref<80x125xi32, #tpu.memory_space<hbm>>) target(%arg6 : memref<80x125xi32, #tpu.memory_space<vmem>>) target_semaphore(%run_scoped3A : memref<!tpu.dma_semaphore, #tpu.memory_space<semaphore_mem>>)
      %dma_wait3A = arith.constant 0 : i32
      %dma_wait3A_17 = tpu.memref_slice %arg2[%mul3A_4, %dma_wait3A] : memref<2560x125xi32, #tpu.memory_space<hbm>> -> memref<80x125xi32, #tpu.memory_space<hbm>>
      %dma_wait3A_18 = arith.constant 0 : i32
      %dma_wait3A_19 = tpu.memref_slice %arg2[%mul3A_4, %dma_wait3A_18] : memref<2560x125xi32, #tpu.memory_space<hbm>> -> memref<80x125xi32, #tpu.memory_space<hbm>>
      tpu.wait_dma2 semaphore(%run_scoped3A : memref<!tpu.dma_semaphore, #tpu.memory_space<semaphore_mem>>) src(%dma_wait3A_19 : memref<80x125xi32, #tpu.memory_space<hbm>>) dst(%arg6 : memref<80x125xi32, #tpu.memory_space<vmem>>)
      tpu.yield
    }) : () -> ()
    %barrier3A = arith.constant 0 : index
    tpu.barrier barrier_id(%barrier3A)
    %scan3A = arith.constant 0 : i32
    %scan3A_5 = arith.constant 0 : i32
    %scan3A_6 = arith.constant 80 : i32
    %scan3A_7 = arith.addi %scan3A_5, %scan3A_6 : i32
    %scan3A_8 = arith.constant 1 : i32
    scf.for %scan3A_14 = %scan3A_5 to %scan3A_7 step %scan3A_8  : i32 {
      "tpu.region"() ({
        %run_scoped3A = tpu.sem_alloc : memref<!tpu.dma_semaphore, #tpu.memory_space<semaphore_mem>>
        %dma_start3A = arith.constant 0 : i32
        %dma_start3A_15 = tpu.memref_slice %arg6[%scan3A_14, %dma_start3A] : memref<80x125xi32, #tpu.memory_space<vmem>> -> memref<1x125xi32, #tpu.memory_space<vmem>>
        %dma_start3A_16 = tpu.memref_squeeze %dma_start3A_15 : memref<1x125xi32, #tpu.memory_space<vmem>> -> memref<125xi32, #tpu.memory_space<vmem>>
        %dma_start3A_17 = arith.constant 0 : i32
        %dma_start3A_18 = arith.constant 0 : i32
        %dma_start3A_19 = tpu.memref_slice %arg8[%dma_start3A_17, %dma_start3A_18] : memref<10240x8xf32, #tpu.memory_space<vmem_shared>> -> memref<10240x8xf32, #tpu.memory_space<vmem_shared>>
        tpu.enqueue_indirect_dma source(%arg7 : memref<125x8xf32, #tpu.memory_space<vmem>>) target(%dma_start3A_19 : memref<10240x8xf32, #tpu.memory_space<vmem_shared>>) offsets(%dma_start3A_16 : memref<125xi32, #tpu.memory_space<vmem>>) semaphore(%run_scoped3A : memref<!tpu.dma_semaphore, #tpu.memory_space<semaphore_mem>>) {add = true}
        %dma_wait3A = arith.constant 0 : i32
        %dma_wait3A_20 = tpu.memref_slice %arg6[%scan3A_14, %dma_wait3A] : memref<80x125xi32, #tpu.memory_space<vmem>> -> memref<1x125xi32, #tpu.memory_space<vmem>>
        %dma_wait3A_21 = tpu.memref_squeeze %dma_wait3A_20 : memref<1x125xi32, #tpu.memory_space<vmem>> -> memref<125xi32, #tpu.memory_space<vmem>>
        %dma_wait3A_22 = arith.constant 0 : i32
        %dma_wait3A_23 = arith.constant 0 : i32
        %dma_wait3A_24 = tpu.memref_slice %arg8[%dma_wait3A_22, %dma_wait3A_23] : memref<10240x8xf32, #tpu.memory_space<vmem_shared>> -> memref<10240x8xf32, #tpu.memory_space<vmem_shared>>
        tpu.wait_indirect_dma semaphore(%run_scoped3A : memref<!tpu.dma_semaphore, #tpu.memory_space<semaphore_mem>>) src(%arg7 : memref<125x8xf32, #tpu.memory_space<vmem>>) dst(%dma_wait3A_24 : memref<10240x8xf32, #tpu.memory_space<vmem_shared>>)
        tpu.yield
      }) : () -> ()
    }
    %scan3A_9 = arith.constant 80 : i32
    %barrier3A_10 = arith.constant 0 : index
    tpu.barrier barrier_id(%barrier3A_10)
    %mul3A_11 = arith.constant 10240 : i32
    %mul3A_12 = arith.muli %arg0, %mul3A_11 : i32
    %add3A_13 = arith.addi %mul3A_12, %mul3A_2 : i32
    "tpu.region"() ({
      %run_scoped3A = tpu.sem_alloc : memref<!tpu.dma_semaphore, #tpu.memory_space<semaphore_mem>>
      %dma_start3A = arith.constant 0 : i32
      %dma_start3A_14 = tpu.memref_slice %arg5[%add3A_13, %dma_start3A] : memref<20480x8xf32, #tpu.memory_space<hbm>> -> memref<640x8xf32, #tpu.memory_space<hbm>>
      %dma_start3A_15 = arith.constant 0 : i32
      %dma_start3A_16 = tpu.memref_slice %arg8[%mul3A_2, %dma_start3A_15] : memref<10240x8xf32, #tpu.memory_space<vmem_shared>> -> memref<640x8xf32, #tpu.memory_space<vmem_shared>>
      tpu.enqueue_dma source(%dma_start3A_16 : memref<640x8xf32, #tpu.memory_space<vmem_shared>>) target(%dma_start3A_14 : memref<640x8xf32, #tpu.memory_space<hbm>>) target_semaphore(%run_scoped3A : memref<!tpu.dma_semaphore, #tpu.memory_space<semaphore_mem>>)
      %dma_wait3A = arith.constant 0 : i32
      %dma_wait3A_17 = tpu.memref_slice %arg5[%add3A_13, %dma_wait3A] : memref<20480x8xf32, #tpu.memory_space<hbm>> -> memref<640x8xf32, #tpu.memory_space<hbm>>
      %dma_wait3A_18 = arith.constant 0 : i32
      %dma_wait3A_19 = tpu.memref_slice %arg8[%mul3A_2, %dma_wait3A_18] : memref<10240x8xf32, #tpu.memory_space<vmem_shared>> -> memref<640x8xf32, #tpu.memory_space<vmem_shared>>
      tpu.wait_dma2 semaphore(%run_scoped3A : memref<!tpu.dma_semaphore, #tpu.memory_space<semaphore_mem>>) src(%dma_wait3A_19 : memref<640x8xf32, #tpu.memory_space<vmem_shared>>) dst(%dma_wait3A_17 : memref<640x8xf32, #tpu.memory_space<hbm>>)
      tpu.yield
    }) : () -> ()
    return
  }
}

module attributes {stable_mosaic.version = 14 : i64} {
  func.func @_se_body(%arg0: i32, %arg1: memref<2000x128xf32, #tpu.memory_space<vmem>>, %arg2: memref<128x128xf32, #tpu.memory_space<vmem>>, %arg3: memref<1x128xf32, #tpu.memory_space<vmem>>, %arg4: memref<128x32xf32, #tpu.memory_space<vmem>>, %arg5: memref<1x32xf32, #tpu.memory_space<vmem>>, %arg6: memref<32x128xf32, #tpu.memory_space<vmem>>, %arg7: memref<1x128xf32, #tpu.memory_space<vmem>>, %arg8: memref<128x128xf32, #tpu.memory_space<vmem>>, %arg9: memref<2000x8xf32, #tpu.memory_space<vmem>>, %arg10: memref<2000x8xf32, #tpu.memory_space<vmem>>, %arg11: memref<2000x128xf32, #tpu.memory_space<vmem>>, %arg12: memref<2000x128xf32, #tpu.memory_space<vmem>>, %arg13: memref<2000x1xf32, #tpu.memory_space<vmem>>) attributes {dimension_semantics = [#tpu.dimension_semantics<arbitrary>], iteration_bounds = array<i64: 5>, scalar_prefetch = 0 : i64, scratch_operands = 0 : i64, tpu.core_type = #tpu.core_type<tc>, window_params = [{transform_indices = @transform_0, window_bounds = array<i64: 2000, 128>}, {pipeline_mode = #tpu.pipeline_mode<synchronous>, transform_indices = @transform_1, window_bounds = array<i64: 128, 128>}, {pipeline_mode = #tpu.pipeline_mode<synchronous>, transform_indices = @transform_2, window_bounds = array<i64: 1, 128>}, {pipeline_mode = #tpu.pipeline_mode<synchronous>, transform_indices = @transform_3, window_bounds = array<i64: 128, 32>}, {pipeline_mode = #tpu.pipeline_mode<synchronous>, transform_indices = @transform_4, window_bounds = array<i64: 1, 32>}, {pipeline_mode = #tpu.pipeline_mode<synchronous>, transform_indices = @transform_5, window_bounds = array<i64: 32, 128>}, {pipeline_mode = #tpu.pipeline_mode<synchronous>, transform_indices = @transform_6, window_bounds = array<i64: 1, 128>}, {pipeline_mode = #tpu.pipeline_mode<synchronous>, transform_indices = @transform_7, window_bounds = array<i64: 128, 128>}, {transform_indices = @transform_8, window_bounds = array<i64: 2000, 8>}, {transform_indices = @transform_9, window_bounds = array<i64: 2000, 8>}, {transform_indices = @transform_10, window_bounds = array<i64: 2000, 128>}, {transform_indices = @transform_11, window_bounds = array<i64: 2000, 128>}, {transform_indices = @transform_12, window_bounds = array<i64: 2000, 1>}]} {
    %get3A = arith.constant 0 : index
    %get3A_0 = arith.constant 0 : index
    %get3A_1 = vector.load %arg1[%get3A, %get3A_0] : memref<2000x128xf32, #tpu.memory_space<vmem>>, vector<2000x128xf32>
    %get3A_2 = arith.constant 0 : index
    %get3A_3 = arith.constant 0 : index
    %get3A_4 = vector.load %arg2[%get3A_2, %get3A_3] : memref<128x128xf32, #tpu.memory_space<vmem>>, vector<128x128xf32>
    %dot_general3A = arith.constant dense<0.000000e+00> : vector<2000x128xf32>
    %dot_general3A_5 = tpu.matmul %get3A_1, %get3A_4, %dot_general3A {dimension_numbers = #tpu.dot_dimension_numbers<[1], [0], [0], [1], [0, 0, 1, 1], [], []>, transpose_lhs_hint = false} : vector<2000x128xf32>, vector<128x128xf32>, vector<2000x128xf32> -> vector<2000x128xf32>
    %get3A_6 = arith.constant 0 : index
    %get3A_7 = arith.constant 0 : index
    %get3A_8 = vector.load %arg3[%get3A_6, %get3A_7] : memref<1x128xf32, #tpu.memory_space<vmem>>, vector<1x128xf32>
    %add3A = vector.broadcast %get3A_8 : vector<1x128xf32> to vector<2000x128xf32>
    %add3A_9 = arith.addf %dot_general3A_5, %add3A : vector<2000x128xf32>
    %get3A_10 = arith.constant 0 : index
    %get3A_11 = arith.constant 0 : index
    %get3A_12 = vector.load %arg4[%get3A_10, %get3A_11] : memref<128x32xf32, #tpu.memory_space<vmem>>, vector<128x32xf32>
    %dot_general3A_13 = arith.constant dense<0.000000e+00> : vector<2000x32xf32>
    %dot_general3A_14 = tpu.matmul %add3A_9, %get3A_12, %dot_general3A_13 {dimension_numbers = #tpu.dot_dimension_numbers<[1], [0], [0], [1], [0, 0, 1, 1], [], []>, transpose_lhs_hint = false} : vector<2000x128xf32>, vector<128x32xf32>, vector<2000x32xf32> -> vector<2000x32xf32>
    %get3A_15 = arith.constant 0 : index
    %get3A_16 = arith.constant 0 : index
    %get3A_17 = vector.load %arg5[%get3A_15, %get3A_16] : memref<1x32xf32, #tpu.memory_space<vmem>>, vector<1x32xf32>
    %add3A_18 = vector.broadcast %get3A_17 : vector<1x32xf32> to vector<2000x32xf32>
    %add3A_19 = arith.addf %dot_general3A_14, %add3A_18 : vector<2000x32xf32>
    %max3A = arith.constant 0.000000e+00 : f32
    %max3A_20 = vector.broadcast %max3A : f32 to vector<2000x32xf32>
    %max3A_21 = arith.maximumf %add3A_19, %max3A_20 : vector<2000x32xf32>
    %get3A_22 = arith.constant 0 : index
    %get3A_23 = arith.constant 0 : index
    %get3A_24 = vector.load %arg6[%get3A_22, %get3A_23] : memref<32x128xf32, #tpu.memory_space<vmem>>, vector<32x128xf32>
    %dot_general3A_25 = arith.constant dense<0.000000e+00> : vector<2000x128xf32>
    %dot_general3A_26 = tpu.matmul %max3A_21, %get3A_24, %dot_general3A_25 {dimension_numbers = #tpu.dot_dimension_numbers<[1], [0], [0], [1], [0, 0, 1, 1], [], []>, transpose_lhs_hint = false} : vector<2000x32xf32>, vector<32x128xf32>, vector<2000x128xf32> -> vector<2000x128xf32>
    %get3A_27 = arith.constant 0 : index
    %get3A_28 = arith.constant 0 : index
    %get3A_29 = vector.load %arg7[%get3A_27, %get3A_28] : memref<1x128xf32, #tpu.memory_space<vmem>>, vector<1x128xf32>
    %add3A_30 = vector.broadcast %get3A_29 : vector<1x128xf32> to vector<2000x128xf32>
    %add3A_31 = arith.addf %dot_general3A_26, %add3A_30 : vector<2000x128xf32>
    %logistic3A = arith.negf %add3A_31 : vector<2000x128xf32>
    %logistic3A_32 = math.exp %logistic3A : vector<2000x128xf32>
    %logistic3A_33 = arith.constant 1.000000e+00 : f32
    %logistic3A_34 = vector.broadcast %logistic3A_33 : f32 to vector<2000x128xf32>
    %logistic3A_35 = arith.addf %logistic3A_34, %logistic3A_32 : vector<2000x128xf32>
    %logistic3A_36 = arith.divf %logistic3A_34, %logistic3A_35 : vector<2000x128xf32>
    %get3A_37 = arith.constant 0 : index
    %get3A_38 = arith.constant 0 : index
    %get3A_39 = vector.load %arg9[%get3A_37, %get3A_38] : memref<2000x8xf32, #tpu.memory_space<vmem>>, vector<2000x8xf32>
    %slice3A = vector.extract_strided_slice %get3A_39 {offsets = [0, 0], sizes = [2000, 1], strides = [1, 1]} : vector<2000x8xf32> to vector<2000x1xf32>
    %get3A_40 = arith.constant 0 : index
    %get3A_41 = arith.constant 0 : index
    %get3A_42 = vector.load %arg10[%get3A_40, %get3A_41] : memref<2000x8xf32, #tpu.memory_space<vmem>>, vector<2000x8xf32>
    %slice3A_43 = vector.extract_strided_slice %get3A_42 {offsets = [0, 0], sizes = [2000, 1], strides = [1, 1]} : vector<2000x8xf32> to vector<2000x1xf32>
    %add3A_44 = arith.addf %slice3A, %slice3A_43 : vector<2000x1xf32>
    %add3A_45 = arith.constant 1.000000e+00 : f32
    %add3A_46 = vector.broadcast %add3A_45 : f32 to vector<2000x1xf32>
    %add3A_47 = arith.addf %add3A_44, %add3A_46 : vector<2000x1xf32>
    %rsqrt3A = math.rsqrt %add3A_47 : vector<2000x1xf32>
    %swap3A = arith.constant 0 : index
    %swap3A_48 = arith.constant 0 : index
    %swap3A_49 = vector.load %arg11[%swap3A, %swap3A_48] : memref<2000x128xf32, #tpu.memory_space<vmem>>, vector<2000x128xf32>
    tpu.vector_store %arg11[%swap3A, %swap3A_48], %logistic3A_36 {strides = array<i32>} : memref<2000x128xf32, #tpu.memory_space<vmem>>, vector<2000x128xf32>,
    %mul3A = arith.mulf %add3A_9, %logistic3A_36 : vector<2000x128xf32>
    %mul3A_50 = vector.broadcast %rsqrt3A : vector<2000x1xf32> to vector<2000x128xf32>
    %mul3A_51 = arith.mulf %mul3A, %mul3A_50 : vector<2000x128xf32>
    %get3A_52 = arith.constant 0 : index
    %get3A_53 = arith.constant 0 : index
    %get3A_54 = vector.load %arg8[%get3A_52, %get3A_53] : memref<128x128xf32, #tpu.memory_space<vmem>>, vector<128x128xf32>
    %dot_general3A_55 = arith.constant dense<0.000000e+00> : vector<2000x128xf32>
    %dot_general3A_56 = tpu.matmul %mul3A_51, %get3A_54, %dot_general3A_55 {dimension_numbers = #tpu.dot_dimension_numbers<[1], [0], [0], [1], [0, 0, 1, 1], [], []>, transpose_lhs_hint = false} : vector<2000x128xf32>, vector<128x128xf32>, vector<2000x128xf32> -> vector<2000x128xf32>
    %swap3A_57 = arith.constant 0 : index
    %swap3A_58 = arith.constant 0 : index
    %swap3A_59 = vector.load %arg12[%swap3A_57, %swap3A_58] : memref<2000x128xf32, #tpu.memory_space<vmem>>, vector<2000x128xf32>
    tpu.vector_store %arg12[%swap3A_57, %swap3A_58], %dot_general3A_56 {strides = array<i32>} : memref<2000x128xf32, #tpu.memory_space<vmem>>, vector<2000x128xf32>,
    %swap3A_60 = arith.constant 0 : index
    %swap3A_61 = arith.constant 0 : index
    %swap3A_62 = vector.load %arg13[%swap3A_60, %swap3A_61] : memref<2000x1xf32, #tpu.memory_space<vmem>>, vector<2000x1xf32>
    tpu.vector_store %arg13[%swap3A_60, %swap3A_61], %rsqrt3A {strides = array<i32>} : memref<2000x1xf32, #tpu.memory_space<vmem>>, vector<2000x1xf32>,
    return
  }
  func.func @transform_0(%arg0: i32) -> (i32, i32) {
    %c0_i32 = arith.constant 0 : i32
    %c0_i32_0 = arith.constant 0 : i32
    return %arg0, %c0_i32 : i32, i32
  }
  func.func @transform_1(%arg0: i32) -> (i32, i32) {
    %c0_i32 = arith.constant 0 : i32
    %c0_i32_0 = arith.constant 0 : i32
    %c0_i32_1 = arith.constant 0 : i32
    return %c0_i32, %c0_i32_0 : i32, i32
  }
  func.func @transform_2(%arg0: i32) -> (i32, i32) {
    %c0_i32 = arith.constant 0 : i32
    %c0_i32_0 = arith.constant 0 : i32
    %c0_i32_1 = arith.constant 0 : i32
    return %c0_i32, %c0_i32_0 : i32, i32
  }
  func.func @transform_3(%arg0: i32) -> (i32, i32) {
    %c0_i32 = arith.constant 0 : i32
    %c0_i32_0 = arith.constant 0 : i32
    %c0_i32_1 = arith.constant 0 : i32
    return %c0_i32, %c0_i32_0 : i32, i32
  }
  func.func @transform_4(%arg0: i32) -> (i32, i32) {
    %c0_i32 = arith.constant 0 : i32
    %c0_i32_0 = arith.constant 0 : i32
    %c0_i32_1 = arith.constant 0 : i32
    return %c0_i32, %c0_i32_0 : i32, i32
  }
  func.func @transform_5(%arg0: i32) -> (i32, i32) {
    %c0_i32 = arith.constant 0 : i32
    %c0_i32_0 = arith.constant 0 : i32
    %c0_i32_1 = arith.constant 0 : i32
    return %c0_i32, %c0_i32_0 : i32, i32
  }
  func.func @transform_6(%arg0: i32) -> (i32, i32) {
    %c0_i32 = arith.constant 0 : i32
    %c0_i32_0 = arith.constant 0 : i32
    %c0_i32_1 = arith.constant 0 : i32
    return %c0_i32, %c0_i32_0 : i32, i32
  }
  func.func @transform_7(%arg0: i32) -> (i32, i32) {
    %c0_i32 = arith.constant 0 : i32
    %c0_i32_0 = arith.constant 0 : i32
    %c0_i32_1 = arith.constant 0 : i32
    return %c0_i32, %c0_i32_0 : i32, i32
  }
  func.func @transform_8(%arg0: i32) -> (i32, i32) {
    %c0_i32 = arith.constant 0 : i32
    %c0_i32_0 = arith.constant 0 : i32
    return %arg0, %c0_i32 : i32, i32
  }
  func.func @transform_9(%arg0: i32) -> (i32, i32) {
    %c0_i32 = arith.constant 0 : i32
    %c0_i32_0 = arith.constant 0 : i32
    return %arg0, %c0_i32 : i32, i32
  }
  func.func @transform_10(%arg0: i32) -> (i32, i32) {
    %c0_i32 = arith.constant 0 : i32
    %c0_i32_0 = arith.constant 0 : i32
    return %arg0, %c0_i32 : i32, i32
  }
  func.func @transform_11(%arg0: i32) -> (i32, i32) {
    %c0_i32 = arith.constant 0 : i32
    %c0_i32_0 = arith.constant 0 : i32
    return %arg0, %c0_i32 : i32, i32
  }
  func.func @transform_12(%arg0: i32) -> (i32, i32) {
    %c0_i32 = arith.constant 0 : i32
    %c0_i32_0 = arith.constant 0 : i32
    return %arg0, %c0_i32 : i32, i32
  }
}

module attributes {stable_mosaic.version = 14 : i64} {
  func.func @_mid_body(%arg0: i32, %arg1: memref<2000x128xf32, #tpu.memory_space<vmem>>, %arg2: memref<2000x128xf32, #tpu.memory_space<vmem>>, %arg3: memref<2000x128xf32, #tpu.memory_space<vmem>>, %arg4: memref<2000x1xf32, #tpu.memory_space<vmem>>, %arg5: memref<1x128xf32, #tpu.memory_space<vmem>>, %arg6: memref<128x64xf32, #tpu.memory_space<vmem>>, %arg7: memref<2000x64xf32, #tpu.memory_space<vmem>>) attributes {dimension_semantics = [#tpu.dimension_semantics<arbitrary>], iteration_bounds = array<i64: 5>, scalar_prefetch = 0 : i64, scratch_operands = 0 : i64, tpu.core_type = #tpu.core_type<tc>, window_params = [{transform_indices = @transform_0, window_bounds = array<i64: 2000, 128>}, {transform_indices = @transform_1, window_bounds = array<i64: 2000, 128>}, {transform_indices = @transform_2, window_bounds = array<i64: 2000, 128>}, {transform_indices = @transform_3, window_bounds = array<i64: 2000, 1>}, {pipeline_mode = #tpu.pipeline_mode<synchronous>, transform_indices = @transform_4, window_bounds = array<i64: 1, 128>}, {pipeline_mode = #tpu.pipeline_mode<synchronous>, transform_indices = @transform_5, window_bounds = array<i64: 128, 64>}, {transform_indices = @transform_6, window_bounds = array<i64: 2000, 64>}]} {
    %get3A = arith.constant 0 : index
    %get3A_0 = arith.constant 0 : index
    %get3A_1 = vector.load %arg4[%get3A, %get3A_0] : memref<2000x1xf32, #tpu.memory_space<vmem>>, vector<2000x1xf32>
    %get3A_2 = arith.constant 0 : index
    %get3A_3 = arith.constant 0 : index
    %get3A_4 = vector.load %arg1[%get3A_2, %get3A_3] : memref<2000x128xf32, #tpu.memory_space<vmem>>, vector<2000x128xf32>
    %get3A_5 = arith.constant 0 : index
    %get3A_6 = arith.constant 0 : index
    %get3A_7 = vector.load %arg2[%get3A_5, %get3A_6] : memref<2000x128xf32, #tpu.memory_space<vmem>>, vector<2000x128xf32>
    %add3A = arith.addf %get3A_4, %get3A_7 : vector<2000x128xf32>
    %get3A_8 = arith.constant 0 : index
    %get3A_9 = arith.constant 0 : index
    %get3A_10 = vector.load %arg3[%get3A_8, %get3A_9] : memref<2000x128xf32, #tpu.memory_space<vmem>>, vector<2000x128xf32>
    %add3A_11 = arith.addf %add3A, %get3A_10 : vector<2000x128xf32>
    %mul3A = vector.broadcast %get3A_1 : vector<2000x1xf32> to vector<2000x128xf32>
    %mul3A_12 = arith.mulf %mul3A, %add3A_11 : vector<2000x128xf32>
    %get3A_13 = arith.constant 0 : index
    %get3A_14 = arith.constant 0 : index
    %get3A_15 = vector.load %arg5[%get3A_13, %get3A_14] : memref<1x128xf32, #tpu.memory_space<vmem>>, vector<1x128xf32>
    %add3A_16 = vector.broadcast %get3A_15 : vector<1x128xf32> to vector<2000x128xf32>
    %add3A_17 = arith.addf %mul3A_12, %add3A_16 : vector<2000x128xf32>
    %max3A = arith.constant 0.000000e+00 : f32
    %max3A_18 = vector.broadcast %max3A : f32 to vector<2000x128xf32>
    %max3A_19 = arith.maximumf %add3A_17, %max3A_18 : vector<2000x128xf32>
    %get3A_20 = arith.constant 0 : index
    %get3A_21 = arith.constant 0 : index
    %get3A_22 = vector.load %arg6[%get3A_20, %get3A_21] : memref<128x64xf32, #tpu.memory_space<vmem>>, vector<128x64xf32>
    %dot_general3A = arith.constant dense<0.000000e+00> : vector<2000x64xf32>
    %dot_general3A_23 = tpu.matmul %max3A_19, %get3A_22, %dot_general3A {dimension_numbers = #tpu.dot_dimension_numbers<[1], [0], [0], [1], [0, 0, 1, 1], [], []>, transpose_lhs_hint = false} : vector<2000x128xf32>, vector<128x64xf32>, vector<2000x64xf32> -> vector<2000x64xf32>
    %mul3A_24 = vector.broadcast %get3A_1 : vector<2000x1xf32> to vector<2000x64xf32>
    %mul3A_25 = arith.mulf %mul3A_24, %dot_general3A_23 : vector<2000x64xf32>
    %swap3A = arith.constant 0 : index
    %swap3A_26 = arith.constant 0 : index
    %swap3A_27 = vector.load %arg7[%swap3A, %swap3A_26] : memref<2000x64xf32, #tpu.memory_space<vmem>>, vector<2000x64xf32>
    tpu.vector_store %arg7[%swap3A, %swap3A_26], %mul3A_25 {strides = array<i32>} : memref<2000x64xf32, #tpu.memory_space<vmem>>, vector<2000x64xf32>,
    return
  }
  func.func @transform_0(%arg0: i32) -> (i32, i32) {
    %c0_i32 = arith.constant 0 : i32
    %c0_i32_0 = arith.constant 0 : i32
    return %arg0, %c0_i32 : i32, i32
  }
  func.func @transform_1(%arg0: i32) -> (i32, i32) {
    %c0_i32 = arith.constant 0 : i32
    %c0_i32_0 = arith.constant 0 : i32
    return %arg0, %c0_i32 : i32, i32
  }
  func.func @transform_2(%arg0: i32) -> (i32, i32) {
    %c0_i32 = arith.constant 0 : i32
    %c0_i32_0 = arith.constant 0 : i32
    return %arg0, %c0_i32 : i32, i32
  }
  func.func @transform_3(%arg0: i32) -> (i32, i32) {
    %c0_i32 = arith.constant 0 : i32
    %c0_i32_0 = arith.constant 0 : i32
    return %arg0, %c0_i32 : i32, i32
  }
  func.func @transform_4(%arg0: i32) -> (i32, i32) {
    %c0_i32 = arith.constant 0 : i32
    %c0_i32_0 = arith.constant 0 : i32
    %c0_i32_1 = arith.constant 0 : i32
    return %c0_i32, %c0_i32_0 : i32, i32
  }
  func.func @transform_5(%arg0: i32) -> (i32, i32) {
    %c0_i32 = arith.constant 0 : i32
    %c0_i32_0 = arith.constant 0 : i32
    %c0_i32_1 = arith.constant 0 : i32
    return %c0_i32, %c0_i32_0 : i32, i32
  }
  func.func @transform_6(%arg0: i32) -> (i32, i32) {
    %c0_i32 = arith.constant 0 : i32
    %c0_i32_0 = arith.constant 0 : i32
    return %arg0, %c0_i32 : i32, i32
  }
}

module attributes {stable_mosaic.version = 14 : i64} {
  func.func @_out_body(%arg0: i32, %arg1: memref<2000x64xf32, #tpu.memory_space<vmem>>, %arg2: memref<2000x64xf32, #tpu.memory_space<vmem>>, %arg3: memref<2000x64xf32, #tpu.memory_space<vmem>>, %arg4: memref<2000x1xf32, #tpu.memory_space<vmem>>, %arg5: memref<1x64xf32, #tpu.memory_space<vmem>>, %arg6: memref<64x40xf32, #tpu.memory_space<vmem>>, %arg7: memref<1x40xf32, #tpu.memory_space<vmem>>, %arg8: memref<2000x40xf32, #tpu.memory_space<vmem>>) attributes {dimension_semantics = [#tpu.dimension_semantics<arbitrary>], iteration_bounds = array<i64: 5>, scalar_prefetch = 0 : i64, scratch_operands = 0 : i64, tpu.core_type = #tpu.core_type<tc>, window_params = [{transform_indices = @transform_0, window_bounds = array<i64: 2000, 64>}, {transform_indices = @transform_1, window_bounds = array<i64: 2000, 64>}, {transform_indices = @transform_2, window_bounds = array<i64: 2000, 64>}, {transform_indices = @transform_3, window_bounds = array<i64: 2000, 1>}, {pipeline_mode = #tpu.pipeline_mode<synchronous>, transform_indices = @transform_4, window_bounds = array<i64: 1, 64>}, {pipeline_mode = #tpu.pipeline_mode<synchronous>, transform_indices = @transform_5, window_bounds = array<i64: 64, 40>}, {pipeline_mode = #tpu.pipeline_mode<synchronous>, transform_indices = @transform_6, window_bounds = array<i64: 1, 40>}, {transform_indices = @transform_7, window_bounds = array<i64: 2000, 40>}]} {
    %get3A = arith.constant 0 : index
    %get3A_0 = arith.constant 0 : index
    %get3A_1 = vector.load %arg4[%get3A, %get3A_0] : memref<2000x1xf32, #tpu.memory_space<vmem>>, vector<2000x1xf32>
    %get3A_2 = arith.constant 0 : index
    %get3A_3 = arith.constant 0 : index
    %get3A_4 = vector.load %arg1[%get3A_2, %get3A_3] : memref<2000x64xf32, #tpu.memory_space<vmem>>, vector<2000x64xf32>
    %get3A_5 = arith.constant 0 : index
    %get3A_6 = arith.constant 0 : index
    %get3A_7 = vector.load %arg2[%get3A_5, %get3A_6] : memref<2000x64xf32, #tpu.memory_space<vmem>>, vector<2000x64xf32>
    %add3A = arith.addf %get3A_4, %get3A_7 : vector<2000x64xf32>
    %get3A_8 = arith.constant 0 : index
    %get3A_9 = arith.constant 0 : index
    %get3A_10 = vector.load %arg3[%get3A_8, %get3A_9] : memref<2000x64xf32, #tpu.memory_space<vmem>>, vector<2000x64xf32>
    %add3A_11 = arith.addf %add3A, %get3A_10 : vector<2000x64xf32>
    %mul3A = vector.broadcast %get3A_1 : vector<2000x1xf32> to vector<2000x64xf32>
    %mul3A_12 = arith.mulf %mul3A, %add3A_11 : vector<2000x64xf32>
    %get3A_13 = arith.constant 0 : index
    %get3A_14 = arith.constant 0 : index
    %get3A_15 = vector.load %arg5[%get3A_13, %get3A_14] : memref<1x64xf32, #tpu.memory_space<vmem>>, vector<1x64xf32>
    %add3A_16 = vector.broadcast %get3A_15 : vector<1x64xf32> to vector<2000x64xf32>
    %add3A_17 = arith.addf %mul3A_12, %add3A_16 : vector<2000x64xf32>
    %max3A = arith.constant 0.000000e+00 : f32
    %max3A_18 = vector.broadcast %max3A : f32 to vector<2000x64xf32>
    %max3A_19 = arith.maximumf %add3A_17, %max3A_18 : vector<2000x64xf32>
    %get3A_20 = arith.constant 0 : index
    %get3A_21 = arith.constant 0 : index
    %get3A_22 = vector.load %arg6[%get3A_20, %get3A_21] : memref<64x40xf32, #tpu.memory_space<vmem>>, vector<64x40xf32>
    %dot_general3A = arith.constant dense<0.000000e+00> : vector<2000x40xf32>
    %dot_general3A_23 = tpu.matmul %max3A_19, %get3A_22, %dot_general3A {dimension_numbers = #tpu.dot_dimension_numbers<[1], [0], [0], [1], [0, 0, 1, 1], [], []>, transpose_lhs_hint = false} : vector<2000x64xf32>, vector<64x40xf32>, vector<2000x40xf32> -> vector<2000x40xf32>
    %get3A_24 = arith.constant 0 : index
    %get3A_25 = arith.constant 0 : index
    %get3A_26 = vector.load %arg7[%get3A_24, %get3A_25] : memref<1x40xf32, #tpu.memory_space<vmem>>, vector<1x40xf32>
    %add3A_27 = vector.broadcast %get3A_26 : vector<1x40xf32> to vector<2000x40xf32>
    %add3A_28 = arith.addf %dot_general3A_23, %add3A_27 : vector<2000x40xf32>
    %reduce_max3A = arith.constant dense<0xFF800000> : vector<2000xf32>
    %reduce_max3A_29 = vector.multi_reduction <maximumf>, %add3A_28, %reduce_max3A [1] : vector<2000x40xf32> to vector<2000xf32>
    %broadcast_in_dim3A = vector.shape_cast %reduce_max3A_29 : vector<2000xf32> to vector<2000x1xf32>
    %sub3A = vector.broadcast %broadcast_in_dim3A : vector<2000x1xf32> to vector<2000x40xf32>
    %sub3A_30 = arith.subf %add3A_28, %sub3A : vector<2000x40xf32>
    %exp3A = math.exp %sub3A_30 : vector<2000x40xf32>
    %reduce_sum3A = arith.constant dense<0.000000e+00> : vector<2000xf32>
    %reduce_sum3A_31 = vector.multi_reduction <add>, %exp3A, %reduce_sum3A [1] : vector<2000x40xf32> to vector<2000xf32>
    %broadcast_in_dim3A_32 = vector.shape_cast %reduce_sum3A_31 : vector<2000xf32> to vector<2000x1xf32>
    %log3A = math.log %broadcast_in_dim3A_32 : vector<2000x1xf32>
    %sub3A_33 = vector.broadcast %log3A : vector<2000x1xf32> to vector<2000x40xf32>
    %sub3A_34 = arith.subf %sub3A_30, %sub3A_33 : vector<2000x40xf32>
    %swap3A = arith.constant 0 : index
    %swap3A_35 = arith.constant 0 : index
    %swap3A_36 = vector.load %arg8[%swap3A, %swap3A_35] : memref<2000x40xf32, #tpu.memory_space<vmem>>, vector<2000x40xf32>
    tpu.vector_store %arg8[%swap3A, %swap3A_35], %sub3A_34 {strides = array<i32>} : memref<2000x40xf32, #tpu.memory_space<vmem>>, vector<2000x40xf32>,
    return
  }
  func.func @transform_0(%arg0: i32) -> (i32, i32) {
    %c0_i32 = arith.constant 0 : i32
    %c0_i32_0 = arith.constant 0 : i32
    return %arg0, %c0_i32 : i32, i32
  }
  func.func @transform_1(%arg0: i32) -> (i32, i32) {
    %c0_i32 = arith.constant 0 : i32
    %c0_i32_0 = arith.constant 0 : i32
    return %arg0, %c0_i32 : i32, i32
  }
  func.func @transform_2(%arg0: i32) -> (i32, i32) {
    %c0_i32 = arith.constant 0 : i32
    %c0_i32_0 = arith.constant 0 : i32
    return %arg0, %c0_i32 : i32, i32
  }
  func.func @transform_3(%arg0: i32) -> (i32, i32) {
    %c0_i32 = arith.constant 0 : i32
    %c0_i32_0 = arith.constant 0 : i32
    return %arg0, %c0_i32 : i32, i32
  }
  func.func @transform_4(%arg0: i32) -> (i32, i32) {
    %c0_i32 = arith.constant 0 : i32
    %c0_i32_0 = arith.constant 0 : i32
    %c0_i32_1 = arith.constant 0 : i32
    return %c0_i32, %c0_i32_0 : i32, i32
  }
  func.func @transform_5(%arg0: i32) -> (i32, i32) {
    %c0_i32 = arith.constant 0 : i32
    %c0_i32_0 = arith.constant 0 : i32
    %c0_i32_1 = arith.constant 0 : i32
    return %c0_i32, %c0_i32_0 : i32, i32
  }
  func.func @transform_6(%arg0: i32) -> (i32, i32) {
    %c0_i32 = arith.constant 0 : i32
    %c0_i32_0 = arith.constant 0 : i32
    %c0_i32_1 = arith.constant 0 : i32
    return %c0_i32, %c0_i32_0 : i32, i32
  }
  func.func @transform_7(%arg0: i32) -> (i32, i32) {
    %c0_i32 = arith.constant 0 : i32
    %c0_i32_0 = arith.constant 0 : i32
    return %arg0, %c0_i32 : i32, i32
  }
}

</mosaic_0001>

<sc_bundles>
// kernel: kernel.11.cloned.1.call-start
scs
__scs_entry_jumppad:
0x0: {  	(pc) =	sbr.rel $0x88, $3  }
0x1: {  	(tag) =	ssettag $0x0;
	lr =	simm.s32 $0x1  }
0x2: {  	[smem:$0x3F93] =	sst lr;
	_ =	strace $0xD0000000  }
0x3: {  	_ = 	snop  }
0x4: {  	_ = 	snop  }
0x5: {  	_ = 	snop  }
0x6: {  	_ = 	snop  }
0x7: {  	_ = 	snop  }
__scs_overlays_trampoline_lowered:
0x8: {  	[smem:$0x3FA2] =	sst s0  }
0x9: {  	[smem:$0x3FA3] =	sst s1  }
0xa: {  	[smem:$0x3FA4] =	sst s2  }
0xb: {  	[smem:$0x3FA5] =	sst s3  }
0xc: {  	[smem:$0x3FA6] =	sst s4  }
0xd: {  	[smem:$0x3FA7] =	sst s5  }
0xe: {  	[smem:$0x3FA8] =	sst s6  }
0xf: {  	[smem:$0x3FA9] =	sst s7  }
0x10: {  	[smem:$0x3FAA] =	sst s8  }
0x11: {  	[smem:$0x3FAB] =	sst s9;
	s0 =	simm.s32 @!p0 $0x0  }
0x12: {  	s1 =	sld [smem:$0x3F91];
	s0 =	simm.s32 @p0 $0x1  }
0x13: {  	[smem:$0x3FAC] =	sst s0;
	s0 =	simm.s32 @!p1 $0x0  }
0x14: {  	s2 =	sld [smem:$0x3F90];
	s0 =	simm.s32 @p1 $0x1  }
0x15: {  	[smem:$0x3FAD] =	sst s0;
	s0 =	simm.s32 @!p2 $0x0  }
0x16: {  	s3 =	sld [smem:$0x3FDB];
	s0 =	simm.s32 @p2 $0x1  }
0x17: {  	s4 =	simm.s32 $0x1BF5;
	[smem:$0x3FAF] =	sst s0  }
0x18: {  	s0 =	sld [smem:$0x3F92];
	_ =	swait.ge [sflag:s4], $0x0  }
0x19: {  	s7 =	sld [smem:$0x3F93]  }
0x1a: {  	s8 =	sadd.s32 $0xFFFFE003, lr  }
0x1b: {  	s9 =	sadd.s32 $0xFFFFFEF7, lr;
	s5 =	simm.s32 $0xFFFFFFFF;
	p2 =	slt.u32 s8, $0xFFFFF086  }
0x1c: {  	p1 =	slt.u32 s9, $0xF7A;
	s5 =	simm.s32 @!p2 $0x0  }
0x1d: {  	s5 =	simm.s32 @p1 $0x1;
	p0 =	seq.s32 s7, s2  }
0x1e: {  	s7 =	smul.u32 @!p0 $0xF7A, s2;
	p2 =	seq.s32 @!p0 s5, $0x0  }
0x1f: {  	s9 =	smul.u32 $0xF7A, s1;
	s8 =	simm.s32 @!p0 $0x1BF5;
	p2 =	por !p2, p0  }
0x20: {  	[sflag:s8] =	ssyncset.s32 @!p0 $0xFFFFF086;
	s6 =	sadd.s32 @!p0 s3, s7;
	s7 =	simm.s32 @!p0 $0x108  }
0x21: {  	s3 =	sadd.s32 s3, s9;
	s6 =	sadd.s32 @!p0 $0x88, s6;
	s7 =	simm.s32 @p2 $0x1082  }
0x22: {  	[simem:s7], [sflag:s8] =	dma.local @!p0 [hbm:s6], $0xF7A  }
0x23: {  	s9 =	sor.u32 $0xD0000000, s2;
	s6 =	simm.s32 $0x108;
	_ =	swait.ge @!p0 [sflag:s8], $0x0  }
0x24: {  	s3 =	sadd.s32 $0x88, s3;
	s6 =	simm.s32 @!p1 $0x1082;
	[sflag:s4] =	ssyncset.s32 $0xFFFFF086  }
0x25: {  	[simem:s6], [sflag:s4] =	dma.local [hbm:s3], $0xF7A  }
0x26: {  	[smem:$0x3F93] =	sst s1;
	(tag) =	ssettag s2;
	_ =	strace s9  }
0x27: {  	s1 =	sld [smem:$0x3FA3]  }
0x28: {  	s2 =	sld [smem:$0x3FA4]  }
0x29: {  	s4 =	sld [smem:$0x3FA6]  }
0x2a: {  	p0 =	seq.s32 s5, $0x0;
	s5 =	sld [smem:$0x3FA7]  }
0x2b: {  	s6 =	sld [smem:$0x3FA8]  }
0x2c: {  	s7 =	sld [smem:$0x3FA9]  }
0x2d: {  	s3 =	simm.s32 $0x108;
	s8 =	sld [smem:$0x3FAA]  }
0x2e: {  	s3 =	simm.s32 @!p0 $0x1082;
	s9 =	sld [smem:$0x3FAB]  }
0x2f: {  	lr =	sadd.s32 s0, s3;
	s0 =	sld [smem:$0x3FA2]  }
0x30: {  	s3 =	sld [smem:$0x3FA5]  }
0x31: {  	[smem:$0x3FAE] =	sst s10  }
0x32: {  	s10 =	sld [smem:$0x3FAC];
	_ =	sdelay $0x3  }
0x33: {  	p0 =	seq.s32 s10, $0x1;
	s10 =	sld [smem:$0x3FAE];
	_ =	sdelay $0x3  }
0x34: {  	[smem:$0x3FAE] =	sst s10  }
0x35: {  	s10 =	sld [smem:$0x3FAD];
	_ =	sdelay $0x3  }
0x36: {  	p1 =	seq.s32 s10, $0x1;
	s10 =	sld [smem:$0x3FAE];
	_ =	sdelay $0x3  }
0x37: {  	[smem:$0x3FAE] =	sst s10  }
0x38: {  	s10 =	sld [smem:$0x3FAF]  }
0x39: {  	_ = 	snop;
	(pc) =	sbr.ind lr, $3  }
0x3a: {  	_ = 	snop  }
0x3b: {  	_ = 	snop  }
0x3c: {  	p2 =	seq.s32 s10, $0x1;
	s10 =	sld [smem:$0x3FAE]  }
0x3d: {  	_ =	shalt  }
0x3e: {  	_ =	shalt  }
0x3f: {  	_ =	shalt  }
0x40: {  	_ =	shalt  }
0x41: {  	_ =	shalt  }
0x42: {  	_ =	shalt  }
0x43: {  	_ =	shalt  }
0x44: {  	_ =	shalt  }
0x45: {  	_ =	shalt  }
0x46: {  	_ =	shalt  }
0x47: {  	_ =	shalt  }
0x48: {  	_ =	shalt  }
0x49: {  	_ =	shalt  }
0x4a: {  	_ =	shalt  }
0x4b: {  	_ =	shalt  }
0x4c: {  	_ =	shalt  }
0x4d: {  	_ =	shalt  }
0x4e: {  	_ =	shalt  }
0x4f: {  	_ =	shalt  }
0x50: {  	_ =	shalt  }
0x51: {  	_ =	shalt  }
0x52: {  	_ =	shalt  }
0x53: {  	_ =	shalt  }
0x54: {  	_ =	shalt  }
0x55: {  	_ =	shalt  }
0x56: {  	_ =	shalt  }
0x57: {  	_ =	shalt  }
0x58: {  	_ =	shalt  }
0x59: {  	_ =	shalt  }
0x5a: {  	_ =	shalt  }
0x5b: {  	_ =	shalt  }
0x5c: {  	_ =	shalt  }
0x5d: {  	_ =	shalt  }
0x5e: {  	_ =	shalt  }
0x5f: {  	_ =	shalt  }
0x60: {  	_ =	shalt  }
0x61: {  	_ =	shalt  }
0x62: {  	_ =	shalt  }
0x63: {  	_ =	shalt  }
0x64: {  	_ =	shalt  }
0x65: {  	_ =	shalt  }
0x66: {  	_ =	shalt  }
0x67: {  	_ =	shalt  }
0x68: {  	_ =	shalt  }
0x69: {  	_ =	shalt  }
0x6a: {  	_ =	shalt  }
0x6b: {  	_ =	shalt  }
0x6c: {  	_ =	shalt  }
0x6d: {  	_ =	shalt  }
0x6e: {  	_ =	shalt  }
0x6f: {  	_ =	shalt  }
0x70: {  	_ =	shalt  }
0x71: {  	_ =	shalt  }
0x72: {  	_ =	shalt  }
0x73: {  	_ =	shalt  }
0x74: {  	_ =	shalt  }
0x75: {  	_ =	shalt  }
0x76: {  	_ =	shalt  }
0x77: {  	_ =	shalt  }
0x78: {  	_ =	shalt  }
0x79: {  	_ =	shalt  }
0x7a: {  	_ =	shalt  }
0x7b: {  	_ =	shalt  }
0x7c: {  	_ =	shalt  }
0x7d: {  	_ =	shalt  }
0x7e: {  	_ =	shalt  }
0x7f: {  	_ =	shalt  }
0x80: {  	_ =	shalt  }
0x81: {  	_ =	shalt  }
0x82: {  	_ =	shalt  }
0x83: {  	_ =	shalt  }
0x84: {  	_ =	shalt  }
0x85: {  	_ =	shalt  }
0x86: {  	_ =	shalt  }
0x87: {  	_ =	shalt  }
.Lfunc_end0:
.L_simem_size_0:
called_computation.1_lowered:
.L_overlay_start_0:
0x88: {  	s2 =	sld [smem:$0x3FD9]  }
0x89: {  	s3 =	sld [smem:$0x3FFE];
	_ =	sdelay $0x1  }
0x8a: {  	s1 =	srdreg.scid  }
0x8b: {  	s0 =	sand.u32 $0x1, s1  }
0x8c: {  	s16 =	sshll.u32 s0, $0xA;
	s2 =	sadd.s32 s3, s2  }
0x8d: {  	s2 =	sadd.s32 s2, s16  }
0x8e: {  	[smem:$0x3FBA] =	sst s2  }
0x8f: {  	_ = 	snop  }
0x90: {  	(tm) =	ssettm $0x1  }
0x91: {  	s17 =	sld [smem:$0x3FFB];
	_ =	sdelay $0x3  }
0x92: {  	_ =	strace s17  }
0x93: {  	s2 =	sld [smem:$0x3FFC];
	_ =	sdelay $0x3  }
0x94: {  	_ =	strace s2  }
0x95: {  	s2 =	sld [smem:$0x3FFD];
	_ =	sdelay $0x3  }
0x96: {  	_ =	strace s2  }
0x97: {  	_ =	strace $0x8FFFFFFF  }
0x98: {  	s18 =	sld [smem:$0x3FDB];
	_ =	sdelay $0x1  }
0x99: {  	s19 =	simm.s32 $_scs_section_size  }
0x9a: {  	s4 =	simm.s32 $_size__tile_overlayer_lowered;
	s5 =	simm.s32 $_tile_overlayer_lowered  }
0x9b: {  	s22 =	simm.s32 $0x1BFF;
	s21 =	sshll.u32 s5, $0x1;
	s2 =	sadd.s32 s19, s18  }
0x9c: {  	s6 =	simm.s32 $0x0;
	s20 =	sshll.u32 s4, $0x1;
	s4 =	sadd.s32 s21, s2  }
0x9d: {  	[timem:s6], [sflag:s22] =	dma.local [hbm:s4], s20  }
0x9e: {  	_ =	swait.ge [sflag:s22], s20  }
0x9f: {  	s3 =	ssub.s32 $0x0, s20;
	[sflag:s22] =	ssyncset.done $0x0  }
0xa0: {  	[sflag:s22] =	ssyncadd.s32 s3;
	_ =	sdelay $0x1  }
0xa1: {  	s23 =	simm.s32 $0x1B8B  }
0xa2: {  	_ =	swait.ge [sflag:s23], $0x1  }
0xa3: {  	[sflag:s23] =	ssyncset.done $0x0  }
0xa4: {  	s25 =	simm.s32 $0x1B8E;
	s24 =	sld [smem:$0x3FFE];
	[sflag:s23] =	ssyncadd.s32 $0xFFFFFFFF  }
0xa5: {  	s26 =	simm.s32 $execute0_lowered;
	[smem:$0x3FD2] =	sst s25  }
0xa6: {  	s4 =	sshll.u32 s26, $0x1;
	_ =	strace $0x80000049;
	[dreg:$0x1] =	wrdreg $0xFFFFFFFF  }
0xa7: {  	s28 =	simm.s32 $_size_execute0_lowered;
	s2 =	sadd.s32 s2, s4;
	[dreg:$0x0] =	wrdreg $0x0  }
0xa8: {  	s4 =	sshll.u32 s28, $0x1;
	[dreg:$0x2] =	wrdreg s2  }
0xa9: {  	[dreg:$0x3] =	wrdreg s4  }
0xaa: {  	[dreg:$0x4] =	wrdreg $0xC0  }
0xab: {  	_ =	task [dreg:s6], $0x5FFFF  }
0xac: {  	[dreg:$0x1] =	wrdreg $0xFFFFFFFF  }
0xad: {  	[dreg:$0x0] =	wrdreg $0x60  }
0xae: {  	[dreg:$0x2] =	wrdreg s24  }
0xaf: {  	[dreg:$0x3] =	wrdreg $0xA0000  }
0xb0: {  	[dreg:$0x4] =	wrdreg $0x9  }
0xb1: {  	_ =	task.clear_ibuf [dreg:s6], $0x5FFFF;
	_ =	strace $0x90000049  }
0xb2: {  	s29 =	simm.s32 $0x9;
	_ =	strace $0x8000004B  }
0xb3: {  	_ =	swait.ge [sflag:s29], $0x1  }
0xb4: {  	[sflag:s29] =	ssyncadd.s32 $0xFFFFFFFF  }
0xb5: {  	_ =	strace $0x9000004B  }
0xb6: {  	_ =	sfence  }
0xb7: {  	s30 =	sld [smem:$0x0];
	_ =	sdelay $0x2  }
0xb8: {  	s31 =	sshll.u32 s1, $0xD;
	s1 =	sshrl.u32 s1, $0x2  }
0xb9: {  	s3 =	sand.u32 $0x4000, s31;
	s1 =	sadd.s32 s1, s30  }
0xba: {  	s0 =	sor.u32 s3, s0;
	s1 =	sshll.u32 s1, $0x11  }
0xbb: {  	s0 =	sor.u32 s1, s0  }
0xbc: {  	s0 =	sadd.s32 $0x8F2B, s0  }
0xbd: {  	[sflag:s0] =	ssyncadd.remote.s32 $0x1  }
0xbe: {  	_ =	sfence.sel $0xFFFF  }
0xbf: {  	[dreg:$0x0] =	wrdreg $0xFFFFFFFF;
	(pc) =	sbr.abs _section_cstart, $3  }
0xc0: {  	[dreg:$0x1] =	wrdreg $0xFFFFFFFF  }
0xc1: {  	_ =	task.clear_ibuf [dreg:s6], $0x2FFFF;
	_ =	strace $0x9FFFFFFF  }
0xc2: {  	(tm) =	ssettm $0x7FFFFFFF  }
0xc3: {  	_ =	shalt  }
tec
execute0_lowered:
.L_overlay_start_1:
0x0: {  	(tag) =	ssettag $0x1  }
0x1: {  	s0 =	rddreg [dreg:$0x0]  }
0x2: {  	s2 =	rddreg [dreg:$0x1]  }
0x3: {  	s3 =	simm.s32 $0x0;
	s1 =	srdreg.scid;
	s5 =	stileid.u32  }
0x4: {  	s14 =	simm.s32 $0x5;
	s15 =	simm.s32 $0x1000;
	s16 =	simm.s32 $0x7D  }
0x5: {  	s17 =	simm.s32 $0x2000;
	s18 =	simm.s32 $0x1;
	s20 =	simm.s32 $0x6000  }
0x6: {  	s21 =	simm.s32 $0x2;
	s22 =	simm.s32 $0x3;
	s30 =	simm.s32 $0x0  }
0x7: {  	[smem:$0x7FF] =	sst s3;
	s1 =	sand.u32 $0x1, s1;
	s6 =	smul.u32 $0x2800, s5  }
0x8: {  	s4 =	sadd.s32 $0x18200, s0;
	s12 =	sadd.s32 $0xE200, s0;
	s11 =	sadd.s32 $0x3C00, s0  }
0x9: {  	s8 =	sadd.s32 $0x66600, s0;
	s9 =	smul.u32 $0x50000, s5;
	s26 =	sshll.u32 s5, $0x6  }
0xa: {  	_ =	strace $0x8000004A;
	s7 =	smul.u32 $0x28000, s1;
	s23 =	ssub.s32 $0x2, s1  }
0xb: {  	[dreg:$0x3] =	wrdreg s8;
	s1 =	sshll.u32 s1, $0x4;
	s24 =	sshrl.u32 s23, $0x1  }
0xc: {  	s1 =	sor.u32 s5, s1;
	s25 =	sshrl.u32 s9, $0x2;
	s7 =	sadd.s32 s6, s7  }
0xd: {  	s10 =	ssub.s32 s23, s24;
	s1 =	smul.u32 $0x500, s1;
	s13 =	sadd.s32 s25, s2  }
0xe: {  	s6 =	sor.u32 $0x1C05, s26;
	s23 =	simm.s32 $0x4;
	s0 =	sadd.s32 s7, s0  }
0xf: {  	s28 =	sor.u32 $0x100, s7;
	s10 =	smax.u32 s10, $0x1;
	s29 =	sadd.s32 s12, s1  }
0x10: {  	s13 =	sshrl.u32 s13, $0x3;
	s1 =	sadd.s32 s11, s1;
	[dreg:$0x4] =	wrdreg s29  }
0x11: {  	s31 =	sshrl.u32 s28, $0x3;
	s0 =	sadd.s32 $0x68E00, s0;
	[dreg:$0x5] =	wrdreg s1  }
0x12: {  	[dreg:$0x6] =	wrdreg s0;
	s11 =	sadd.s32 s31, s11;
	s12 =	sadd.s32 s31, s12  }
.LBB2_1:
0x13: {  	s0 =	rddreg [dreg:$0x3]  }
0x14: {  	[spmem:s13], [sflag:s6] =	dma.local [hbm:s0], $0x2800  }
0x15: {  	_ =	swait.ge [sflag:s14], $0x2800  }
0x16: {  	[sflag:s14] =	ssyncset.done $0x0  }
0x17: {  	s1 =	rddreg [dreg:$0x4];
	[sflag:s14] =	ssyncadd.s32 $0xFFFFD800  }
0x18: {  	[tilespmem:s3], [sflag:$0x5] =	stream.linear.gather [hbm4b:s1+s3], $0x800, $0x38;
	[tilespmem:$0x1E000] =	vst v63  }
0x19: {  	_ =	swait.ge [sflag:s14], $0x800  }
0x1a: {  	[sflag:s14] =	ssyncset.done $0x0  }
0x1b: {  	s5 =	rddreg [dreg:$0x5];
	[sflag:s14] =	ssyncadd.s32 $0xFFFFF800  }
0x1c: {  	[tilespmem:s15], [sflag:$0x5] =	stream.linear.gather [hbm4b:s5+s3], $0x800, $0x38;
	[tilespmem:$0x1E000] =	vst v63  }
0x1d: {  	_ =	swait.ge [sflag:s14], $0x800  }
0x1e: {  	[sflag:s14] =	ssyncset.done $0x0  }
0x1f: {  	[sflag:s14] =	ssyncadd.s32 $0xFFFFF800  }
0x20: {  	[bflag:$0x0] =	sbarrier.arrive $0xFFFF  }
0x21: {  	[tilespmem:s17], [sflag:$0x1] =	stream.indirect.gather [hbm4b:s4+s16], $0x80, s3, s16, $0xb8;
	[tilespmem:$0x1E000] =	vst v63  }
0x22: {  	_ =	swait.ge [sflag:s18], $0x3E80  }
0x23: {  	[sflag:s18] =	ssyncset.done $0x0  }
0x24: {  	s8 =	sand.u32 $0x7, s3;
	[sflag:s18] =	ssyncadd.s32 $0xFFFFC180  }
0x25: {  	[spmem:s2] =	stream.indirect.scatter.add.f32 [tilespmem:s17], [sflag:$0x3], $0x80, s15, s16, $0xb8;
	[tilespmem:$0x1E000] =	vst v63  }
0x26: {  	s7 =	simm.s32 $0x80;
	s31 =	simm.s32 $0x100;
	p0 =	seq.s32 s8, $0x7  }
0x27: {  	[tilespmem:s20], [sflag:$0x2] =	stream.indirect.gather [hbm4b:s4+s16], $0x80, s7, s16, $0xb8;
	[tilespmem:$0x1E000] =	vst v63  }
0x28: {  	s0 =	sand.u32 @p0 $0x800, s31;
	s19 =	simm.s32 @p0 $0x5;
	s1 =	simm.s32 @p0 $0x0  }
0x29: {  	[tilespmem:s0], [sflag:$0x5] =	stream.linear.gather @p0 [hbm4b:s12+s1], $0x800, $0x38;
	[tilespmem:$0x1E000] =	vst v63  }
0x2a: {  	_ =	swait.ge @p0 [sflag:s19], $0x800  }
0x2b: {  	[sflag:s19] =	ssyncset.done @p0 $0x0  }
0x2c: {  	s24 =	sor.u32 @p0 $0x1000, s0;
	[sflag:s19] =	ssyncadd.s32 @p0 $0xFFFFF800  }
0x2d: {  	[tilespmem:s24], [sflag:$0x5] =	stream.linear.gather @p0 [hbm4b:s11+s1], $0x800, $0x38;
	[tilespmem:$0x1E000] =	vst v63  }
0x2e: {  	_ =	swait.ge @p0 [sflag:s19], $0x800  }
0x2f: {  	[sflag:s19] =	ssyncset.done @p0 $0x0  }
0x30: {  	[sflag:s19] =	ssyncadd.s32 @p0 $0xFFFFF800  }
0x31: {  	_ =	swait.ge [sflag:s21], $0x3E80  }
0x32: {  	s9 =	sand.u32 $0xF00, s3;
	[sflag:s21] =	ssyncset.done $0x0  }
0x33: {  	s1 =	sor.u32 $0x1080, s9;
	[sflag:s21] =	ssyncadd.s32 $0xFFFFC180  }
0x34: {  	[spmem:s2] =	stream.indirect.scatter.add.f32 [tilespmem:s20], [sflag:$0x4], $0x80, s1, s16, $0xb8;
	[tilespmem:$0x1E000] =	vst v63  }
0x35: {  	s1 =	sand.u32 @!p0 $0x800, s31;
	_ =	swait.ge [sflag:s22], $0x3E80  }
0x36: {  	s19 =	sand.u32 $0x700, s31;
	s1 =	smov.u32 @p0 s0;
	[sflag:s22] =	ssyncset.done $0x0  }
0x37: {  	s24 =	sor.u32 s19, s1;
	[sflag:s22] =	ssyncadd.s32 $0xFFFFC180  }
0x38: {  	[tilespmem:s17], [sflag:$0x1] =	stream.indirect.gather [hbm4b:s4+s16], $0x80, s24, s16, $0xb8;
	[tilespmem:$0x1E000] =	vst v63  }
0x39: {  	s26 =	simm.s32 $0x180;
	s28 =	simm.s32 $0x1;
	_ =	swait.ge [sflag:s18], $0x3E80  }
0x3a: {  	s25 =	simm.s32 $0x2;
	s28 =	sand.u32 $0x7, s28;
	[sflag:s18] =	ssyncset.done $0x0  }
0x3b: {  	s29 =	sand.u32 $0xF80, s26;
	s19 =	sor.u32 $0x1000, s24;
	[sflag:s18] =	ssyncadd.s32 $0xFFFFC180  }
0x3c: {  	[spmem:s2] =	stream.indirect.scatter.add.f32 [tilespmem:s17], [sflag:$0x3], $0x80, s19, s16, $0xb8;
	[tilespmem:$0x1E000] =	vst v63  }
0x3d: {  	s0 =	sand.u32 $0xF00, s31;
	s1 =	simm.s32 $0x280;
	_ =	swait.ge [sflag:s23], $0x3E80  }
0x3e: {  	s24 =	sadd.s32 $0x20, s12;
	s19 =	sadd.s32 $0x20, s11;
	[sflag:s23] =	ssyncset.done $0x0  }
.LBB2_2:
0x3f: {  	s31 =	sadd.s32 $0x100, s31;
	p1 =	seq.s32 s28, $0x7  }
0x40: {  	[sflag:s23] =	ssyncadd.s32 $0xFFFFC180;
	s26 =	smov.u32 s1;
	s28 =	smov.u32 s25  }
0x41: {  	[tilespmem:s20], [sflag:$0x2] =	stream.indirect.gather [hbm4b:s4+s16], $0x80, s29, s16, $0xb8;
	[tilespmem:$0x1E000] =	vst v63  }
0x42: {  	s1 =	sand.u32 @p1 $0x800, s31;
	s29 =	simm.s32 @p1 $0x0;
	s5 =	simm.s32 @p1 $0x5  }
0x43: {  	[tilespmem:s1], [sflag:$0x5] =	stream.linear.gather @p1 [hbm4b:s24+s29], $0x800, $0x38;
	[tilespmem:$0x1E000] =	vst v63  }
0x44: {  	s8 =	sand.u32 @!p1 $0x800, s31;
	s7 =	sor.u32 @p1 $0x1000, s1;
	_ =	swait.ge @p1 [sflag:s5], $0x800  }
0x45: {  	s9 =	sand.u32 $0xF00, s31;
	s8 =	smov.u32 @p1 s1;
	[sflag:s5] =	ssyncset.done @p1 $0x0  }
0x46: {  	s25 =	sadd.s32 $0x1, s25;
	s1 =	sadd.s32 $0x180, s31;
	[sflag:s5] =	ssyncadd.s32 @p1 $0xFFFFF800  }
0x47: {  	[tilespmem:s7], [sflag:$0x5] =	stream.linear.gather @p1 [hbm4b:s19+s29], $0x800, $0x38;
	[tilespmem:$0x1E000] =	vst v63  }
0x48: {  	p0 =	sne.s32 s25, $0x26;
	_ =	swait.ge @p1 [sflag:s5], $0x800  }
0x49: {  	[sflag:s5] =	ssyncset.done @p1 $0x0  }
0x4a: {  	[sflag:s5] =	ssyncadd.s32 @p1 $0xFFFFF800  }
0x4b: {  	_ =	swait.ge [sflag:s21], $0x3E80  }
0x4c: {  	[sflag:s21] =	ssyncset.done $0x0  }
0x4d: {  	s5 =	sor.u32 $0x1080, s0;
	s0 =	smov.u32 s9;
	[sflag:s21] =	ssyncadd.s32 $0xFFFFC180  }
0x4e: {  	[spmem:s2] =	stream.indirect.scatter.add.f32 [tilespmem:s20], [sflag:$0x4], $0x80, s5, s16, $0xb8;
	[tilespmem:$0x1E000] =	vst v63  }
0x4f: {  	_ =	swait.ge [sflag:s22], $0x3E80  }
0x50: {  	s5 =	sand.u32 $0x700, s31;
	[sflag:s22] =	ssyncset.done $0x0  }
0x51: {  	s5 =	sor.u32 s5, s8;
	[sflag:s22] =	ssyncadd.s32 $0xFFFFC180  }
0x52: {  	[tilespmem:s17], [sflag:$0x1] =	stream.indirect.gather [hbm4b:s4+s16], $0x80, s5, s16, $0xb8;
	[tilespmem:$0x1E000] =	vst v63  }
0x53: {  	_ =	swait.ge [sflag:s18], $0x3E80  }
.Ltmp0:
0x54: {  	[sflag:s18] =	ssyncset.done $0x0;
	(pc) =	sbr.rel @p0 .LBB2_2-.Ltmp0, $4  }
0x55: {  	s5 =	sor.u32 $0x1000, s5;
	[sflag:s18] =	ssyncadd.s32 $0xFFFFC180  }
0x56: {  	[spmem:s2] =	stream.indirect.scatter.add.f32 [tilespmem:s17], [sflag:$0x3], $0x80, s5, s16, $0xb8;
	[tilespmem:$0x1E000] =	vst v63  }
0x57: {  	s24 =	sadd.s32 $0x20, s24;
	s19 =	sadd.s32 $0x20, s19;
	_ =	swait.ge [sflag:s23], $0x3E80  }
0x58: {  	s28 =	sand.u32 $0x7, s28;
	s29 =	sand.u32 $0xF80, s26;
	[sflag:s23] =	ssyncset.done $0x0  }
0x59: {  	s5 =	sadd.s32 $0x100, s31;
	p0 =	seq.s32 s28, $0x7;
	[sflag:s23] =	ssyncadd.s32 $0xFFFFC180  }
0x5a: {  	[tilespmem:s20], [sflag:$0x2] =	stream.indirect.gather [hbm4b:s4+s16], $0x80, s29, s16, $0xb8;
	[tilespmem:$0x1E000] =	vst v63  }
0x5b: {  	s7 =	sand.u32 @p0 $0x800, s5;
	s8 =	simm.s32 @p0 $0x0;
	s9 =	simm.s32 @p0 $0x5  }
0x5c: {  	[tilespmem:s7], [sflag:$0x5] =	stream.linear.gather @p0 [hbm4b:s24+s8], $0x800, $0x38;
	[tilespmem:$0x1E000] =	vst v63  }
0x5d: {  	_ =	swait.ge @p0 [sflag:s9], $0x800  }
0x5e: {  	[sflag:s9] =	ssyncset.done @p0 $0x0  }
0x5f: {  	s24 =	sor.u32 @p0 $0x1000, s7;
	[sflag:s9] =	ssyncadd.s32 @p0 $0xFFFFF800  }
0x60: {  	[tilespmem:s24], [sflag:$0x5] =	stream.linear.gather @p0 [hbm4b:s19+s8], $0x800, $0x38;
	[tilespmem:$0x1E000] =	vst v63  }
0x61: {  	_ =	swait.ge @p0 [sflag:s9], $0x800  }
0x62: {  	[sflag:s9] =	ssyncset.done @p0 $0x0  }
0x63: {  	[sflag:s9] =	ssyncadd.s32 @p0 $0xFFFFF800  }
0x64: {  	_ =	swait.ge [sflag:s21], $0x3E80  }
0x65: {  	[sflag:s21] =	ssyncset.done $0x0  }
0x66: {  	s0 =	sor.u32 $0x1080, s0;
	[sflag:s21] =	ssyncadd.s32 $0xFFFFC180  }
0x67: {  	[spmem:s2] =	stream.indirect.scatter.add.f32 [tilespmem:s20], [sflag:$0x4], $0x80, s0, s16, $0xb8;
	[tilespmem:$0x1E000] =	vst v63  }
0x68: {  	s0 =	sand.u32 @!p0 $0x800, s5;
	_ =	swait.ge [sflag:s22], $0x3E80  }
0x69: {  	s5 =	sand.u32 $0x700, s5;
	s0 =	smov.u32 @p0 s7;
	[sflag:s22] =	ssyncset.done $0x0  }
0x6a: {  	s0 =	sor.u32 s5, s0;
	[sflag:s22] =	ssyncadd.s32 $0xFFFFC180  }
0x6b: {  	[tilespmem:s17], [sflag:$0x1] =	stream.indirect.gather [hbm4b:s4+s16], $0x80, s0, s16, $0xb8;
	[tilespmem:$0x1E000] =	vst v63  }
0x6c: {  	_ =	swait.ge [sflag:s18], $0x3E80  }
0x6d: {  	[sflag:s18] =	ssyncset.done $0x0  }
0x6e: {  	s0 =	sor.u32 $0x1000, s0;
	[sflag:s18] =	ssyncadd.s32 $0xFFFFC180  }
0x6f: {  	[spmem:s2] =	stream.indirect.scatter.add.f32 [tilespmem:s17], [sflag:$0x3], $0x80, s0, s16, $0xb8;
	[tilespmem:$0x1E000] =	vst v63  }
0x70: {  	_ =	swait.ge [sflag:s23], $0x3E80  }
0x71: {  	[sflag:s23] =	ssyncset.done $0x0  }
0x72: {  	s19 =	sand.u32 $0xF80, s1;
	[sflag:s23] =	ssyncadd.s32 $0xFFFFC180  }
0x73: {  	[tilespmem:s20], [sflag:$0x2] =	stream.indirect.gather [hbm4b:s4+s16], $0x80, s19, s16, $0xb8;
	[tilespmem:$0x1E000] =	vst v63  }
0x74: {  	_ =	swait.ge [sflag:s21], $0x3E80  }
0x75: {  	[sflag:s21] =	ssyncset.done $0x0  }
0x76: {  	s24 =	simm.s32 $0x1680;
	[sflag:s21] =	ssyncadd.s32 $0xFFFFC180  }
0x77: {  	[spmem:s2] =	stream.indirect.scatter.add.f32 [tilespmem:s20], [sflag:$0x4], $0x80, s24, s16, $0xb8;
	[tilespmem:$0x1E000] =	vst v63  }
0x78: {  	_ =	swait.ge [sflag:s22], $0x3E80  }
0x79: {  	[sflag:s22] =	ssyncset.done $0x0  }
0x7a: {  	s25 =	simm.s32 $0x700;
	[sflag:s22] =	ssyncadd.s32 $0xFFFFC180  }
0x7b: {  	[tilespmem:s17], [sflag:$0x1] =	stream.indirect.gather [hbm4b:s4+s16], $0x80, s25, s16, $0xb8;
	[tilespmem:$0x1E000] =	vst v63  }
0x7c: {  	_ =	swait.ge [sflag:s18], $0x3E80  }
0x7d: {  	[sflag:s18] =	ssyncset.done $0x0  }
0x7e: {  	s26 =	simm.s32 $0x1700;
	[sflag:s18] =	ssyncadd.s32 $0xFFFFC180  }
0x7f: {  	[spmem:s2] =	stream.indirect.scatter.add.f32 [tilespmem:s17], [sflag:$0x3], $0x80, s26, s16, $0xb8;
	[tilespmem:$0x1E000] =	vst v63  }
0x80: {  	_ =	swait.ge [sflag:s23], $0x3E80  }
0x81: {  	[sflag:s23] =	ssyncset.done $0x0  }
0x82: {  	s28 =	simm.s32 $0x780;
	[sflag:s23] =	ssyncadd.s32 $0xFFFFC180  }
0x83: {  	[tilespmem:s20], [sflag:$0x2] =	stream.indirect.gather [hbm4b:s4+s16], $0x80, s28, s16, $0xb8;
	[tilespmem:$0x1E000] =	vst v63  }
0x84: {  	_ =	swait.ge [sflag:s21], $0x3E80  }
0x85: {  	[sflag:s21] =	ssyncset.done $0x0  }
0x86: {  	s29 =	simm.s32 $0x1780;
	[sflag:s21] =	ssyncadd.s32 $0xFFFFC180  }
0x87: {  	[spmem:s2] =	stream.indirect.scatter.add.f32 [tilespmem:s20], [sflag:$0x4], $0x80, s29, s16, $0xb8;
	[tilespmem:$0x1E000] =	vst v63  }
0x88: {  	_ =	swait.ge [sflag:s22], $0x3E80  }
0x89: {  	[sflag:s22] =	ssyncset.done $0x0  }
0x8a: {  	[sflag:s22] =	ssyncadd.s32 $0xFFFFC180  }
0x8b: {  	_ =	swait.ge [sflag:s23], $0x3E80  }
0x8c: {  	[sflag:s23] =	ssyncset.done $0x0  }
0x8d: {  	s30 =	sadd.s32 $0x1, s30;
	[sflag:s23] =	ssyncadd.s32 $0xFFFFC180  }
0x8e: {  	p0 =	sne.s32 s30, s10;
	[bflag:$0x0] =	sbarrier.arrive $0xFFFF  }
.Ltmp1:
0x8f: {  	s31 =	rddreg [dreg:$0x6];
	(pc) =	sbr.rel @p0 .LBB2_1-.Ltmp1, $4  }
0x90: {  	[hbm:s31], [sflag:s6] =	dma.local [spmem:s13], $0x2800  }
0x91: {  	_ =	swait.ge [sflag:s14], $0x2800  }
0x92: {  	[sflag:s14] =	ssyncset.done $0x0  }
0x93: {  	[sflag:s14] =	ssyncadd.s32 $0xFFFFD800  }
0x94: {  	_ =	sfence.sel $0x180000  }
0x95: {  	[bflag:$0x0] =	sbarrier.arrive $0xFFFF  }
0x96: {  	_ =	strace $0x9000004A  }
0x97: {  	s0 =	stileid.u32;
	[bflag:$0x2] =	sbarrier.arrive $0xFFFF  }
0x98: {  	p0 =	sne.s32 s0, $0x0;
	s0 =	rddreg [dreg:$0x2]  }
0x99: {  	s0 =	sadd.s32 @!p0 $0x100000, s0  }
0x9a: {  	[sflag:s0] =	ssyncadd.tile.s32 @!p0 $0x1;
	_ =	shalt  }
.Lfunc_end2:
_tile_overlayer_lowered:
.L_overlay_start_2:
0x9b: {  	(tag) =	ssettag $0x2  }
0x9c: {  	s0 =	rddreg [dreg:$0x0];
	s2 =	stileid.u32  }
0x9d: {  	s1 =	rddreg [dreg:$0x1];
	p0 =	sne.s32 s2, $0x0  }
0x9e: {  	s3 =	rddreg [dreg:$0x2];
	[bflag:$0x3] =	sbarrier.arrive $0xFFFF;
	s2 =	simm.s32 @!p0 $0x1C05  }
0x9f: {  	[timem:s3], [sflag:s2] =	dma.local @!p0 [hbm:s0], s1  }
0xa0: {  	s0 =	simm.s32 @!p0 $0x5  }
0xa1: {  	_ =	swait.ge @!p0 [sflag:s0], s1  }
0xa2: {  	s1 =	ssub.s32 @!p0 $0x0, s1;
	[sflag:s0] =	ssyncset.done @!p0 $0x0  }
0xa3: {  	[sflag:s0] =	ssyncadd.s32 @!p0 s1  }
0xa4: {  	[bflag:$0x3] =	sbarrier.arrive $0xFFFF  }
0xa5: {  	_ =	shalt  }

// kernel: kernel.14.cloned.1.call-start
scs
__scs_entry_jumppad:
0x0: {  	(pc) =	sbr.rel $0x88, $3  }
0x1: {  	(tag) =	ssettag $0x0;
	lr =	simm.s32 $0x1  }
0x2: {  	[smem:$0x3F93] =	sst lr;
	_ =	strace $0xD0000000  }
0x3: {  	_ = 	snop  }
0x4: {  	_ = 	snop  }
0x5: {  	_ = 	snop  }
0x6: {  	_ = 	snop  }
0x7: {  	_ = 	snop  }
__scs_overlays_trampoline_lowered:
0x8: {  	[smem:$0x3FA2] =	sst s0  }
0x9: {  	[smem:$0x3FA3] =	sst s1  }
0xa: {  	[smem:$0x3FA4] =	sst s2  }
0xb: {  	[smem:$0x3FA5] =	sst s3  }
0xc: {  	[smem:$0x3FA6] =	sst s4  }
0xd: {  	[smem:$0x3FA7] =	sst s5  }
0xe: {  	[smem:$0x3FA8] =	sst s6  }
0xf: {  	[smem:$0x3FA9] =	sst s7  }
0x10: {  	[smem:$0x3FAA] =	sst s8  }
0x11: {  	[smem:$0x3FAB] =	sst s9;
	s0 =	simm.s32 @!p0 $0x0  }
0x12: {  	s1 =	sld [smem:$0x3F91];
	s0 =	simm.s32 @p0 $0x1  }
0x13: {  	[smem:$0x3FAC] =	sst s0;
	s0 =	simm.s32 @!p1 $0x0  }
0x14: {  	s2 =	sld [smem:$0x3F90];
	s0 =	simm.s32 @p1 $0x1  }
0x15: {  	[smem:$0x3FAD] =	sst s0;
	s0 =	simm.s32 @!p2 $0x0  }
0x16: {  	s3 =	sld [smem:$0x3FDB];
	s0 =	simm.s32 @p2 $0x1  }
0x17: {  	s4 =	simm.s32 $0x1BF5;
	[smem:$0x3FAF] =	sst s0  }
0x18: {  	s0 =	sld [smem:$0x3F92];
	_ =	swait.ge [sflag:s4], $0x0  }
0x19: {  	s7 =	sld [smem:$0x3F93]  }
0x1a: {  	s8 =	sadd.s32 $0xFFFFE003, lr  }
0x1b: {  	s9 =	sadd.s32 $0xFFFFFEF7, lr;
	s5 =	simm.s32 $0xFFFFFFFF;
	p2 =	slt.u32 s8, $0xFFFFF086  }
0x1c: {  	p1 =	slt.u32 s9, $0xF7A;
	s5 =	simm.s32 @!p2 $0x0  }
0x1d: {  	s5 =	simm.s32 @p1 $0x1;
	p0 =	seq.s32 s7, s2  }
0x1e: {  	s7 =	smul.u32 @!p0 $0xF7A, s2;
	p2 =	seq.s32 @!p0 s5, $0x0  }
0x1f: {  	s9 =	smul.u32 $0xF7A, s1;
	s8 =	simm.s32 @!p0 $0x1BF5;
	p2 =	por !p2, p0  }
0x20: {  	[sflag:s8] =	ssyncset.s32 @!p0 $0xFFFFF086;
	s6 =	sadd.s32 @!p0 s3, s7;
	s7 =	simm.s32 @!p0 $0x108  }
0x21: {  	s3 =	sadd.s32 s3, s9;
	s6 =	sadd.s32 @!p0 $0x88, s6;
	s7 =	simm.s32 @p2 $0x1082  }
0x22: {  	[simem:s7], [sflag:s8] =	dma.local @!p0 [hbm:s6], $0xF7A  }
0x23: {  	s9 =	sor.u32 $0xD0000000, s2;
	s6 =	simm.s32 $0x108;
	_ =	swait.ge @!p0 [sflag:s8], $0x0  }
0x24: {  	s3 =	sadd.s32 $0x88, s3;
	s6 =	simm.s32 @!p1 $0x1082;
	[sflag:s4] =	ssyncset.s32 $0xFFFFF086  }
0x25: {  	[simem:s6], [sflag:s4] =	dma.local [hbm:s3], $0xF7A  }
0x26: {  	[smem:$0x3F93] =	sst s1;
	(tag) =	ssettag s2;
	_ =	strace s9  }
0x27: {  	s1 =	sld [smem:$0x3FA3]  }
0x28: {  	s2 =	sld [smem:$0x3FA4]  }
0x29: {  	s4 =	sld [smem:$0x3FA6]  }
0x2a: {  	p0 =	seq.s32 s5, $0x0;
	s5 =	sld [smem:$0x3FA7]  }
0x2b: {  	s6 =	sld [smem:$0x3FA8]  }
0x2c: {  	s7 =	sld [smem:$0x3FA9]  }
0x2d: {  	s3 =	simm.s32 $0x108;
	s8 =	sld [smem:$0x3FAA]  }
0x2e: {  	s3 =	simm.s32 @!p0 $0x1082;
	s9 =	sld [smem:$0x3FAB]  }
0x2f: {  	lr =	sadd.s32 s0, s3;
	s0 =	sld [smem:$0x3FA2]  }
0x30: {  	s3 =	sld [smem:$0x3FA5]  }
0x31: {  	[smem:$0x3FAE] =	sst s10  }
0x32: {  	s10 =	sld [smem:$0x3FAC];
	_ =	sdelay $0x3  }
0x33: {  	p0 =	seq.s32 s10, $0x1;
	s10 =	sld [smem:$0x3FAE];
	_ =	sdelay $0x3  }
0x34: {  	[smem:$0x3FAE] =	sst s10  }
0x35: {  	s10 =	sld [smem:$0x3FAD];
	_ =	sdelay $0x3  }
0x36: {  	p1 =	seq.s32 s10, $0x1;
	s10 =	sld [smem:$0x3FAE];
	_ =	sdelay $0x3  }
0x37: {  	[smem:$0x3FAE] =	sst s10  }
0x38: {  	s10 =	sld [smem:$0x3FAF]  }
0x39: {  	_ = 	snop;
	(pc) =	sbr.ind lr, $3  }
0x3a: {  	_ = 	snop  }
0x3b: {  	_ = 	snop  }
0x3c: {  	p2 =	seq.s32 s10, $0x1;
	s10 =	sld [smem:$0x3FAE]  }
0x3d: {  	_ =	shalt  }
0x3e: {  	_ =	shalt  }
0x3f: {  	_ =	shalt  }
0x40: {  	_ =	shalt  }
0x41: {  	_ =	shalt  }
0x42: {  	_ =	shalt  }
0x43: {  	_ =	shalt  }
0x44: {  	_ =	shalt  }
0x45: {  	_ =	shalt  }
0x46: {  	_ =	shalt  }
0x47: {  	_ =	shalt  }
0x48: {  	_ =	shalt  }
0x49: {  	_ =	shalt  }
0x4a: {  	_ =	shalt  }
0x4b: {  	_ =	shalt  }
0x4c: {  	_ =	shalt  }
0x4d: {  	_ =	shalt  }
0x4e: {  	_ =	shalt  }
0x4f: {  	_ =	shalt  }
0x50: {  	_ =	shalt  }
0x51: {  	_ =	shalt  }
0x52: {  	_ =	shalt  }
0x53: {  	_ =	shalt  }
0x54: {  	_ =	shalt  }
0x55: {  	_ =	shalt  }
0x56: {  	_ =	shalt  }
0x57: {  	_ =	shalt  }
0x58: {  	_ =	shalt  }
0x59: {  	_ =	shalt  }
0x5a: {  	_ =	shalt  }
0x5b: {  	_ =	shalt  }
0x5c: {  	_ =	shalt  }
0x5d: {  	_ =	shalt  }
0x5e: {  	_ =	shalt  }
0x5f: {  	_ =	shalt  }
0x60: {  	_ =	shalt  }
0x61: {  	_ =	shalt  }
0x62: {  	_ =	shalt  }
0x63: {  	_ =	shalt  }
0x64: {  	_ =	shalt  }
0x65: {  	_ =	shalt  }
0x66: {  	_ =	shalt  }
0x67: {  	_ =	shalt  }
0x68: {  	_ =	shalt  }
0x69: {  	_ =	shalt  }
0x6a: {  	_ =	shalt  }
0x6b: {  	_ =	shalt  }
0x6c: {  	_ =	shalt  }
0x6d: {  	_ =	shalt  }
0x6e: {  	_ =	shalt  }
0x6f: {  	_ =	shalt  }
0x70: {  	_ =	shalt  }
0x71: {  	_ =	shalt  }
0x72: {  	_ =	shalt  }
0x73: {  	_ =	shalt  }
0x74: {  	_ =	shalt  }
0x75: {  	_ =	shalt  }
0x76: {  	_ =	shalt  }
0x77: {  	_ =	shalt  }
0x78: {  	_ =	shalt  }
0x79: {  	_ =	shalt  }
0x7a: {  	_ =	shalt  }
0x7b: {  	_ =	shalt  }
0x7c: {  	_ =	shalt  }
0x7d: {  	_ =	shalt  }
0x7e: {  	_ =	shalt  }
0x7f: {  	_ =	shalt  }
0x80: {  	_ =	shalt  }
0x81: {  	_ =	shalt  }
0x82: {  	_ =	shalt  }
0x83: {  	_ =	shalt  }
0x84: {  	_ =	shalt  }
0x85: {  	_ =	shalt  }
0x86: {  	_ =	shalt  }
0x87: {  	_ =	shalt  }
.Lfunc_end0:
.L_simem_size_0:
called_computation.2_lowered:
.L_overlay_start_0:
0x88: {  	s2 =	sld [smem:$0x3FD9]  }
0x89: {  	s3 =	sld [smem:$0x3FFE];
	_ =	sdelay $0x1  }
0x8a: {  	s1 =	srdreg.scid  }
0x8b: {  	s0 =	sand.u32 $0x1, s1  }
0x8c: {  	s14 =	sshll.u32 s0, $0xA;
	s2 =	sadd.s32 s3, s2  }
0x8d: {  	s2 =	sadd.s32 s2, s14  }
0x8e: {  	[smem:$0x3FBA] =	sst s2  }
0x8f: {  	_ = 	snop  }
0x90: {  	s2 =	sld [smem:$0x3FD0];
	_ =	sdelay $0x2  }
0x91: {  	s15 =	simm.s32 $0xA;
	s4 =	simm.s32 $0x10  }
0x92: {  	[smem:s4], [sflag:s15] =	dma.local [hbm:s2], $0x1  }
0x93: {  	_ =	swait.eq [sflag:s15], $0x1  }
0x94: {  	[sflag:s15] =	ssyncset.done $0x0  }
0x95: {  	[sflag:s15] =	ssyncadd.s32 $0xFFFFFFFF  }
0x96: {  	s16 =	sld [smem:$0x10];
	(tm) =	ssettm $0x1  }
0x97: {  	s17 =	sld [smem:$0x3FFB];
	_ =	sdelay $0x3  }
0x98: {  	_ =	strace s17  }
0x99: {  	s3 =	sld [smem:$0x3FFC];
	_ =	sdelay $0x3  }
0x9a: {  	_ =	strace s3  }
0x9b: {  	s3 =	sld [smem:$0x3FFD];
	_ =	sdelay $0x3  }
0x9c: {  	_ =	strace s3  }
0x9d: {  	_ =	strace $0x8FFFFFFF  }
0x9e: {  	s18 =	sld [smem:$0x3FDB];
	_ =	sdelay $0x1  }
0x9f: {  	s19 =	simm.s32 $_scs_section_size  }
0xa0: {  	s5 =	simm.s32 $_size__tile_overlayer_lowered;
	s6 =	simm.s32 $_tile_overlayer_lowered  }
0xa1: {  	s22 =	simm.s32 $0x1BFF;
	s21 =	sshll.u32 s6, $0x1;
	s3 =	sadd.s32 s19, s18  }
0xa2: {  	s7 =	simm.s32 $0x0;
	s20 =	sshll.u32 s5, $0x1;
	s5 =	sadd.s32 s21, s3  }
0xa3: {  	[timem:s7], [sflag:s22] =	dma.local [hbm:s5], s20  }
0xa4: {  	_ =	swait.ge [sflag:s22], s20  }
0xa5: {  	s4 =	ssub.s32 $0x0, s20;
	[sflag:s22] =	ssyncset.done $0x0  }
0xa6: {  	[sflag:s22] =	ssyncadd.s32 s4;
	_ =	sdelay $0x1  }
0xa7: {  	s23 =	simm.s32 $0x1B8B  }
0xa8: {  	_ =	swait.ge [sflag:s23], $0x1  }
0xa9: {  	[sflag:s23] =	ssyncset.done $0x0  }
0xaa: {  	s25 =	simm.s32 $0x1B8E;
	s24 =	sld [smem:$0x3FFE];
	[sflag:s23] =	ssyncadd.s32 $0xFFFFFFFF  }
0xab: {  	s26 =	simm.s32 $execute0_lowered;
	[smem:$0x3FD2] =	sst s25  }
0xac: {  	s5 =	sshll.u32 s26, $0x1;
	_ =	strace $0x8000004C;
	[dreg:$0x1] =	wrdreg $0xFFFFFFFF  }
0xad: {  	s28 =	simm.s32 $_size_execute0_lowered;
	s3 =	sadd.s32 s3, s5;
	[dreg:$0x0] =	wrdreg $0x0  }
0xae: {  	s5 =	sshll.u32 s28, $0x1;
	[dreg:$0x2] =	wrdreg s3  }
0xaf: {  	[dreg:$0x3] =	wrdreg s5  }
0xb0: {  	[dreg:$0x4] =	wrdreg $0xC0  }
0xb1: {  	_ =	task [dreg:s7], $0x5FFFF  }
0xb2: {  	[dreg:$0x1] =	wrdreg $0xFFFFFFFF  }
0xb3: {  	[dreg:$0x0] =	wrdreg $0x60  }
0xb4: {  	[dreg:$0x2] =	wrdreg s24  }
0xb5: {  	[dreg:$0x3] =	wrdreg s16  }
0xb6: {  	[dreg:$0x4] =	wrdreg $0x5E800  }
0xb7: {  	[dreg:$0x5] =	wrdreg $0x9  }
0xb8: {  	_ =	task.clear_ibuf [dreg:s7], $0x6FFFF;
	_ =	strace $0x9000004C  }
0xb9: {  	s29 =	simm.s32 $0x9;
	_ =	strace $0x8000004E  }
0xba: {  	_ =	swait.ge [sflag:s29], $0x1  }
0xbb: {  	[sflag:s29] =	ssyncadd.s32 $0xFFFFFFFF  }
0xbc: {  	_ =	strace $0x9000004E  }
0xbd: {  	_ =	sfence  }
0xbe: {  	s30 =	sld [smem:$0x0];
	_ =	sdelay $0x2  }
0xbf: {  	s31 =	sshll.u32 s1, $0xD;
	s1 =	sshrl.u32 s1, $0x2  }
0xc0: {  	s3 =	sand.u32 $0x4000, s31;
	s1 =	sadd.s32 s1, s30  }
0xc1: {  	s0 =	sor.u32 s3, s0;
	s1 =	sshll.u32 s1, $0x11  }
0xc2: {  	s0 =	sor.u32 s1, s0  }
0xc3: {  	s0 =	sadd.s32 $0x8F2B, s0  }
0xc4: {  	[sflag:s0] =	ssyncadd.remote.s32 $0x1  }
0xc5: {  	_ =	sfence.sel $0xFFFF  }
0xc6: {  	[dreg:$0x0] =	wrdreg $0xFFFFFFFF;
	(pc) =	sbr.abs _section_cstart, $3  }
0xc7: {  	[dreg:$0x1] =	wrdreg $0xFFFFFFFF  }
0xc8: {  	_ =	task.clear_ibuf [dreg:s7], $0x2FFFF;
	_ =	strace $0x9FFFFFFF  }
0xc9: {  	(tm) =	ssettm $0x7FFFFFFF  }
tec
execute0_lowered:
.L_overlay_start_1:
0x0: {  	(tag) =	ssettag $0x1  }
0x1: {  	s0 =	rddreg [dreg:$0x0]  }
0x2: {  	s1 =	rddreg [dreg:$0x1]  }
0x3: {  	s2 =	rddreg [dreg:$0x2]  }
0x4: {  	s4 =	srdreg.scid;
	s5 =	stileid.u32  }
0x5: {  	s3 =	simm.s32 $0x0;
	s15 =	simm.s32 $0x1000;
	s16 =	simm.s32 $0x7D  }
0x6: {  	s17 =	simm.s32 $0x2000;
	s18 =	simm.s32 $0x1;
	s20 =	simm.s32 $0x3F40  }
0x7: {  	s21 =	simm.s32 $0x2;
	s30 =	simm.s32 $0x0;
	s7 =	smul.u32 $0x1400, s5  }
0x8: {  	s6 =	sand.u32 $0x1, s4;
	[smem:$0x7FF] =	sst s3;
	s22 =	smul.u32 $0x28000, s5  }
0x9: {  	s4 =	sadd.s32 $0x3C00, s0;
	s12 =	sadd.s32 $0xB8E00, s0;
	s11 =	smul.u32 $0x2800, s5  }
0xa: {  	s9 =	sadd.s32 $0x17600, s0;
	s26 =	sshll.u32 s5, $0x6;
	s8 =	smul.u32 $0x14000, s6  }
0xb: {  	_ =	strace $0x8000004D;
	[dreg:$0x4] =	wrdreg s9;
	s23 =	ssub.s32 $0x2, s6  }
0xc: {  	s24 =	smul.u32 $0x28000, s6;
	s6 =	sshll.u32 s6, $0x4;
	s10 =	sshrl.u32 s23, $0x1  }
0xd: {  	s6 =	sor.u32 s5, s6;
	s25 =	sshrl.u32 s22, $0x2;
	s22 =	simm.s32 $0x3  }
0xe: {  	s7 =	sadd.s32 s7, s8;
	s10 =	ssub.s32 s23, s10;
	s13 =	smul.u32 $0x500, s6  }
0xf: {  	s9 =	sadd.s32 s11, s24;
	s14 =	sadd.s32 s25, s2;
	s6 =	sor.u32 $0x1C05, s26  }
0x10: {  	s23 =	simm.s32 $0x4;
	s0 =	sadd.s32 s7, s0;
	s9 =	sor.u32 $0x100, s9  }
0x11: {  	s10 =	smax.u32 s10, $0x1;
	s28 =	sadd.s32 s12, s13;
	s29 =	sadd.s32 s1, s13  }
0x12: {  	s31 =	sshrl.u32 s9, $0x3;
	s0 =	sadd.s32 $0x66600, s0;
	[dreg:$0x5] =	wrdreg s28  }
0x13: {  	s13 =	sshrl.u32 s14, $0x3;
	s14 =	simm.s32 $0x5;
	[dreg:$0x6] =	wrdreg s29  }
0x14: {  	[dreg:$0x7] =	wrdreg s0;
	s11 =	sadd.s32 s31, s1;
	s12 =	sadd.s32 s31, s12  }
.LBB2_1:
0x15: {  	s0 =	rddreg [dreg:$0x4]  }
0x16: {  	[spmem:s13], [sflag:s6] =	dma.local [hbm:s0], $0x1400  }
0x17: {  	_ =	swait.ge [sflag:s14], $0x1400  }
0x18: {  	[sflag:s14] =	ssyncset.done $0x0  }
0x19: {  	s1 =	rddreg [dreg:$0x5];
	[sflag:s14] =	ssyncadd.s32 $0xFFFFEC00  }
0x1a: {  	[tilespmem:s3], [sflag:$0x5] =	stream.linear.gather [hbm4b:s1+s3], $0x800, $0x38;
	[tilespmem:$0xFE80] =	vst v63  }
0x1b: {  	_ =	swait.ge [sflag:s14], $0x800  }
0x1c: {  	[sflag:s14] =	ssyncset.done $0x0  }
0x1d: {  	s5 =	rddreg [dreg:$0x6];
	[sflag:s14] =	ssyncadd.s32 $0xFFFFF800  }
0x1e: {  	[tilespmem:s15], [sflag:$0x5] =	stream.linear.gather [hbm4b:s5+s3], $0x800, $0x38;
	[tilespmem:$0xFE80] =	vst v63  }
0x1f: {  	_ =	swait.ge [sflag:s14], $0x800  }
0x20: {  	[sflag:s14] =	ssyncset.done $0x0  }
0x21: {  	[sflag:s14] =	ssyncadd.s32 $0xFFFFF800  }
0x22: {  	[bflag:$0x0] =	sbarrier.arrive $0xFFFF  }
0x23: {  	[tilespmem:s17], [sflag:$0x1] =	stream.indirect.gather [hbm4b:s4+s16], $0x40, s3, s16, $0xb8;
	[tilespmem:$0xFE80] =	vst v63  }
0x24: {  	_ =	swait.ge [sflag:s18], $0x1F40  }
0x25: {  	[sflag:s18] =	ssyncset.done $0x0  }
0x26: {  	s8 =	sand.u32 $0x7, s3;
	[sflag:s18] =	ssyncadd.s32 $0xFFFFE0C0  }
0x27: {  	[spmem:s2] =	stream.indirect.scatter.add.f32 [tilespmem:s17], [sflag:$0x3], $0x40, s15, s16, $0xb8;
	[tilespmem:$0xFE80] =	vst v63  }
0x28: {  	s7 =	simm.s32 $0x80;
	s31 =	simm.s32 $0x100;
	p0 =	seq.s32 s8, $0x7  }
0x29: {  	[tilespmem:s20], [sflag:$0x2] =	stream.indirect.gather [hbm4b:s4+s16], $0x40, s7, s16, $0xb8;
	[tilespmem:$0xFE80] =	vst v63  }
0x2a: {  	s0 =	sand.u32 @p0 $0x800, s31;
	s19 =	simm.s32 @p0 $0x5;
	s1 =	simm.s32 @p0 $0x0  }
0x2b: {  	[tilespmem:s0], [sflag:$0x5] =	stream.linear.gather @p0 [hbm4b:s12+s1], $0x800, $0x38;
	[tilespmem:$0xFE80] =	vst v63  }
0x2c: {  	_ =	swait.ge @p0 [sflag:s19], $0x800  }
0x2d: {  	[sflag:s19] =	ssyncset.done @p0 $0x0  }
0x2e: {  	s24 =	sor.u32 @p0 $0x1000, s0;
	[sflag:s19] =	ssyncadd.s32 @p0 $0xFFFFF800  }
0x2f: {  	[tilespmem:s24], [sflag:$0x5] =	stream.linear.gather @p0 [hbm4b:s11+s1], $0x800, $0x38;
	[tilespmem:$0xFE80] =	vst v63  }
0x30: {  	_ =	swait.ge @p0 [sflag:s19], $0x800  }
0x31: {  	[sflag:s19] =	ssyncset.done @p0 $0x0  }
0x32: {  	[sflag:s19] =	ssyncadd.s32 @p0 $0xFFFFF800  }
0x33: {  	_ =	swait.ge [sflag:s21], $0x1F40  }
0x34: {  	s9 =	sand.u32 $0xF00, s3;
	[sflag:s21] =	ssyncset.done $0x0  }
0x35: {  	s1 =	sor.u32 $0x1080, s9;
	[sflag:s21] =	ssyncadd.s32 $0xFFFFE0C0  }
0x36: {  	[spmem:s2] =	stream.indirect.scatter.add.f32 [tilespmem:s20], [sflag:$0x4], $0x40, s1, s16, $0xb8;
	[tilespmem:$0xFE80] =	vst v63  }
0x37: {  	s1 =	sand.u32 @!p0 $0x800, s31;
	_ =	swait.ge [sflag:s22], $0x1F40  }
0x38: {  	s19 =	sand.u32 $0x700, s31;
	s1 =	smov.u32 @p0 s0;
	[sflag:s22] =	ssyncset.done $0x0  }
0x39: {  	s24 =	sor.u32 s19, s1;
	[sflag:s22] =	ssyncadd.s32 $0xFFFFE0C0  }
0x3a: {  	[tilespmem:s17], [sflag:$0x1] =	stream.indirect.gather [hbm4b:s4+s16], $0x40, s24, s16, $0xb8;
	[tilespmem:$0xFE80] =	vst v63  }
0x3b: {  	s26 =	simm.s32 $0x180;
	s28 =	simm.s32 $0x1;
	_ =	swait.ge [sflag:s18], $0x1F40  }
0x3c: {  	s25 =	simm.s32 $0x2;
	s28 =	sand.u32 $0x7, s28;
	[sflag:s18] =	ssyncset.done $0x0  }
0x3d: {  	s29 =	sand.u32 $0xF80, s26;
	s19 =	sor.u32 $0x1000, s24;
	[sflag:s18] =	ssyncadd.s32 $0xFFFFE0C0  }
0x3e: {  	[spmem:s2] =	stream.indirect.scatter.add.f32 [tilespmem:s17], [sflag:$0x3], $0x40, s19, s16, $0xb8;
	[tilespmem:$0xFE80] =	vst v63  }
0x3f: {  	s0 =	sand.u32 $0xF00, s31;
	s1 =	simm.s32 $0x280;
	_ =	swait.ge [sflag:s23], $0x1F40  }
0x40: {  	s24 =	sadd.s32 $0x20, s12;
	s19 =	sadd.s32 $0x20, s11;
	[sflag:s23] =	ssyncset.done $0x0  }
.LBB2_2:
0x41: {  	s31 =	sadd.s32 $0x100, s31;
	p1 =	seq.s32 s28, $0x7  }
0x42: {  	[sflag:s23] =	ssyncadd.s32 $0xFFFFE0C0;
	s26 =	smov.u32 s1;
	s28 =	smov.u32 s25  }
0x43: {  	[tilespmem:s20], [sflag:$0x2] =	stream.indirect.gather [hbm4b:s4+s16], $0x40, s29, s16, $0xb8;
	[tilespmem:$0xFE80] =	vst v63  }
0x44: {  	s1 =	sand.u32 @p1 $0x800, s31;
	s29 =	simm.s32 @p1 $0x0;
	s5 =	simm.s32 @p1 $0x5  }
0x45: {  	[tilespmem:s1], [sflag:$0x5] =	stream.linear.gather @p1 [hbm4b:s24+s29], $0x800, $0x38;
	[tilespmem:$0xFE80] =	vst v63  }
0x46: {  	s8 =	sand.u32 @!p1 $0x800, s31;
	s7 =	sor.u32 @p1 $0x1000, s1;
	_ =	swait.ge @p1 [sflag:s5], $0x800  }
0x47: {  	s9 =	sand.u32 $0xF00, s31;
	s8 =	smov.u32 @p1 s1;
	[sflag:s5] =	ssyncset.done @p1 $0x0  }
0x48: {  	s25 =	sadd.s32 $0x1, s25;
	s1 =	sadd.s32 $0x180, s31;
	[sflag:s5] =	ssyncadd.s32 @p1 $0xFFFFF800  }
0x49: {  	[tilespmem:s7], [sflag:$0x5] =	stream.linear.gather @p1 [hbm4b:s19+s29], $0x800, $0x38;
	[tilespmem:$0xFE80] =	vst v63  }
0x4a: {  	p0 =	sne.s32 s25, $0x26;
	_ =	swait.ge @p1 [sflag:s5], $0x800  }
0x4b: {  	[sflag:s5] =	ssyncset.done @p1 $0x0  }
0x4c: {  	[sflag:s5] =	ssyncadd.s32 @p1 $0xFFFFF800  }
0x4d: {  	_ =	swait.ge [sflag:s21], $0x1F40  }
0x4e: {  	[sflag:s21] =	ssyncset.done $0x0  }
0x4f: {  	s5 =	sor.u32 $0x1080, s0;
	s0 =	smov.u32 s9;
	[sflag:s21] =	ssyncadd.s32 $0xFFFFE0C0  }
0x50: {  	[spmem:s2] =	stream.indirect.scatter.add.f32 [tilespmem:s20], [sflag:$0x4], $0x40, s5, s16, $0xb8;
	[tilespmem:$0xFE80] =	vst v63  }
0x51: {  	_ =	swait.ge [sflag:s22], $0x1F40  }
0x52: {  	s5 =	sand.u32 $0x700, s31;
	[sflag:s22] =	ssyncset.done $0x0  }
0x53: {  	s5 =	sor.u32 s5, s8;
	[sflag:s22] =	ssyncadd.s32 $0xFFFFE0C0  }
0x54: {  	[tilespmem:s17], [sflag:$0x1] =	stream.indirect.gather [hbm4b:s4+s16], $0x40, s5, s16, $0xb8;
	[tilespmem:$0xFE80] =	vst v63  }
0x55: {  	_ =	swait.ge [sflag:s18], $0x1F40  }
.Ltmp0:
0x56: {  	[sflag:s18] =	ssyncset.done $0x0;
	(pc) =	sbr.rel @p0 .LBB2_2-.Ltmp0, $4  }
0x57: {  	s5 =	sor.u32 $0x1000, s5;
	[sflag:s18] =	ssyncadd.s32 $0xFFFFE0C0  }
0x58: {  	[spmem:s2] =	stream.indirect.scatter.add.f32 [tilespmem:s17], [sflag:$0x3], $0x40, s5, s16, $0xb8;
	[tilespmem:$0xFE80] =	vst v63  }
0x59: {  	s24 =	sadd.s32 $0x20, s24;
	s19 =	sadd.s32 $0x20, s19;
	_ =	swait.ge [sflag:s23], $0x1F40  }
0x5a: {  	s28 =	sand.u32 $0x7, s28;
	s29 =	sand.u32 $0xF80, s26;
	[sflag:s23] =	ssyncset.done $0x0  }
0x5b: {  	s5 =	sadd.s32 $0x100, s31;
	p0 =	seq.s32 s28, $0x7;
	[sflag:s23] =	ssyncadd.s32 $0xFFFFE0C0  }
0x5c: {  	[tilespmem:s20], [sflag:$0x2] =	stream.indirect.gather [hbm4b:s4+s16], $0x40, s29, s16, $0xb8;
	[tilespmem:$0xFE80] =	vst v63  }
0x5d: {  	s7 =	sand.u32 @p0 $0x800, s5;
	s8 =	simm.s32 @p0 $0x0;
	s9 =	simm.s32 @p0 $0x5  }
0x5e: {  	[tilespmem:s7], [sflag:$0x5] =	stream.linear.gather @p0 [hbm4b:s24+s8], $0x800, $0x38;
	[tilespmem:$0xFE80] =	vst v63  }
0x5f: {  	_ =	swait.ge @p0 [sflag:s9], $0x800  }
0x60: {  	[sflag:s9] =	ssyncset.done @p0 $0x0  }
0x61: {  	s24 =	sor.u32 @p0 $0x1000, s7;
	[sflag:s9] =	ssyncadd.s32 @p0 $0xFFFFF800  }
0x62: {  	[tilespmem:s24], [sflag:$0x5] =	stream.linear.gather @p0 [hbm4b:s19+s8], $0x800, $0x38;
	[tilespmem:$0xFE80] =	vst v63  }
0x63: {  	_ =	swait.ge @p0 [sflag:s9], $0x800  }
0x64: {  	[sflag:s9] =	ssyncset.done @p0 $0x0  }
0x65: {  	[sflag:s9] =	ssyncadd.s32 @p0 $0xFFFFF800  }
0x66: {  	_ =	swait.ge [sflag:s21], $0x1F40  }
0x67: {  	[sflag:s21] =	ssyncset.done $0x0  }
0x68: {  	s0 =	sor.u32 $0x1080, s0;
	[sflag:s21] =	ssyncadd.s32 $0xFFFFE0C0  }
0x69: {  	[spmem:s2] =	stream.indirect.scatter.add.f32 [tilespmem:s20], [sflag:$0x4], $0x40, s0, s16, $0xb8;
	[tilespmem:$0xFE80] =	vst v63  }
0x6a: {  	s0 =	sand.u32 @!p0 $0x800, s5;
	_ =	swait.ge [sflag:s22], $0x1F40  }
0x6b: {  	s5 =	sand.u32 $0x700, s5;
	s0 =	smov.u32 @p0 s7;
	[sflag:s22] =	ssyncset.done $0x0  }
0x6c: {  	s0 =	sor.u32 s5, s0;
	[sflag:s22] =	ssyncadd.s32 $0xFFFFE0C0  }
0x6d: {  	[tilespmem:s17], [sflag:$0x1] =	stream.indirect.gather [hbm4b:s4+s16], $0x40, s0, s16, $0xb8;
	[tilespmem:$0xFE80] =	vst v63  }
0x6e: {  	_ =	swait.ge [sflag:s18], $0x1F40  }
0x6f: {  	[sflag:s18] =	ssyncset.done $0x0  }
0x70: {  	s0 =	sor.u32 $0x1000, s0;
	[sflag:s18] =	ssyncadd.s32 $0xFFFFE0C0  }
0x71: {  	[spmem:s2] =	stream.indirect.scatter.add.f32 [tilespmem:s17], [sflag:$0x3], $0x40, s0, s16, $0xb8;
	[tilespmem:$0xFE80] =	vst v63  }
0x72: {  	_ =	swait.ge [sflag:s23], $0x1F40  }
0x73: {  	[sflag:s23] =	ssyncset.done $0x0  }
0x74: {  	s19 =	sand.u32 $0xF80, s1;
	[sflag:s23] =	ssyncadd.s32 $0xFFFFE0C0  }
0x75: {  	[tilespmem:s20], [sflag:$0x2] =	stream.indirect.gather [hbm4b:s4+s16], $0x40, s19, s16, $0xb8;
	[tilespmem:$0xFE80] =	vst v63  }
0x76: {  	_ =	swait.ge [sflag:s21], $0x1F40  }
0x77: {  	[sflag:s21] =	ssyncset.done $0x0  }
0x78: {  	s24 =	simm.s32 $0x1680;
	[sflag:s21] =	ssyncadd.s32 $0xFFFFE0C0  }
0x79: {  	[spmem:s2] =	stream.indirect.scatter.add.f32 [tilespmem:s20], [sflag:$0x4], $0x40, s24, s16, $0xb8;
	[tilespmem:$0xFE80] =	vst v63  }
0x7a: {  	_ =	swait.ge [sflag:s22], $0x1F40  }
0x7b: {  	[sflag:s22] =	ssyncset.done $0x0  }
0x7c: {  	s25 =	simm.s32 $0x700;
	[sflag:s22] =	ssyncadd.s32 $0xFFFFE0C0  }
0x7d: {  	[tilespmem:s17], [sflag:$0x1] =	stream.indirect.gather [hbm4b:s4+s16], $0x40, s25, s16, $0xb8;
	[tilespmem:$0xFE80] =	vst v63  }
0x7e: {  	_ =	swait.ge [sflag:s18], $0x1F40  }
0x7f: {  	[sflag:s18] =	ssyncset.done $0x0  }
0x80: {  	s26 =	simm.s32 $0x1700;
	[sflag:s18] =	ssyncadd.s32 $0xFFFFE0C0  }
0x81: {  	[spmem:s2] =	stream.indirect.scatter.add.f32 [tilespmem:s17], [sflag:$0x3], $0x40, s26, s16, $0xb8;
	[tilespmem:$0xFE80] =	vst v63  }
0x82: {  	_ =	swait.ge [sflag:s23], $0x1F40  }
0x83: {  	[sflag:s23] =	ssyncset.done $0x0  }
0x84: {  	s28 =	simm.s32 $0x780;
	[sflag:s23] =	ssyncadd.s32 $0xFFFFE0C0  }
0x85: {  	[tilespmem:s20], [sflag:$0x2] =	stream.indirect.gather [hbm4b:s4+s16], $0x40, s28, s16, $0xb8;
	[tilespmem:$0xFE80] =	vst v63  }
0x86: {  	_ =	swait.ge [sflag:s21], $0x1F40  }
0x87: {  	[sflag:s21] =	ssyncset.done $0x0  }
0x88: {  	s29 =	simm.s32 $0x1780;
	[sflag:s21] =	ssyncadd.s32 $0xFFFFE0C0  }
0x89: {  	[spmem:s2] =	stream.indirect.scatter.add.f32 [tilespmem:s20], [sflag:$0x4], $0x40, s29, s16, $0xb8;
	[tilespmem:$0xFE80] =	vst v63  }
0x8a: {  	_ =	swait.ge [sflag:s22], $0x1F40  }
0x8b: {  	[sflag:s22] =	ssyncset.done $0x0  }
0x8c: {  	[sflag:s22] =	ssyncadd.s32 $0xFFFFE0C0  }
0x8d: {  	_ =	swait.ge [sflag:s23], $0x1F40  }
0x8e: {  	[sflag:s23] =	ssyncset.done $0x0  }
0x8f: {  	s30 =	sadd.s32 $0x1, s30;
	[sflag:s23] =	ssyncadd.s32 $0xFFFFE0C0  }
0x90: {  	p0 =	sne.s32 s30, s10;
	[bflag:$0x0] =	sbarrier.arrive $0xFFFF  }
.Ltmp1:
0x91: {  	s31 =	rddreg [dreg:$0x7];
	(pc) =	sbr.rel @p0 .LBB2_1-.Ltmp1, $4  }
0x92: {  	[hbm:s31], [sflag:s6] =	dma.local [spmem:s13], $0x1400  }
0x93: {  	_ =	swait.ge [sflag:s14], $0x1400  }
0x94: {  	[sflag:s14] =	ssyncset.done $0x0  }
0x95: {  	[sflag:s14] =	ssyncadd.s32 $0xFFFFEC00  }
0x96: {  	_ =	sfence.sel $0x180000  }
0x97: {  	[bflag:$0x0] =	sbarrier.arrive $0xFFFF  }
0x98: {  	_ =	strace $0x9000004D  }
0x99: {  	s0 =	stileid.u32;
	[bflag:$0x2] =	sbarrier.arrive $0xFFFF  }
0x9a: {  	p0 =	sne.s32 s0, $0x0;
	s0 =	rddreg [dreg:$0x3]  }
0x9b: {  	s0 =	sadd.s32 @!p0 $0x100000, s0  }
0x9c: {  	[sflag:s0] =	ssyncadd.tile.s32 @!p0 $0x1;
	_ =	shalt  }
.Lfunc_end2:
_tile_overlayer_lowered:
.L_overlay_start_2:
0x9d: {  	(tag) =	ssettag $0x2  }
0x9e: {  	s0 =	rddreg [dreg:$0x0];
	s2 =	stileid.u32  }
0x9f: {  	s1 =	rddreg [dreg:$0x1];
	p0 =	sne.s32 s2, $0x0  }
0xa0: {  	s3 =	rddreg [dreg:$0x2];
	[bflag:$0x3] =	sbarrier.arrive $0xFFFF;
	s2 =	simm.s32 @!p0 $0x1C05  }
0xa1: {  	[timem:s3], [sflag:s2] =	dma.local @!p0 [hbm:s0], s1  }
0xa2: {  	s0 =	simm.s32 @!p0 $0x5  }
0xa3: {  	_ =	swait.ge @!p0 [sflag:s0], s1  }
0xa4: {  	s1 =	ssub.s32 @!p0 $0x0, s1;
	[sflag:s0] =	ssyncset.done @!p0 $0x0  }
0xa5: {  	[sflag:s0] =	ssyncadd.s32 @!p0 s1  }
0xa6: {  	[bflag:$0x3] =	sbarrier.arrive $0xFFFF  }
0xa7: {  	_ =	shalt  }

// kernel: kernel.8.cloned.1.call-start
scs
__scs_entry_jumppad:
0x0: {  	(pc) =	sbr.rel $0x88, $3  }
0x1: {  	(tag) =	ssettag $0x0;
	lr =	simm.s32 $0x1  }
0x2: {  	[smem:$0x3F93] =	sst lr;
	_ =	strace $0xD0000000  }
0x3: {  	_ = 	snop  }
0x4: {  	_ = 	snop  }
0x5: {  	_ = 	snop  }
0x6: {  	_ = 	snop  }
0x7: {  	_ = 	snop  }
__scs_overlays_trampoline_lowered:
0x8: {  	[smem:$0x3FA2] =	sst s0  }
0x9: {  	[smem:$0x3FA3] =	sst s1  }
0xa: {  	[smem:$0x3FA4] =	sst s2  }
0xb: {  	[smem:$0x3FA5] =	sst s3  }
0xc: {  	[smem:$0x3FA6] =	sst s4  }
0xd: {  	[smem:$0x3FA7] =	sst s5  }
0xe: {  	[smem:$0x3FA8] =	sst s6  }
0xf: {  	[smem:$0x3FA9] =	sst s7  }
0x10: {  	[smem:$0x3FAA] =	sst s8  }
0x11: {  	[smem:$0x3FAB] =	sst s9;
	s0 =	simm.s32 @!p0 $0x0  }
0x12: {  	s1 =	sld [smem:$0x3F91];
	s0 =	simm.s32 @p0 $0x1  }
0x13: {  	[smem:$0x3FAC] =	sst s0;
	s0 =	simm.s32 @!p1 $0x0  }
0x14: {  	s2 =	sld [smem:$0x3F90];
	s0 =	simm.s32 @p1 $0x1  }
0x15: {  	[smem:$0x3FAD] =	sst s0;
	s0 =	simm.s32 @!p2 $0x0  }
0x16: {  	s3 =	sld [smem:$0x3FDB];
	s0 =	simm.s32 @p2 $0x1  }
0x17: {  	s4 =	simm.s32 $0x1BF5;
	[smem:$0x3FAF] =	sst s0  }
0x18: {  	s0 =	sld [smem:$0x3F92];
	_ =	swait.ge [sflag:s4], $0x0  }
0x19: {  	s7 =	sld [smem:$0x3F93]  }
0x1a: {  	s8 =	sadd.s32 $0xFFFFE003, lr  }
0x1b: {  	s9 =	sadd.s32 $0xFFFFFEF7, lr;
	s5 =	simm.s32 $0xFFFFFFFF;
	p2 =	slt.u32 s8, $0xFFFFF086  }
0x1c: {  	p1 =	slt.u32 s9, $0xF7A;
	s5 =	simm.s32 @!p2 $0x0  }
0x1d: {  	s5 =	simm.s32 @p1 $0x1;
	p0 =	seq.s32 s7, s2  }
0x1e: {  	s7 =	smul.u32 @!p0 $0xF7A, s2;
	p2 =	seq.s32 @!p0 s5, $0x0  }
0x1f: {  	s9 =	smul.u32 $0xF7A, s1;
	s8 =	simm.s32 @!p0 $0x1BF5;
	p2 =	por !p2, p0  }
0x20: {  	[sflag:s8] =	ssyncset.s32 @!p0 $0xFFFFF086;
	s6 =	sadd.s32 @!p0 s3, s7;
	s7 =	simm.s32 @!p0 $0x108  }
0x21: {  	s3 =	sadd.s32 s3, s9;
	s6 =	sadd.s32 @!p0 $0x88, s6;
	s7 =	simm.s32 @p2 $0x1082  }
0x22: {  	[simem:s7], [sflag:s8] =	dma.local @!p0 [hbm:s6], $0xF7A  }
0x23: {  	s9 =	sor.u32 $0xD0000000, s2;
	s6 =	simm.s32 $0x108;
	_ =	swait.ge @!p0 [sflag:s8], $0x0  }
0x24: {  	s3 =	sadd.s32 $0x88, s3;
	s6 =	simm.s32 @!p1 $0x1082;
	[sflag:s4] =	ssyncset.s32 $0xFFFFF086  }
0x25: {  	[simem:s6], [sflag:s4] =	dma.local [hbm:s3], $0xF7A  }
0x26: {  	[smem:$0x3F93] =	sst s1;
	(tag) =	ssettag s2;
	_ =	strace s9  }
0x27: {  	s1 =	sld [smem:$0x3FA3]  }
0x28: {  	s2 =	sld [smem:$0x3FA4]  }
0x29: {  	s4 =	sld [smem:$0x3FA6]  }
0x2a: {  	p0 =	seq.s32 s5, $0x0;
	s5 =	sld [smem:$0x3FA7]  }
0x2b: {  	s6 =	sld [smem:$0x3FA8]  }
0x2c: {  	s7 =	sld [smem:$0x3FA9]  }
0x2d: {  	s3 =	simm.s32 $0x108;
	s8 =	sld [smem:$0x3FAA]  }
0x2e: {  	s3 =	simm.s32 @!p0 $0x1082;
	s9 =	sld [smem:$0x3FAB]  }
0x2f: {  	lr =	sadd.s32 s0, s3;
	s0 =	sld [smem:$0x3FA2]  }
0x30: {  	s3 =	sld [smem:$0x3FA5]  }
0x31: {  	[smem:$0x3FAE] =	sst s10  }
0x32: {  	s10 =	sld [smem:$0x3FAC];
	_ =	sdelay $0x3  }
0x33: {  	p0 =	seq.s32 s10, $0x1;
	s10 =	sld [smem:$0x3FAE];
	_ =	sdelay $0x3  }
0x34: {  	[smem:$0x3FAE] =	sst s10  }
0x35: {  	s10 =	sld [smem:$0x3FAD];
	_ =	sdelay $0x3  }
0x36: {  	p1 =	seq.s32 s10, $0x1;
	s10 =	sld [smem:$0x3FAE];
	_ =	sdelay $0x3  }
0x37: {  	[smem:$0x3FAE] =	sst s10  }
0x38: {  	s10 =	sld [smem:$0x3FAF]  }
0x39: {  	_ = 	snop;
	(pc) =	sbr.ind lr, $3  }
0x3a: {  	_ = 	snop  }
0x3b: {  	_ = 	snop  }
0x3c: {  	p2 =	seq.s32 s10, $0x1;
	s10 =	sld [smem:$0x3FAE]  }
0x3d: {  	_ =	shalt  }
0x3e: {  	_ =	shalt  }
0x3f: {  	_ =	shalt  }
0x40: {  	_ =	shalt  }
0x41: {  	_ =	shalt  }
0x42: {  	_ =	shalt  }
0x43: {  	_ =	shalt  }
0x44: {  	_ =	shalt  }
0x45: {  	_ =	shalt  }
0x46: {  	_ =	shalt  }
0x47: {  	_ =	shalt  }
0x48: {  	_ =	shalt  }
0x49: {  	_ =	shalt  }
0x4a: {  	_ =	shalt  }
0x4b: {  	_ =	shalt  }
0x4c: {  	_ =	shalt  }
0x4d: {  	_ =	shalt  }
0x4e: {  	_ =	shalt  }
0x4f: {  	_ =	shalt  }
0x50: {  	_ =	shalt  }
0x51: {  	_ =	shalt  }
0x52: {  	_ =	shalt  }
0x53: {  	_ =	shalt  }
0x54: {  	_ =	shalt  }
0x55: {  	_ =	shalt  }
0x56: {  	_ =	shalt  }
0x57: {  	_ =	shalt  }
0x58: {  	_ =	shalt  }
0x59: {  	_ =	shalt  }
0x5a: {  	_ =	shalt  }
0x5b: {  	_ =	shalt  }
0x5c: {  	_ =	shalt  }
0x5d: {  	_ =	shalt  }
0x5e: {  	_ =	shalt  }
0x5f: {  	_ =	shalt  }
0x60: {  	_ =	shalt  }
0x61: {  	_ =	shalt  }
0x62: {  	_ =	shalt  }
0x63: {  	_ =	shalt  }
0x64: {  	_ =	shalt  }
0x65: {  	_ =	shalt  }
0x66: {  	_ =	shalt  }
0x67: {  	_ =	shalt  }
0x68: {  	_ =	shalt  }
0x69: {  	_ =	shalt  }
0x6a: {  	_ =	shalt  }
0x6b: {  	_ =	shalt  }
0x6c: {  	_ =	shalt  }
0x6d: {  	_ =	shalt  }
0x6e: {  	_ =	shalt  }
0x6f: {  	_ =	shalt  }
0x70: {  	_ =	shalt  }
0x71: {  	_ =	shalt  }
0x72: {  	_ =	shalt  }
0x73: {  	_ =	shalt  }
0x74: {  	_ =	shalt  }
0x75: {  	_ =	shalt  }
0x76: {  	_ =	shalt  }
0x77: {  	_ =	shalt  }
0x78: {  	_ =	shalt  }
0x79: {  	_ =	shalt  }
0x7a: {  	_ =	shalt  }
0x7b: {  	_ =	shalt  }
0x7c: {  	_ =	shalt  }
0x7d: {  	_ =	shalt  }
0x7e: {  	_ =	shalt  }
0x7f: {  	_ =	shalt  }
0x80: {  	_ =	shalt  }
0x81: {  	_ =	shalt  }
0x82: {  	_ =	shalt  }
0x83: {  	_ =	shalt  }
0x84: {  	_ =	shalt  }
0x85: {  	_ =	shalt  }
0x86: {  	_ =	shalt  }
0x87: {  	_ =	shalt  }
.Lfunc_end0:
.L_simem_size_0:
called_computation_lowered:
.L_overlay_start_0:
0x88: {  	s2 =	sld [smem:$0x3FD9]  }
0x89: {  	s3 =	sld [smem:$0x3FFE];
	_ =	sdelay $0x1  }
0x8a: {  	s1 =	srdreg.scid  }
0x8b: {  	s0 =	sand.u32 $0x1, s1  }
0x8c: {  	s14 =	sshll.u32 s0, $0xA;
	s2 =	sadd.s32 s3, s2  }
0x8d: {  	s2 =	sadd.s32 s2, s14  }
0x8e: {  	[smem:$0x3FBA] =	sst s2  }
0x8f: {  	_ = 	snop  }
0x90: {  	s2 =	sld [smem:$0x3FD0];
	_ =	sdelay $0x2  }
0x91: {  	s15 =	simm.s32 $0xA;
	s4 =	simm.s32 $0x10  }
0x92: {  	[smem:s4], [sflag:s15] =	dma.local [hbm:s2], $0x1  }
0x93: {  	_ =	swait.eq [sflag:s15], $0x1  }
0x94: {  	[sflag:s15] =	ssyncset.done $0x0  }
0x95: {  	s16 =	sld [smem:$0x10];
	[sflag:s15] =	ssyncadd.s32 $0xFFFFFFFF  }
0x96: {  	s17 =	sld [smem:$0x11];
	(tm) =	ssettm $0x1  }
0x97: {  	s18 =	sld [smem:$0x3FFB];
	_ =	sdelay $0x3  }
0x98: {  	_ =	strace s18  }
0x99: {  	s4 =	sld [smem:$0x3FFC];
	_ =	sdelay $0x3  }
0x9a: {  	_ =	strace s4  }
0x9b: {  	s4 =	sld [smem:$0x3FFD];
	_ =	sdelay $0x3  }
0x9c: {  	_ =	strace s4  }
0x9d: {  	_ =	strace $0x8FFFFFFF  }
0x9e: {  	s19 =	sld [smem:$0x3FDB];
	_ =	sdelay $0x1  }
0x9f: {  	s5 =	simm.s32 $_scs_section_size  }
0xa0: {  	s6 =	simm.s32 $_size__tile_overlayer_lowered;
	s7 =	simm.s32 $_tile_overlayer_lowered  }
0xa1: {  	s22 =	simm.s32 $0x1BFF;
	s21 =	sshll.u32 s7, $0x1;
	s4 =	sadd.s32 s5, s19  }
0xa2: {  	s8 =	simm.s32 $0x0;
	s20 =	sshll.u32 s6, $0x1;
	s6 =	sadd.s32 s21, s4  }
0xa3: {  	[timem:s8], [sflag:s22] =	dma.local [hbm:s6], s20  }
0xa4: {  	_ =	swait.ge [sflag:s22], s20  }
0xa5: {  	s5 =	ssub.s32 $0x0, s20;
	[sflag:s22] =	ssyncset.done $0x0  }
0xa6: {  	[sflag:s22] =	ssyncadd.s32 s5;
	_ =	sdelay $0x1  }
0xa7: {  	s23 =	simm.s32 $0x1B8B  }
0xa8: {  	_ =	swait.ge [sflag:s23], $0x1  }
0xa9: {  	[sflag:s23] =	ssyncset.done $0x0  }
0xaa: {  	s25 =	simm.s32 $0x1B8E;
	s24 =	sld [smem:$0x3FFE];
	[sflag:s23] =	ssyncadd.s32 $0xFFFFFFFF  }
0xab: {  	s26 =	simm.s32 $execute0_lowered;
	[smem:$0x3FD2] =	sst s25  }
0xac: {  	s6 =	sshll.u32 s26, $0x1;
	_ =	strace $0x80000046;
	[dreg:$0x1] =	wrdreg $0xFFFFFFFF  }
0xad: {  	s28 =	simm.s32 $_size_execute0_lowered;
	s4 =	sadd.s32 s4, s6;
	[dreg:$0x0] =	wrdreg $0x0  }
0xae: {  	s6 =	sshll.u32 s28, $0x1;
	[dreg:$0x2] =	wrdreg s4  }
0xaf: {  	[dreg:$0x3] =	wrdreg s6  }
0xb0: {  	[dreg:$0x4] =	wrdreg $0xC0  }
0xb1: {  	_ =	task [dreg:s8], $0x5FFFF  }
0xb2: {  	[dreg:$0x1] =	wrdreg $0xFFFFFFFF  }
0xb3: {  	[dreg:$0x0] =	wrdreg $0x60  }
0xb4: {  	[dreg:$0x2] =	wrdreg s16  }
0xb5: {  	[dreg:$0x3] =	wrdreg s24  }
0xb6: {  	[dreg:$0x4] =	wrdreg s17  }
0xb7: {  	[dreg:$0x5] =	wrdreg $0x2BE80  }
0xb8: {  	[dreg:$0x6] =	wrdreg $0x9  }
0xb9: {  	_ =	task.clear_ibuf [dreg:s8], $0x7FFFF;
	_ =	strace $0x90000046  }
0xba: {  	s29 =	simm.s32 $0x9;
	_ =	strace $0x80000048  }
0xbb: {  	_ =	swait.ge [sflag:s29], $0x1  }
0xbc: {  	[sflag:s29] =	ssyncadd.s32 $0xFFFFFFFF  }
0xbd: {  	_ =	strace $0x90000048  }
0xbe: {  	_ =	sfence  }
0xbf: {  	s30 =	sld [smem:$0x0];
	_ =	sdelay $0x2  }
0xc0: {  	s31 =	sshll.u32 s1, $0xD;
	s1 =	sshrl.u32 s1, $0x2  }
0xc1: {  	s3 =	sand.u32 $0x4000, s31;
	s1 =	sadd.s32 s1, s30  }
0xc2: {  	s0 =	sor.u32 s3, s0;
	s1 =	sshll.u32 s1, $0x11  }
0xc3: {  	s0 =	sor.u32 s1, s0  }
0xc4: {  	s0 =	sadd.s32 $0x8F2B, s0  }
0xc5: {  	[sflag:s0] =	ssyncadd.remote.s32 $0x1  }
0xc6: {  	_ =	sfence.sel $0xFFFF  }
0xc7: {  	[dreg:$0x0] =	wrdreg $0xFFFFFFFF;
	(pc) =	sbr.abs _section_cstart, $3  }
0xc8: {  	[dreg:$0x1] =	wrdreg $0xFFFFFFFF  }
0xc9: {  	_ =	task.clear_ibuf [dreg:s8], $0x2FFFF;
	_ =	strace $0x9FFFFFFF  }
0xca: {  	(tm) =	ssettm $0x7FFFFFFF  }
0xcb: {  	_ =	shalt  }
tec
execute0_lowered:
.L_overlay_start_1:
0x0: {  	(tag) =	ssettag $0x1  }
0x1: {  	s7 =	rddreg [dreg:$0x0]  }
0x2: {  	s5 =	rddreg [dreg:$0x1]  }
0x3: {  	s6 =	rddreg [dreg:$0x2]  }
0x4: {  	s1 =	rddreg [dreg:$0x3]  }
0x5: {  	s0 =	rddreg [dreg:$0x4]  }
0x6: {  	s3 =	simm.s32 $0x0;
	s4 =	srdreg.scid;
	s2 =	stileid.u32  }
0x7: {  	s14 =	simm.s32 $0x0;
	[smem:$0x7FF] =	sst s3;
	s9 =	smul.u32 $0x280, s2  }
0x8: {  	s8 =	sand.u32 $0x1, s4;
	s4 =	sadd.s32 $0xE000, s5;
	s12 =	smul.u32 $0x5000, s2  }
0x9: {  	s5 =	sadd.s32 $0xDC00, s5;
	s31 =	sshll.u32 s2, $0x6;
	_ =	strace $0x80000047  }
0xa: {  	s10 =	sshll.u32 s8, $0x4;
	s11 =	ssub.s32 $0x2, s8;
	s8 =	smul.u32 $0x2800, s8  }
0xb: {  	s10 =	sor.u32 s2, s10;
	s13 =	sshrl.u32 s11, $0x1;
	s12 =	sshrl.u32 s12, $0x2  }
0xc: {  	s9 =	sadd.s32 s6, s9;
	s6 =	sor.u32 $0x1C01, s31;
	s10 =	smul.u32 $0x500, s10  }
0xd: {  	s11 =	ssub.s32 s11, s13;
	s12 =	sadd.s32 s12, s1;
	s8 =	sadd.s32 s8, s9  }
0xe: {  	s13 =	simm.s32 $0x7D;
	s9 =	smax.u32 s11, $0x1;
	s11 =	simm.s32 $0x1  }
0xf: {  	s7 =	sadd.s32 s7, s10;
	s10 =	sshrl.u32 s12, $0x3;
	s12 =	simm.s32 $0x2800  }
.LBB2_1:
0x10: {  	[spmem:s10], [sflag:s6] =	dma.local [hbm:s5], $0x280  }
0x11: {  	_ =	swait.ge [sflag:s11], $0x280  }
0x12: {  	[sflag:s11] =	ssyncset.done $0x0  }
0x13: {  	[sflag:s11] =	ssyncadd.s32 $0xFFFFFD80  }
0x14: {  	[tilespmem:s12], [sflag:$0x1] =	stream.linear.gather [hbm4b:s4+s3], $0x3E8, $0x38;
	[tilespmem:$0x3FE8] =	vst v63  }
0x15: {  	_ =	swait.ge [sflag:s11], $0x3E8  }
0x16: {  	[sflag:s11] =	ssyncset.done $0x0  }
0x17: {  	[sflag:s11] =	ssyncadd.s32 $0xFFFFFC18  }
0x18: {  	[tilespmem:s3], [sflag:$0x1] =	stream.linear.gather [hbm4b:s7+s3], $0x2800, $0x38;
	[tilespmem:$0x3FE8] =	vst v63  }
0x19: {  	_ =	swait.ge [sflag:s11], $0x2800  }
0x1a: {  	[sflag:s11] =	ssyncset.done $0x0  }
0x1b: {  	[sflag:s11] =	ssyncadd.s32 $0xFFFFD800  }
0x1c: {  	s15 =	simm.s32 $0x0;
	[bflag:$0x0] =	sbarrier.arrive $0xFFFF  }
0x1d: {  	[spmem:s1] =	stream.indirect.scatter.add.f32 [tilespmem:s12], [sflag:$0x1], $0x8, s15, s13, $0xb8;
	[tilespmem:$0x3FE8] =	vst v63  }
0x1e: {  	_ =	swait.ge [sflag:s11], $0x3E8  }
0x1f: {  	s15 =	simm.s32 $0x200;
	[sflag:s11] =	ssyncset.done $0x0  }
.LBB2_2:
0x20: {  	s16 =	sshra.s32 s15, $0x2;
	[sflag:s11] =	ssyncadd.s32 $0xFFFFFC18;
	p0 =	sne.s32 s15, $0x9E00  }
0x21: {  	[spmem:s1] =	stream.indirect.scatter.add.f32 [tilespmem:s12], [sflag:$0x1], $0x8, s16, s13, $0xb8;
	[tilespmem:$0x3FE8] =	vst v63  }
.Ltmp0:
0x22: {  	_ = 	snop;
	(pc) =	sbr.rel @p0 .LBB2_2-.Ltmp0, $4  }
0x23: {  	_ = 	snop  }
0x24: {  	s15 =	sadd.s32 $0x200, s15  }
0x25: {  	_ =	swait.ge [sflag:s11], $0x3E8  }
0x26: {  	[sflag:s11] =	ssyncset.done $0x0  }
0x27: {  	s14 =	sadd.s32 $0x1, s14  }
0x28: {  	[sflag:s11] =	ssyncadd.s32 $0xFFFFFC18;
	p0 =	sne.s32 s14, s9  }
.Ltmp1:
0x29: {  	[bflag:$0x0] =	sbarrier.arrive $0xFFFF;
	(pc) =	sbr.rel @p0 .LBB2_1-.Ltmp1, $4  }
0x2a: {  	[hbm:s8], [sflag:s6] =	dma.local [spmem:s10], $0x280  }
0x2b: {  	_ =	swait.ge [sflag:s11], $0x280  }
0x2c: {  	[sflag:s11] =	ssyncset.done $0x0  }
0x2d: {  	[sflag:s11] =	ssyncadd.s32 $0xFFFFFD80  }
0x2e: {  	_ =	sfence.sel $0x180000  }
0x2f: {  	[bflag:$0x0] =	sbarrier.arrive $0xFFFF  }
0x30: {  	p0 =	sne.s32 s2, $0x0;
	_ =	strace $0x90000047  }
0x31: {  	s0 =	sadd.s32 @!p0 $0x100000, s0;
	[bflag:$0x2] =	sbarrier.arrive $0xFFFF  }
0x32: {  	[sflag:s0] =	ssyncadd.tile.s32 @!p0 $0x1;
	_ =	shalt  }
.Lfunc_end2:
_tile_overlayer_lowered:
.L_overlay_start_2:
0x33: {  	(tag) =	ssettag $0x2  }
0x34: {  	s0 =	rddreg [dreg:$0x0];
	s2 =	stileid.u32  }
0x35: {  	s1 =	rddreg [dreg:$0x1];
	p0 =	sne.s32 s2, $0x0  }
0x36: {  	s3 =	rddreg [dreg:$0x2];
	[bflag:$0x3] =	sbarrier.arrive $0xFFFF;
	s2 =	simm.s32 @!p0 $0x1C01  }
0x37: {  	[timem:s3], [sflag:s2] =	dma.local @!p0 [hbm:s0], s1  }
0x38: {  	s0 =	simm.s32 @!p0 $0x1  }
0x39: {  	_ =	swait.ge @!p0 [sflag:s0], s1  }
0x3a: {  	s1 =	ssub.s32 @!p0 $0x0, s1;
	[sflag:s0] =	ssyncset.done @!p0 $0x0  }
0x3b: {  	[sflag:s0] =	ssyncadd.s32 @!p0 s1  }
0x3c: {  	[bflag:$0x3] =	sbarrier.arrive $0xFFFF  }
0x3d: {  	_ =	shalt  }

</sc_bundles>
